<compile_context>
chip_gen: v7x
topology: tpu7x:2x2x1
jax: 0.10.2.dev20260603
libtpu: 0.0.44.dev20260713+nightly
codegen_flags: <defaults>
</compile_context>

<pallas_src>
import functools

import jax
import jax.numpy as jnp
from jax import lax
from jax.experimental import pallas as pl
from jax.experimental.pallas import tpu as pltpu
from jax.experimental.pallas import tpu_sc as plsc

N = 10000
E = 320000
D = 128
H = 64
W2 = 16
NC = 2
NS = 16
NPAD = 10240
RPT = NPAD // NS
CH = 128

BLK = 400

_mesh = plsc.VectorSubcoreMesh(core_axis_name="c", subcore_axis_name="s")
_sc_params = pltpu.CompilerParams(use_tc_tiling_on_sc=False)


def _dotT(a, b):
    return lax.dot_general(a, b, (((1,), (1,)), ((), ())),
                           preferred_element_type=jnp.float32)


def _tc_pre_body(x_ref, wp_ref, bp_ref, wl1_ref, wr1_ref, bl1_ref,
                 m1_ref, r1_ref):
    h0 = jnp.maximum(_dotT(x_ref[...], wp_ref[...]) + bp_ref[...], 0.0)
    m1 = _dotT(h0, wl1_ref[...])
    m1_ref[0] = m1[:, :H]
    m1_ref[1] = m1[:, H:]
    r1_ref[...] = _dotT(h0, wr1_ref[...]) + bl1_ref[...]


_tc_pre = pl.pallas_call(
    _tc_pre_body,
    grid=(N // BLK,),
    in_specs=[
        pl.BlockSpec((BLK, D), lambda i: (i, 0)),
        pl.BlockSpec((D, D), lambda i: (0, 0)),
        pl.BlockSpec((1, D), lambda i: (0, 0)),
        pl.BlockSpec((D, D), lambda i: (0, 0)),
        pl.BlockSpec((D, D), lambda i: (0, 0)),
        pl.BlockSpec((1, D), lambda i: (0, 0)),
    ],
    out_specs=[
        pl.BlockSpec((NC, BLK, H), lambda i: (0, i, 0)),
        pl.BlockSpec((BLK, D), lambda i: (i, 0)),
    ],
    out_shape=[
        jax.ShapeDtypeStruct((NC, N, H), jnp.float32),
        jax.ShapeDtypeStruct((N, D), jnp.float32),
    ],
)


E2 = 327680
NCHK = E2 // CH
ROWS1 = NCHK // NS
ROWS2 = NCHK // (NC * NS)
NB = 5


def _sc1_body(m1cat, src_e, dst_e, agg_out, deg_out,
              src_all, d0, d1, d2, d3, d4, rows, zbd, ones_v,
              acc_sh, deg_sh, g0, g1, g2, g3, g4,
              l0, l1, l2, l3, l4, ssem, dsem):
    c = lax.axis_index("c")
    s = lax.axis_index("s")
    is0 = c == 0
    gsem = (g0, g1, g2, g3, g4)
    lsem = (l0, l1, l2, l3, l4)
    dref = (d0, d1, d2, d3, d4)
    z16 = jnp.zeros((16,), jnp.float32)
    o16 = jnp.ones((16,), jnp.float32)

    pltpu.sync_copy(src_e.at[pl.ds(s * ROWS1, ROWS1), :], src_all)
    roff = c * N

    @pl.loop(0, ROWS1)
    def _off(i):
        for j in range(CH // 16):
            sl = pl.ds(16 * j, 16)
            src_all[i, sl] = src_all[i, sl] + roff

    @pl.loop(0, CH)
    def _fill(i):
        for j in range(H // 16):
            rows[0, i, pl.ds(16 * j, 16)] = z16
        zbd[i, :] = z16
        ones_v[i, :] = o16

    for t in range(RPT // CH):
        r0 = s * RPT + t * CH
        pltpu.sync_copy(rows.at[0], acc_sh.at[pl.ds(r0, CH), :])
        pltpu.sync_copy(zbd, deg_sh.at[pl.ds(r0, CH), :])

    plsc.subcore_barrier()

    rbase = s * ROWS1

    @pl.loop(0, ROWS1 // NB)
    def _grp(q):
        c0 = q * NB
        gd, ld = [], []
        for b in range(NB):
            t = c0 + b
            gd.append(pltpu.async_copy(
                m1cat.at[src_all.at[t]], rows.at[b], gsem[b]))
            ld.append(pltpu.async_copy(dst_e.at[rbase + t], dref[b],
                                       lsem[b]))
        sd, dd = [], []
        for b in range(NB):
            ld[b].wait()
            gd[b].wait()
            sd.append(pltpu.async_copy(rows.at[b], acc_sh.at[dref[b]], ssem,
                                       add=True))

            @pl.when(is0)
            def _deg():
                pltpu.async_copy(ones_v, deg_sh.at[dref[b]], dsem, add=True)

            dd.append(pltpu.make_async_copy(ones_v, deg_sh.at[dref[b]], dsem))
        for b in range(NB):
            sd[b].wait()

            @pl.when(is0)
            def _degw():
                dd[b].wait()

    plsc.subcore_barrier()

    @pl.when(s < NS - 1)
    def _out_full():
        r0 = s * RPT
        pltpu.sync_copy(acc_sh.at[pl.ds(r0, RPT), :],
                        agg_out.at[pl.ds(c * N + r0, RPT), :])

        @pl.when(is0)
        def _():
            pltpu.sync_copy(deg_sh.at[pl.ds(r0, RPT), :],
                            deg_out.at[pl.ds(r0, RPT), :])

    @pl.when(s == NS - 1)
    def _out_last():
        r0 = (NS - 1) * RPT
        nlast = N - r0
        pltpu.sync_copy(acc_sh.at[pl.ds(r0, nlast), :],
                        agg_out.at[pl.ds(c * N + r0, nlast), :])

        @pl.when(is0)
        def _():
            pltpu.sync_copy(deg_sh.at[pl.ds(r0, nlast), :],
                            deg_out.at[pl.ds(r0, nlast), :])


_sc_agg1 = pl.kernel(
    _sc1_body,
    out_type=(
        jax.ShapeDtypeStruct((NC * N, H), jnp.float32),
        jax.ShapeDtypeStruct((N, W2), jnp.float32),
    ),
    mesh=_mesh,
    scratch_types=(
        pltpu.VMEM((ROWS1, CH), jnp.int32),
        pltpu.VMEM((CH,), jnp.int32),
        pltpu.VMEM((CH,), jnp.int32),
        pltpu.VMEM((CH,), jnp.int32),
        pltpu.VMEM((CH,), jnp.int32),
        pltpu.VMEM((CH,), jnp.int32),
        pltpu.VMEM((NB, CH, H), jnp.float32),
        pltpu.VMEM((CH, W2), jnp.float32),
        pltpu.VMEM((CH, W2), jnp.float32),
        pltpu.VMEM_SHARED((NPAD, H), jnp.float32),
        pltpu.VMEM_SHARED((NPAD, W2), jnp.float32),
    ) + (pltpu.SemaphoreType.DMA,) * 12,
    compiler_params=_sc_params,
)


def _tc_mid_body(aggp_ref, deg_ref, r1_ref, wl2_ref, wr2_ref, bl2_ref,
                 m2_ref, aux_ref):
    agg = jnp.concatenate([aggp_ref[0], aggp_ref[1]], axis=1)
    degc = jnp.maximum(deg_ref[:, 0], 1.0)
    h1 = jnp.maximum(agg / degc[:, None] + r1_ref[...], 0.0)
    m2_ref[...] = _dotT(h1, wl2_ref[...])
    r2 = _dotT(h1, wr2_ref[...]) + bl2_ref[...]
    col = lax.broadcasted_iota(jnp.int32, (BLK, W2), 1)
    aux_ref[...] = jnp.where(col == 8, degc[:, None], r2)


_tc_mid = pl.pallas_call(
    _tc_mid_body,
    grid=(N // BLK,),
    in_specs=[
        pl.BlockSpec((NC, BLK, H), lambda i: (0, i, 0)),
        pl.BlockSpec((BLK, W2), lambda i: (i, 0)),
        pl.BlockSpec((BLK, D), lambda i: (i, 0)),
        pl.BlockSpec((W2, D), lambda i: (0, 0)),
        pl.BlockSpec((W2, D), lambda i: (0, 0)),
        pl.BlockSpec((1, W2), lambda i: (0, 0)),
    ],
    out_specs=[
        pl.BlockSpec((BLK, W2), lambda i: (i, 0)),
        pl.BlockSpec((BLK, W2), lambda i: (i, 0)),
    ],
    out_shape=[
        jax.ShapeDtypeStruct((N, W2), jnp.float32),
        jax.ShapeDtypeStruct((N, W2), jnp.float32),
    ],
)


def _sc2_body(m2pad, src_e, dst_e, agg_out,
              src_all, d0, d1, d2, d3, d4, rows, acc_sh,
              g0, g1, g2, g3, g4, l0, l1, l2, l3, l4, ssem):
    c = lax.axis_index("c")
    s = lax.axis_index("s")
    gsem = (g0, g1, g2, g3, g4)
    lsem = (l0, l1, l2, l3, l4)
    dref = (d0, d1, d2, d3, d4)
    z16 = jnp.zeros((16,), jnp.float32)

    rbase = c * (NCHK // NC) + s * ROWS2
    pltpu.sync_copy(src_e.at[pl.ds(rbase, ROWS2), :], src_all)

    @pl.loop(0, CH)
    def _fill(i):
        rows[0, i, :] = z16

    for t in range(RPT // CH):
        pltpu.sync_copy(rows.at[0], acc_sh.at[pl.ds(s * RPT + t * CH, CH), :])

    plsc.subcore_barrier()

    @pl.loop(0, ROWS2 // NB)
    def _grp(q):
        c0 = q * NB
        gd, ld = [], []
        for b in range(NB):
            t = c0 + b
            gd.append(pltpu.async_copy(
                m2pad.at[src_all.at[t]], rows.at[b], gsem[b]))
            ld.append(pltpu.async_copy(dst_e.at[rbase + t], dref[b],
                                       lsem[b]))
        sd = []
        for b in range(NB):
            ld[b].wait()
            gd[b].wait()
            sd.append(pltpu.async_copy(rows.at[b], acc_sh.at[dref[b]], ssem,
                                       add=True))
        for b in range(NB):
            sd[b].wait()

    plsc.subcore_barrier()

    @pl.when(s < NS - 1)
    def _out_full():
        r0 = s * RPT
        pltpu.sync_copy(acc_sh.at[pl.ds(r0, RPT), :],
                        agg_out.at[pl.ds(c * N + r0, RPT), :])

    @pl.when(s == NS - 1)
    def _out_last():
        r0 = (NS - 1) * RPT
        nlast = N - r0
        pltpu.sync_copy(acc_sh.at[pl.ds(r0, nlast), :],
                        agg_out.at[pl.ds(c * N + r0, nlast), :])


_sc_agg2 = pl.kernel(
    _sc2_body,
    out_type=jax.ShapeDtypeStruct((NC * N, W2), jnp.float32),
    mesh=_mesh,
    scratch_types=(
        pltpu.VMEM((ROWS2, CH), jnp.int32),
        pltpu.VMEM((CH,), jnp.int32),
        pltpu.VMEM((CH,), jnp.int32),
        pltpu.VMEM((CH,), jnp.int32),
        pltpu.VMEM((CH,), jnp.int32),
        pltpu.VMEM((CH,), jnp.int32),
        pltpu.VMEM((NB, CH, W2), jnp.float32),
        pltpu.VMEM_SHARED((NPAD, W2), jnp.float32),
    ) + (pltpu.SemaphoreType.DMA,) * 11,
    compiler_params=_sc_params,
)


def _tc_fin_body(agg2p_ref, aux_ref, out_ref):
    p = agg2p_ref[0] + agg2p_ref[1]
    out_ref[...] = p[:, 0:4] / aux_ref[:, 8:9] + aux_ref[:, 0:4]


_tc_fin = pl.pallas_call(
    _tc_fin_body,
    grid=(N // BLK,),
    in_specs=[
        pl.BlockSpec((NC, BLK, W2), lambda i: (0, i, 0)),
        pl.BlockSpec((BLK, W2), lambda i: (i, 0)),
    ],
    out_specs=pl.BlockSpec((BLK, 4), lambda i: (i, 0)),
    out_shape=jax.ShapeDtypeStruct((N, 4), jnp.float32),
)


def kernel(x, edge_index, Wp, bp, Wl1, bl1, Wr1, Wl2, bl2, Wr2):
    pad = E2 - E
    src = jnp.concatenate([edge_index[0].astype(jnp.int32),
                           jnp.zeros((pad,), jnp.int32)]).reshape(NCHK, CH)
    dst = jnp.concatenate([edge_index[1].astype(jnp.int32),
                           jnp.full((pad,), NPAD - 1, jnp.int32)]).reshape(NCHK, CH)
    m1_parts, r1 = _tc_pre(x, Wp, bp.reshape(1, D), Wl1, Wr1, bl1.reshape(1, D))
    aggf, degf = _sc_agg1(m1_parts.reshape(NC * N, H), src, dst)
    wl2p = jnp.zeros((W2, D), jnp.float32).at[:4].set(Wl2)
    wr2p = jnp.zeros((W2, D), jnp.float32).at[:4].set(Wr2)
    bl2p = jnp.zeros((1, W2), jnp.float32).at[0, :4].set(bl2)
    m2pad, aux = _tc_mid(aggf.reshape(NC, N, H), degf, r1, wl2p, wr2p, bl2p)
    agg2f = _sc_agg2(m2pad, src, dst)
    return _tc_fin(agg2f.reshape(NC, N, W2), aux)

# --- scband reference (transcript-rebuilt; emitter-appended) ---
"""Pipeline reference for scband-mel-graph-sage-29583734734919 (READ-ONLY COPY).

The authoritative reference and input builder live on the scoring server;
editing this copy changes nothing except your own understanding.
"""

import jax, jax.numpy as jnp
import numpy as np

N_NODES = 10000
N_EDGES = 320000
D_IN = 128
D_HID = 128
N_CLASSES = 4


def setup_inputs(seed: int = 0) -> dict:
    key = jax.random.key(seed)
    ks = jax.random.split(key, 12)
    x = jax.random.normal(ks[0], (N_NODES, D_IN), dtype=jnp.float32)
    edge_index = jax.random.randint(ks[1], (2, N_EDGES), 0, N_NODES, dtype=jnp.int64 if jax.config.jax_enable_x64 else jnp.int32)
    s_pre = 1.0 / np.sqrt(D_IN)
    s_hid = 1.0 / np.sqrt(D_HID)
    Wp = jax.random.uniform(ks[2], (D_HID, D_IN), minval=-s_pre, maxval=s_pre, dtype=jnp.float32)
    bp = jax.random.uniform(ks[3], (D_HID,), minval=-s_pre, maxval=s_pre, dtype=jnp.float32)
    Wl1 = jax.random.uniform(ks[4], (D_HID, D_HID), minval=-s_hid, maxval=s_hid, dtype=jnp.float32)
    bl1 = jax.random.uniform(ks[5], (D_HID,), minval=-s_hid, maxval=s_hid, dtype=jnp.float32)
    Wr1 = jax.random.uniform(ks[6], (D_HID, D_HID), minval=-s_hid, maxval=s_hid, dtype=jnp.float32)
    Wl2 = jax.random.uniform(ks[7], (N_CLASSES, D_HID), minval=-s_hid, maxval=s_hid, dtype=jnp.float32)
    bl2 = jax.random.uniform(ks[8], (N_CLASSES,), minval=-s_hid, maxval=s_hid, dtype=jnp.float32)
    Wr2 = jax.random.uniform(ks[9], (N_CLASSES, D_HID), minval=-s_hid, maxval=s_hid, dtype=jnp.float32)
    return {"x": x, "edge_index": edge_index, "Wp": Wp, "bp": bp,
            "Wl1": Wl1, "bl1": bl1, "Wr1": Wr1,
            "Wl2": Wl2, "bl2": bl2, "Wr2": Wr2}


def _sage_conv(x, src, dst, n_nodes, W_l, b_l, W_r):
    # PyG SAGEConv (mean aggregation): out = lin_l(mean_j x_j) + lin_r(x)
    msgs = jnp.take(x, src, axis=0)
    agg = jax.ops.segment_sum(msgs, dst, num_segments=n_nodes)
    deg = jax.ops.segment_sum(jnp.ones((src.shape[0],), dtype=x.dtype), dst, num_segments=n_nodes)
    agg = agg / jnp.clip(deg, 1.0, None)[:, None]
    return agg @ W_l.T + b_l + x @ W_r.T


def reference(x, edge_index, Wp, bp, Wl1, bl1, Wr1, Wl2, bl2, Wr2):
    n_nodes = x.shape[0]
    src = edge_index[0]
    dst = edge_index[1]
    # flatten is identity for 2D input
    h = jax.nn.relu(x @ Wp.T + bp)
    h = jax.nn.relu(_sage_conv(h, src, dst, n_nodes, Wl1, bl1, Wr1))
    out = _sage_conv(h, src, dst, n_nodes, Wl2, bl2, Wr2)
    return out

if __name__ == "__main__":
    import jax
    _d = setup_inputs()
    print(jax.jit(kernel)(*tuple(_d.values())))

</pallas_src>

<mosaic_0001>
#map = affine_map<(d0, d1) -> (0, 0)>
module attributes {stable_mosaic.version = 14 : i64} {
  func.func @_sc1_body(%arg0: i32, %arg1: i32, %arg2: memref<20000x64xf32, #tpu.memory_space<hbm>>, %arg3: memref<2560x128xi32, #tpu.memory_space<hbm>>, %arg4: memref<2560x128xi32, #tpu.memory_space<hbm>>, %arg5: memref<20000x64xf32, #tpu.memory_space<hbm>>, %arg6: memref<10000x16xf32, #tpu.memory_space<hbm>>, %arg7: memref<160x128xi32, #tpu.memory_space<vmem>>, %arg8: memref<128xi32, #tpu.memory_space<vmem>>, %arg9: memref<128xi32, #tpu.memory_space<vmem>>, %arg10: memref<128xi32, #tpu.memory_space<vmem>>, %arg11: memref<128xi32, #tpu.memory_space<vmem>>, %arg12: memref<128xi32, #tpu.memory_space<vmem>>, %arg13: memref<5x128x64xf32, #tpu.memory_space<vmem>>, %arg14: memref<128x16xf32, #tpu.memory_space<vmem>>, %arg15: memref<128x16xf32, #tpu.memory_space<vmem>>, %arg16: memref<10240x64xf32, #tpu.memory_space<vmem_shared>>, %arg17: memref<10240x16xf32, #tpu.memory_space<vmem_shared>>, %arg18: memref<!tpu.dma_semaphore, #tpu.memory_space<semaphore_mem>>, %arg19: memref<!tpu.dma_semaphore, #tpu.memory_space<semaphore_mem>>, %arg20: memref<!tpu.dma_semaphore, #tpu.memory_space<semaphore_mem>>, %arg21: memref<!tpu.dma_semaphore, #tpu.memory_space<semaphore_mem>>, %arg22: memref<!tpu.dma_semaphore, #tpu.memory_space<semaphore_mem>>, %arg23: memref<!tpu.dma_semaphore, #tpu.memory_space<semaphore_mem>>, %arg24: memref<!tpu.dma_semaphore, #tpu.memory_space<semaphore_mem>>, %arg25: memref<!tpu.dma_semaphore, #tpu.memory_space<semaphore_mem>>, %arg26: memref<!tpu.dma_semaphore, #tpu.memory_space<semaphore_mem>>, %arg27: memref<!tpu.dma_semaphore, #tpu.memory_space<semaphore_mem>>, %arg28: memref<!tpu.dma_semaphore, #tpu.memory_space<semaphore_mem>>, %arg29: memref<!tpu.dma_semaphore, #tpu.memory_space<semaphore_mem>>) attributes {dimension_semantics = [#tpu.dimension_semantics<core_parallel>, #tpu.dimension_semantics<subcore_parallel>], iteration_bounds = array<i64: 2, 16>, scalar_prefetch = 0 : i64, scratch_operands = 23 : i64, tpu.core_type = #tpu.core_type<sc_vector_subcore>, window_params = [{transform_indices = #map}, {transform_indices = #map}, {transform_indices = #map}, {transform_indices = #map}, {transform_indices = #map}]} {
    %eq3A = arith.constant 0 : i32
    %eq3A_0 = arith.cmpi eq, %arg0, %eq3A : i32
    %broadcast_in_dim3A = arith.constant 0.000000e+00 : f32
    %broadcast_in_dim3A_1 = vector.broadcast %broadcast_in_dim3A : f32 to vector<16xf32>
    %broadcast_in_dim3A_2 = arith.constant 1.000000e+00 : f32
    %broadcast_in_dim3A_3 = vector.broadcast %broadcast_in_dim3A_2 : f32 to vector<16xf32>
    %mul3A = arith.constant 160 : i32
    %mul3A_4 = arith.muli %arg1, %mul3A : i32
    "tpu.region"() ({
      %run_scoped3A_54 = tpu.sem_alloc : memref<!tpu.dma_semaphore, #tpu.memory_space<semaphore_mem>>
      %dma_start3A = arith.constant 0 : i32
      %dma_start3A_55 = tpu.memref_slice %arg3[%mul3A_4, %dma_start3A] : memref<2560x128xi32, #tpu.memory_space<hbm>> -> memref<160x128xi32, #tpu.memory_space<hbm>>
      %dma_start3A_56 = arith.constant 0 : i32
      %dma_start3A_57 = tpu.memref_slice %arg3[%mul3A_4, %dma_start3A_56] : memref<2560x128xi32, #tpu.memory_space<hbm>> -> memref<160x128xi32, #tpu.memory_space<hbm>>
      tpu.enqueue_dma source(%dma_start3A_57 : memref<160x128xi32, #tpu.memory_space<hbm>>) target(%arg7 : memref<160x128xi32, #tpu.memory_space<vmem>>) target_semaphore(%run_scoped3A_54 : memref<!tpu.dma_semaphore, #tpu.memory_space<semaphore_mem>>)
      %dma_wait3A = arith.constant 0 : i32
      %dma_wait3A_58 = tpu.memref_slice %arg3[%mul3A_4, %dma_wait3A] : memref<2560x128xi32, #tpu.memory_space<hbm>> -> memref<160x128xi32, #tpu.memory_space<hbm>>
      %dma_wait3A_59 = arith.constant 0 : i32
      %dma_wait3A_60 = tpu.memref_slice %arg3[%mul3A_4, %dma_wait3A_59] : memref<2560x128xi32, #tpu.memory_space<hbm>> -> memref<160x128xi32, #tpu.memory_space<hbm>>
      tpu.wait_dma2 semaphore(%run_scoped3A_54 : memref<!tpu.dma_semaphore, #tpu.memory_space<semaphore_mem>>) src(%dma_wait3A_60 : memref<160x128xi32, #tpu.memory_space<hbm>>) dst(%arg7 : memref<160x128xi32, #tpu.memory_space<vmem>>)
      tpu.yield
    }) : () -> ()
    %mul3A_5 = arith.constant 10000 : i32
    %mul3A_6 = arith.muli %arg0, %mul3A_5 : i32
    %scan3A = arith.constant 0 : i32
    %scan3A_7 = arith.constant 160 : i32
    %scan3A_8 = arith.addi %scan3A, %scan3A_7 : i32
    %scan3A_9 = arith.constant 1 : i32
    scf.for %scan3A_54 = %scan3A to %scan3A_8 step %scan3A_9  : i32 {
      %mul3A_55 = arith.constant 1 : i32
      %mul3A_56 = arith.muli %scan3A_54, %mul3A_55 : i32
      %add3A_57 = arith.constant 0 : i32
      %add3A_58 = arith.addi %add3A_57, %mul3A_56 : i32
      %get3A = arith.index_cast %add3A_58 : i32 to index
      %get3A_59 = arith.constant 0 : index
      %get3A_60 = tpu.vector_load %arg7[%get3A, %get3A_59] {strides = array<i32>} : memref<160x128xi32, #tpu.memory_space<vmem>>, vector<1x16xi32>,
      %get3A_61 = vector.shape_cast %get3A_60 : vector<1x16xi32> to vector<16xi32>
      %add3A_62 = vector.broadcast %mul3A_6 : i32 to vector<16xi32>
      %add3A_63 = arith.addi %get3A_61, %add3A_62 : vector<16xi32>
      %swap3A = arith.index_cast %add3A_58 : i32 to index
      %swap3A_64 = arith.constant 0 : index
      %swap3A_65 = tpu.vector_load %arg7[%swap3A, %swap3A_64] {strides = array<i32>} : memref<160x128xi32, #tpu.memory_space<vmem>>, vector<1x16xi32>,
      %swap3A_66 = vector.shape_cast %swap3A_65 : vector<1x16xi32> to vector<16xi32>
      %swap3A_67 = vector.shape_cast %add3A_63 : vector<16xi32> to vector<1x16xi32>
      tpu.vector_store %arg7[%swap3A, %swap3A_64], %swap3A_67 {strides = array<i32>} : memref<160x128xi32, #tpu.memory_space<vmem>>, vector<1x16xi32>,
      %get3A_68 = arith.index_cast %add3A_58 : i32 to index
      %get3A_69 = arith.constant 16 : index
      %get3A_70 = tpu.vector_load %arg7[%get3A_68, %get3A_69] {strides = array<i32>} : memref<160x128xi32, #tpu.memory_space<vmem>>, vector<1x16xi32>,
      %get3A_71 = vector.shape_cast %get3A_70 : vector<1x16xi32> to vector<16xi32>
      %add3A_72 = vector.broadcast %mul3A_6 : i32 to vector<16xi32>
      %add3A_73 = arith.addi %get3A_71, %add3A_72 : vector<16xi32>
      %swap3A_74 = arith.index_cast %add3A_58 : i32 to index
      %swap3A_75 = arith.constant 16 : index
      %swap3A_76 = tpu.vector_load %arg7[%swap3A_74, %swap3A_75] {strides = array<i32>} : memref<160x128xi32, #tpu.memory_space<vmem>>, vector<1x16xi32>,
      %swap3A_77 = vector.shape_cast %swap3A_76 : vector<1x16xi32> to vector<16xi32>
      %swap3A_78 = vector.shape_cast %add3A_73 : vector<16xi32> to vector<1x16xi32>
      tpu.vector_store %arg7[%swap3A_74, %swap3A_75], %swap3A_78 {strides = array<i32>} : memref<160x128xi32, #tpu.memory_space<vmem>>, vector<1x16xi32>,
      %get3A_79 = arith.index_cast %add3A_58 : i32 to index
      %get3A_80 = arith.constant 32 : index
      %get3A_81 = tpu.vector_load %arg7[%get3A_79, %get3A_80] {strides = array<i32>} : memref<160x128xi32, #tpu.memory_space<vmem>>, vector<1x16xi32>,
      %get3A_82 = vector.shape_cast %get3A_81 : vector<1x16xi32> to vector<16xi32>
      %add3A_83 = vector.broadcast %mul3A_6 : i32 to vector<16xi32>
      %add3A_84 = arith.addi %get3A_82, %add3A_83 : vector<16xi32>
      %swap3A_85 = arith.index_cast %add3A_58 : i32 to index
      %swap3A_86 = arith.constant 32 : index
      %swap3A_87 = tpu.vector_load %arg7[%swap3A_85, %swap3A_86] {strides = array<i32>} : memref<160x128xi32, #tpu.memory_space<vmem>>, vector<1x16xi32>,
      %swap3A_88 = vector.shape_cast %swap3A_87 : vector<1x16xi32> to vector<16xi32>
      %swap3A_89 = vector.shape_cast %add3A_84 : vector<16xi32> to vector<1x16xi32>
      tpu.vector_store %arg7[%swap3A_85, %swap3A_86], %swap3A_89 {strides = array<i32>} : memref<160x128xi32, #tpu.memory_space<vmem>>, vector<1x16xi32>,
      %get3A_90 = arith.index_cast %add3A_58 : i32 to index
      %get3A_91 = arith.constant 48 : index
      %get3A_92 = tpu.vector_load %arg7[%get3A_90, %get3A_91] {strides = array<i32>} : memref<160x128xi32, #tpu.memory_space<vmem>>, vector<1x16xi32>,
      %get3A_93 = vector.shape_cast %get3A_92 : vector<1x16xi32> to vector<16xi32>
      %add3A_94 = vector.broadcast %mul3A_6 : i32 to vector<16xi32>
      %add3A_95 = arith.addi %get3A_93, %add3A_94 : vector<16xi32>
      %swap3A_96 = arith.index_cast %add3A_58 : i32 to index
      %swap3A_97 = arith.constant 48 : index
      %swap3A_98 = tpu.vector_load %arg7[%swap3A_96, %swap3A_97] {strides = array<i32>} : memref<160x128xi32, #tpu.memory_space<vmem>>, vector<1x16xi32>,
      %swap3A_99 = vector.shape_cast %swap3A_98 : vector<1x16xi32> to vector<16xi32>
      %swap3A_100 = vector.shape_cast %add3A_95 : vector<16xi32> to vector<1x16xi32>
      tpu.vector_store %arg7[%swap3A_96, %swap3A_97], %swap3A_100 {strides = array<i32>} : memref<160x128xi32, #tpu.memory_space<vmem>>, vector<1x16xi32>,
      %get3A_101 = arith.index_cast %add3A_58 : i32 to index
      %get3A_102 = arith.constant 64 : index
      %get3A_103 = tpu.vector_load %arg7[%get3A_101, %get3A_102] {strides = array<i32>} : memref<160x128xi32, #tpu.memory_space<vmem>>, vector<1x16xi32>,
      %get3A_104 = vector.shape_cast %get3A_103 : vector<1x16xi32> to vector<16xi32>
      %add3A_105 = vector.broadcast %mul3A_6 : i32 to vector<16xi32>
      %add3A_106 = arith.addi %get3A_104, %add3A_105 : vector<16xi32>
      %swap3A_107 = arith.index_cast %add3A_58 : i32 to index
      %swap3A_108 = arith.constant 64 : index
      %swap3A_109 = tpu.vector_load %arg7[%swap3A_107, %swap3A_108] {strides = array<i32>} : memref<160x128xi32, #tpu.memory_space<vmem>>, vector<1x16xi32>,
      %swap3A_110 = vector.shape_cast %swap3A_109 : vector<1x16xi32> to vector<16xi32>
      %swap3A_111 = vector.shape_cast %add3A_106 : vector<16xi32> to vector<1x16xi32>
      tpu.vector_store %arg7[%swap3A_107, %swap3A_108], %swap3A_111 {strides = array<i32>} : memref<160x128xi32, #tpu.memory_space<vmem>>, vector<1x16xi32>,
      %get3A_112 = arith.index_cast %add3A_58 : i32 to index
      %get3A_113 = arith.constant 80 : index
      %get3A_114 = tpu.vector_load %arg7[%get3A_112, %get3A_113] {strides = array<i32>} : memref<160x128xi32, #tpu.memory_space<vmem>>, vector<1x16xi32>,
      %get3A_115 = vector.shape_cast %get3A_114 : vector<1x16xi32> to vector<16xi32>
      %add3A_116 = vector.broadcast %mul3A_6 : i32 to vector<16xi32>
      %add3A_117 = arith.addi %get3A_115, %add3A_116 : vector<16xi32>
      %swap3A_118 = arith.index_cast %add3A_58 : i32 to index
      %swap3A_119 = arith.constant 80 : index
      %swap3A_120 = tpu.vector_load %arg7[%swap3A_118, %swap3A_119] {strides = array<i32>} : memref<160x128xi32, #tpu.memory_space<vmem>>, vector<1x16xi32>,
      %swap3A_121 = vector.shape_cast %swap3A_120 : vector<1x16xi32> to vector<16xi32>
      %swap3A_122 = vector.shape_cast %add3A_117 : vector<16xi32> to vector<1x16xi32>
      tpu.vector_store %arg7[%swap3A_118, %swap3A_119], %swap3A_122 {strides = array<i32>} : memref<160x128xi32, #tpu.memory_space<vmem>>, vector<1x16xi32>,
      %get3A_123 = arith.index_cast %add3A_58 : i32 to index
      %get3A_124 = arith.constant 96 : index
      %get3A_125 = tpu.vector_load %arg7[%get3A_123, %get3A_124] {strides = array<i32>} : memref<160x128xi32, #tpu.memory_space<vmem>>, vector<1x16xi32>,
      %get3A_126 = vector.shape_cast %get3A_125 : vector<1x16xi32> to vector<16xi32>
      %add3A_127 = vector.broadcast %mul3A_6 : i32 to vector<16xi32>
      %add3A_128 = arith.addi %get3A_126, %add3A_127 : vector<16xi32>
      %swap3A_129 = arith.index_cast %add3A_58 : i32 to index
      %swap3A_130 = arith.constant 96 : index
      %swap3A_131 = tpu.vector_load %arg7[%swap3A_129, %swap3A_130] {strides = array<i32>} : memref<160x128xi32, #tpu.memory_space<vmem>>, vector<1x16xi32>,
      %swap3A_132 = vector.shape_cast %swap3A_131 : vector<1x16xi32> to vector<16xi32>
      %swap3A_133 = vector.shape_cast %add3A_128 : vector<16xi32> to vector<1x16xi32>
      tpu.vector_store %arg7[%swap3A_129, %swap3A_130], %swap3A_133 {strides = array<i32>} : memref<160x128xi32, #tpu.memory_space<vmem>>, vector<1x16xi32>,
      %get3A_134 = arith.index_cast %add3A_58 : i32 to index
      %get3A_135 = arith.constant 112 : index
      %get3A_136 = tpu.vector_load %arg7[%get3A_134, %get3A_135] {strides = array<i32>} : memref<160x128xi32, #tpu.memory_space<vmem>>, vector<1x16xi32>,
      %get3A_137 = vector.shape_cast %get3A_136 : vector<1x16xi32> to vector<16xi32>
      %add3A_138 = vector.broadcast %mul3A_6 : i32 to vector<16xi32>
      %add3A_139 = arith.addi %get3A_137, %add3A_138 : vector<16xi32>
      %swap3A_140 = arith.index_cast %add3A_58 : i32 to index
      %swap3A_141 = arith.constant 112 : index
      %swap3A_142 = tpu.vector_load %arg7[%swap3A_140, %swap3A_141] {strides = array<i32>} : memref<160x128xi32, #tpu.memory_space<vmem>>, vector<1x16xi32>,
      %swap3A_143 = vector.shape_cast %swap3A_142 : vector<1x16xi32> to vector<16xi32>
      %swap3A_144 = vector.shape_cast %add3A_139 : vector<16xi32> to vector<1x16xi32>
      tpu.vector_store %arg7[%swap3A_140, %swap3A_141], %swap3A_144 {strides = array<i32>} : memref<160x128xi32, #tpu.memory_space<vmem>>, vector<1x16xi32>,
    }
    %scan3A_10 = arith.constant 160 : i32
    %scan3A_11 = arith.constant 0 : i32
    %scan3A_12 = arith.constant 128 : i32
    %scan3A_13 = arith.addi %scan3A_11, %scan3A_12 : i32
    %scan3A_14 = arith.constant 1 : i32
    scf.for %scan3A_54 = %scan3A_11 to %scan3A_13 step %scan3A_14  : i32 {
      %mul3A_55 = arith.constant 1 : i32
      %mul3A_56 = arith.muli %scan3A_54, %mul3A_55 : i32
      %add3A_57 = arith.constant 0 : i32
      %add3A_58 = arith.addi %add3A_57, %mul3A_56 : i32
      %swap3A = arith.constant 0 : i32
      %swap3A_59 = arith.index_cast %swap3A : i32 to index
      %swap3A_60 = arith.index_cast %add3A_58 : i32 to index
      %swap3A_61 = arith.constant 0 : index
      %swap3A_62 = tpu.vector_load %arg13[%swap3A_59, %swap3A_60, %swap3A_61] {strides = array<i32>} : memref<5x128x64xf32, #tpu.memory_space<vmem>>, vector<1x1x16xf32>,
      %swap3A_63 = vector.shape_cast %swap3A_62 : vector<1x1x16xf32> to vector<16xf32>
      %swap3A_64 = vector.shape_cast %broadcast_in_dim3A_1 : vector<16xf32> to vector<1x1x16xf32>
      tpu.vector_store %arg13[%swap3A_59, %swap3A_60, %swap3A_61], %swap3A_64 {strides = array<i32>} : memref<5x128x64xf32, #tpu.memory_space<vmem>>, vector<1x1x16xf32>,
      %swap3A_65 = arith.constant 0 : i32
      %swap3A_66 = arith.index_cast %swap3A_65 : i32 to index
      %swap3A_67 = arith.index_cast %add3A_58 : i32 to index
      %swap3A_68 = arith.constant 16 : index
      %swap3A_69 = tpu.vector_load %arg13[%swap3A_66, %swap3A_67, %swap3A_68] {strides = array<i32>} : memref<5x128x64xf32, #tpu.memory_space<vmem>>, vector<1x1x16xf32>,
      %swap3A_70 = vector.shape_cast %swap3A_69 : vector<1x1x16xf32> to vector<16xf32>
      %swap3A_71 = vector.shape_cast %broadcast_in_dim3A_1 : vector<16xf32> to vector<1x1x16xf32>
      tpu.vector_store %arg13[%swap3A_66, %swap3A_67, %swap3A_68], %swap3A_71 {strides = array<i32>} : memref<5x128x64xf32, #tpu.memory_space<vmem>>, vector<1x1x16xf32>,
      %swap3A_72 = arith.constant 0 : i32
      %swap3A_73 = arith.index_cast %swap3A_72 : i32 to index
      %swap3A_74 = arith.index_cast %add3A_58 : i32 to index
      %swap3A_75 = arith.constant 32 : index
      %swap3A_76 = tpu.vector_load %arg13[%swap3A_73, %swap3A_74, %swap3A_75] {strides = array<i32>} : memref<5x128x64xf32, #tpu.memory_space<vmem>>, vector<1x1x16xf32>,
      %swap3A_77 = vector.shape_cast %swap3A_76 : vector<1x1x16xf32> to vector<16xf32>
      %swap3A_78 = vector.shape_cast %broadcast_in_dim3A_1 : vector<16xf32> to vector<1x1x16xf32>
      tpu.vector_store %arg13[%swap3A_73, %swap3A_74, %swap3A_75], %swap3A_78 {strides = array<i32>} : memref<5x128x64xf32, #tpu.memory_space<vmem>>, vector<1x1x16xf32>,
      %swap3A_79 = arith.constant 0 : i32
      %swap3A_80 = arith.index_cast %swap3A_79 : i32 to index
      %swap3A_81 = arith.index_cast %add3A_58 : i32 to index
      %swap3A_82 = arith.constant 48 : index
      %swap3A_83 = tpu.vector_load %arg13[%swap3A_80, %swap3A_81, %swap3A_82] {strides = array<i32>} : memref<5x128x64xf32, #tpu.memory_space<vmem>>, vector<1x1x16xf32>,
      %swap3A_84 = vector.shape_cast %swap3A_83 : vector<1x1x16xf32> to vector<16xf32>
      %swap3A_85 = vector.shape_cast %broadcast_in_dim3A_1 : vector<16xf32> to vector<1x1x16xf32>
      tpu.vector_store %arg13[%swap3A_80, %swap3A_81, %swap3A_82], %swap3A_85 {strides = array<i32>} : memref<5x128x64xf32, #tpu.memory_space<vmem>>, vector<1x1x16xf32>,
      %swap3A_86 = arith.index_cast %add3A_58 : i32 to index
      %swap3A_87 = arith.constant 0 : index
      %swap3A_88 = tpu.vector_load %arg14[%swap3A_86, %swap3A_87] {strides = array<i32>} : memref<128x16xf32, #tpu.memory_space<vmem>>, vector<1x16xf32>,
      %swap3A_89 = vector.shape_cast %swap3A_88 : vector<1x16xf32> to vector<16xf32>
      %swap3A_90 = vector.shape_cast %broadcast_in_dim3A_1 : vector<16xf32> to vector<1x16xf32>
      tpu.vector_store %arg14[%swap3A_86, %swap3A_87], %swap3A_90 {strides = array<i32>} : memref<128x16xf32, #tpu.memory_space<vmem>>, vector<1x16xf32>,
      %swap3A_91 = arith.index_cast %add3A_58 : i32 to index
      %swap3A_92 = arith.constant 0 : index
      %swap3A_93 = tpu.vector_load %arg15[%swap3A_91, %swap3A_92] {strides = array<i32>} : memref<128x16xf32, #tpu.memory_space<vmem>>, vector<1x16xf32>,
      %swap3A_94 = vector.shape_cast %swap3A_93 : vector<1x16xf32> to vector<16xf32>
      %swap3A_95 = vector.shape_cast %broadcast_in_dim3A_3 : vector<16xf32> to vector<1x16xf32>
      tpu.vector_store %arg15[%swap3A_91, %swap3A_92], %swap3A_95 {strides = array<i32>} : memref<128x16xf32, #tpu.memory_space<vmem>>, vector<1x16xf32>,
    }
    %scan3A_15 = arith.constant 128 : i32
    %mul3A_16 = arith.constant 640 : i32
    %mul3A_17 = arith.muli %arg1, %mul3A_16 : i32
    %add3A = arith.constant 0 : i32
    %add3A_18 = arith.addi %mul3A_17, %add3A : i32
    %run_scoped3A = arith.constant 0 : i32
    "tpu.region"() ({
      %run_scoped3A_54 = tpu.sem_alloc : memref<!tpu.dma_semaphore, #tpu.memory_space<semaphore_mem>>
      %dma_start3A = arith.constant 0 : i32
      %dma_start3A_55 = arith.constant 0 : i32
      %dma_start3A_56 = tpu.memref_slice %arg13[%run_scoped3A, %dma_start3A, %dma_start3A_55] : memref<5x128x64xf32, #tpu.memory_space<vmem>> -> memref<1x128x64xf32, #tpu.memory_space<vmem>>
      %dma_start3A_57 = tpu.memref_squeeze %dma_start3A_56 : memref<1x128x64xf32, #tpu.memory_space<vmem>> -> memref<128x64xf32, #tpu.memory_space<vmem>>
      %dma_start3A_58 = arith.constant 0 : i32
      %dma_start3A_59 = tpu.memref_slice %arg16[%add3A_18, %dma_start3A_58] : memref<10240x64xf32, #tpu.memory_space<vmem_shared>> -> memref<128x64xf32, #tpu.memory_space<vmem_shared>>
      %dma_start3A_60 = arith.constant 0 : i32
      %dma_start3A_61 = tpu.memref_slice %arg16[%add3A_18, %dma_start3A_60] : memref<10240x64xf32, #tpu.memory_space<vmem_shared>> -> memref<128x64xf32, #tpu.memory_space<vmem_shared>>
      %dma_start3A_62 = arith.constant 0 : i32
      %dma_start3A_63 = arith.constant 0 : i32
      %dma_start3A_64 = tpu.memref_slice %arg13[%run_scoped3A, %dma_start3A_62, %dma_start3A_63] : memref<5x128x64xf32, #tpu.memory_space<vmem>> -> memref<1x128x64xf32, #tpu.memory_space<vmem>>
      %dma_start3A_65 = tpu.memref_squeeze %dma_start3A_64 : memref<1x128x64xf32, #tpu.memory_space<vmem>> -> memref<128x64xf32, #tpu.memory_space<vmem>>
      tpu.enqueue_dma source(%dma_start3A_65 : memref<128x64xf32, #tpu.memory_space<vmem>>) target(%dma_start3A_61 : memref<128x64xf32, #tpu.memory_space<vmem_shared>>) target_semaphore(%run_scoped3A_54 : memref<!tpu.dma_semaphore, #tpu.memory_space<semaphore_mem>>)
      %dma_wait3A = arith.constant 0 : i32
      %dma_wait3A_66 = arith.constant 0 : i32
      %dma_wait3A_67 = tpu.memref_slice %arg13[%run_scoped3A, %dma_wait3A, %dma_wait3A_66] : memref<5x128x64xf32, #tpu.memory_space<vmem>> -> memref<1x128x64xf32, #tpu.memory_space<vmem>>
      %dma_wait3A_68 = tpu.memref_squeeze %dma_wait3A_67 : memref<1x128x64xf32, #tpu.memory_space<vmem>> -> memref<128x64xf32, #tpu.memory_space<vmem>>
      %dma_wait3A_69 = arith.constant 0 : i32
      %dma_wait3A_70 = tpu.memref_slice %arg16[%add3A_18, %dma_wait3A_69] : memref<10240x64xf32, #tpu.memory_space<vmem_shared>> -> memref<128x64xf32, #tpu.memory_space<vmem_shared>>
      %dma_wait3A_71 = arith.constant 0 : i32
      %dma_wait3A_72 = tpu.memref_slice %arg16[%add3A_18, %dma_wait3A_71] : memref<10240x64xf32, #tpu.memory_space<vmem_shared>> -> memref<128x64xf32, #tpu.memory_space<vmem_shared>>
      %dma_wait3A_73 = arith.constant 0 : i32
      %dma_wait3A_74 = arith.constant 0 : i32
      %dma_wait3A_75 = tpu.memref_slice %arg13[%run_scoped3A, %dma_wait3A_73, %dma_wait3A_74] : memref<5x128x64xf32, #tpu.memory_space<vmem>> -> memref<1x128x64xf32, #tpu.memory_space<vmem>>
      %dma_wait3A_76 = tpu.memref_squeeze %dma_wait3A_75 : memref<1x128x64xf32, #tpu.memory_space<vmem>> -> memref<128x64xf32, #tpu.memory_space<vmem>>
      tpu.wait_dma2 semaphore(%run_scoped3A_54 : memref<!tpu.dma_semaphore, #tpu.memory_space<semaphore_mem>>) src(%dma_wait3A_76 : memref<128x64xf32, #tpu.memory_space<vmem>>) dst(%dma_wait3A_72 : memref<128x64xf32, #tpu.memory_space<vmem_shared>>)
      tpu.yield
    }) : () -> ()
    "tpu.region"() ({
      %run_scoped3A_54 = tpu.sem_alloc : memref<!tpu.dma_semaphore, #tpu.memory_space<semaphore_mem>>
      %dma_start3A = arith.constant 0 : i32
      %dma_start3A_55 = tpu.memref_slice %arg17[%add3A_18, %dma_start3A] : memref<10240x16xf32, #tpu.memory_space<vmem_shared>> -> memref<128x16xf32, #tpu.memory_space<vmem_shared>>
      %dma_start3A_56 = arith.constant 0 : i32
      %dma_start3A_57 = tpu.memref_slice %arg17[%add3A_18, %dma_start3A_56] : memref<10240x16xf32, #tpu.memory_space<vmem_shared>> -> memref<128x16xf32, #tpu.memory_space<vmem_shared>>
      tpu.enqueue_dma source(%arg14 : memref<128x16xf32, #tpu.memory_space<vmem>>) target(%dma_start3A_57 : memref<128x16xf32, #tpu.memory_space<vmem_shared>>) target_semaphore(%run_scoped3A_54 : memref<!tpu.dma_semaphore, #tpu.memory_space<semaphore_mem>>)
      %dma_wait3A = arith.constant 0 : i32
      %dma_wait3A_58 = tpu.memref_slice %arg17[%add3A_18, %dma_wait3A] : memref<10240x16xf32, #tpu.memory_space<vmem_shared>> -> memref<128x16xf32, #tpu.memory_space<vmem_shared>>
      %dma_wait3A_59 = arith.constant 0 : i32
      %dma_wait3A_60 = tpu.memref_slice %arg17[%add3A_18, %dma_wait3A_59] : memref<10240x16xf32, #tpu.memory_space<vmem_shared>> -> memref<128x16xf32, #tpu.memory_space<vmem_shared>>
      tpu.wait_dma2 semaphore(%run_scoped3A_54 : memref<!tpu.dma_semaphore, #tpu.memory_space<semaphore_mem>>) src(%arg14 : memref<128x16xf32, #tpu.memory_space<vmem>>) dst(%dma_wait3A_60 : memref<128x16xf32, #tpu.memory_space<vmem_shared>>)
      tpu.yield
    }) : () -> ()
    %mul3A_19 = arith.constant 640 : i32
    %mul3A_20 = arith.muli %arg1, %mul3A_19 : i32
    %add3A_21 = arith.constant 128 : i32
    %add3A_22 = arith.addi %mul3A_20, %add3A_21 : i32
    %run_scoped3A_23 = arith.constant 0 : i32
    "tpu.region"() ({
      %run_scoped3A_54 = tpu.sem_alloc : memref<!tpu.dma_semaphore, #tpu.memory_space<semaphore_mem>>
      %dma_start3A = arith.constant 0 : i32
      %dma_start3A_55 = arith.constant 0 : i32
      %dma_start3A_56 = tpu.memref_slice %arg13[%run_scoped3A_23, %dma_start3A, %dma_start3A_55] : memref<5x128x64xf32, #tpu.memory_space<vmem>> -> memref<1x128x64xf32, #tpu.memory_space<vmem>>
      %dma_start3A_57 = tpu.memref_squeeze %dma_start3A_56 : memref<1x128x64xf32, #tpu.memory_space<vmem>> -> memref<128x64xf32, #tpu.memory_space<vmem>>
      %dma_start3A_58 = arith.constant 0 : i32
      %dma_start3A_59 = tpu.memref_slice %arg16[%add3A_22, %dma_start3A_58] : memref<10240x64xf32, #tpu.memory_space<vmem_shared>> -> memref<128x64xf32, #tpu.memory_space<vmem_shared>>
      %dma_start3A_60 = arith.constant 0 : i32
      %dma_start3A_61 = tpu.memref_slice %arg16[%add3A_22, %dma_start3A_60] : memref<10240x64xf32, #tpu.memory_space<vmem_shared>> -> memref<128x64xf32, #tpu.memory_space<vmem_shared>>
      %dma_start3A_62 = arith.constant 0 : i32
      %dma_start3A_63 = arith.constant 0 : i32
      %dma_start3A_64 = tpu.memref_slice %arg13[%run_scoped3A_23, %dma_start3A_62, %dma_start3A_63] : memref<5x128x64xf32, #tpu.memory_space<vmem>> -> memref<1x128x64xf32, #tpu.memory_space<vmem>>
      %dma_start3A_65 = tpu.memref_squeeze %dma_start3A_64 : memref<1x128x64xf32, #tpu.memory_space<vmem>> -> memref<128x64xf32, #tpu.memory_space<vmem>>
      tpu.enqueue_dma source(%dma_start3A_65 : memref<128x64xf32, #tpu.memory_space<vmem>>) target(%dma_start3A_61 : memref<128x64xf32, #tpu.memory_space<vmem_shared>>) target_semaphore(%run_scoped3A_54 : memref<!tpu.dma_semaphore, #tpu.memory_space<semaphore_mem>>)
      %dma_wait3A = arith.constant 0 : i32
      %dma_wait3A_66 = arith.constant 0 : i32
      %dma_wait3A_67 = tpu.memref_slice %arg13[%run_scoped3A_23, %dma_wait3A, %dma_wait3A_66] : memref<5x128x64xf32, #tpu.memory_space<vmem>> -> memref<1x128x64xf32, #tpu.memory_space<vmem>>
      %dma_wait3A_68 = tpu.memref_squeeze %dma_wait3A_67 : memref<1x128x64xf32, #tpu.memory_space<vmem>> -> memref<128x64xf32, #tpu.memory_space<vmem>>
      %dma_wait3A_69 = arith.constant 0 : i32
      %dma_wait3A_70 = tpu.memref_slice %arg16[%add3A_22, %dma_wait3A_69] : memref<10240x64xf32, #tpu.memory_space<vmem_shared>> -> memref<128x64xf32, #tpu.memory_space<vmem_shared>>
      %dma_wait3A_71 = arith.constant 0 : i32
      %dma_wait3A_72 = tpu.memref_slice %arg16[%add3A_22, %dma_wait3A_71] : memref<10240x64xf32, #tpu.memory_space<vmem_shared>> -> memref<128x64xf32, #tpu.memory_space<vmem_shared>>
      %dma_wait3A_73 = arith.constant 0 : i32
      %dma_wait3A_74 = arith.constant 0 : i32
      %dma_wait3A_75 = tpu.memref_slice %arg13[%run_scoped3A_23, %dma_wait3A_73, %dma_wait3A_74] : memref<5x128x64xf32, #tpu.memory_space<vmem>> -> memref<1x128x64xf32, #tpu.memory_space<vmem>>
      %dma_wait3A_76 = tpu.memref_squeeze %dma_wait3A_75 : memref<1x128x64xf32, #tpu.memory_space<vmem>> -> memref<128x64xf32, #tpu.memory_space<vmem>>
      tpu.wait_dma2 semaphore(%run_scoped3A_54 : memref<!tpu.dma_semaphore, #tpu.memory_space<semaphore_mem>>) src(%dma_wait3A_76 : memref<128x64xf32, #tpu.memory_space<vmem>>) dst(%dma_wait3A_72 : memref<128x64xf32, #tpu.memory_space<vmem_shared>>)
      tpu.yield
    }) : () -> ()
    "tpu.region"() ({
      %run_scoped3A_54 = tpu.sem_alloc : memref<!tpu.dma_semaphore, #tpu.memory_space<semaphore_mem>>
      %dma_start3A = arith.constant 0 : i32
      %dma_start3A_55 = tpu.memref_slice %arg17[%add3A_22, %dma_start3A] : memref<10240x16xf32, #tpu.memory_space<vmem_shared>> -> memref<128x16xf32, #tpu.memory_space<vmem_shared>>
      %dma_start3A_56 = arith.constant 0 : i32
      %dma_start3A_57 = tpu.memref_slice %arg17[%add3A_22, %dma_start3A_56] : memref<10240x16xf32, #tpu.memory_space<vmem_shared>> -> memref<128x16xf32, #tpu.memory_space<vmem_shared>>
      tpu.enqueue_dma source(%arg14 : memref<128x16xf32, #tpu.memory_space<vmem>>) target(%dma_start3A_57 : memref<128x16xf32, #tpu.memory_space<vmem_shared>>) target_semaphore(%run_scoped3A_54 : memref<!tpu.dma_semaphore, #tpu.memory_space<semaphore_mem>>)
      %dma_wait3A = arith.constant 0 : i32
      %dma_wait3A_58 = tpu.memref_slice %arg17[%add3A_22, %dma_wait3A] : memref<10240x16xf32, #tpu.memory_space<vmem_shared>> -> memref<128x16xf32, #tpu.memory_space<vmem_shared>>
      %dma_wait3A_59 = arith.constant 0 : i32
      %dma_wait3A_60 = tpu.memref_slice %arg17[%add3A_22, %dma_wait3A_59] : memref<10240x16xf32, #tpu.memory_space<vmem_shared>> -> memref<128x16xf32, #tpu.memory_space<vmem_shared>>
      tpu.wait_dma2 semaphore(%run_scoped3A_54 : memref<!tpu.dma_semaphore, #tpu.memory_space<semaphore_mem>>) src(%arg14 : memref<128x16xf32, #tpu.memory_space<vmem>>) dst(%dma_wait3A_60 : memref<128x16xf32, #tpu.memory_space<vmem_shared>>)
      tpu.yield
    }) : () -> ()
    %mul3A_24 = arith.constant 640 : i32
    %mul3A_25 = arith.muli %arg1, %mul3A_24 : i32
    %add3A_26 = arith.constant 256 : i32
    %add3A_27 = arith.addi %mul3A_25, %add3A_26 : i32
    %run_scoped3A_28 = arith.constant 0 : i32
    "tpu.region"() ({
      %run_scoped3A_54 = tpu.sem_alloc : memref<!tpu.dma_semaphore, #tpu.memory_space<semaphore_mem>>
      %dma_start3A = arith.constant 0 : i32
      %dma_start3A_55 = arith.constant 0 : i32
      %dma_start3A_56 = tpu.memref_slice %arg13[%run_scoped3A_28, %dma_start3A, %dma_start3A_55] : memref<5x128x64xf32, #tpu.memory_space<vmem>> -> memref<1x128x64xf32, #tpu.memory_space<vmem>>
      %dma_start3A_57 = tpu.memref_squeeze %dma_start3A_56 : memref<1x128x64xf32, #tpu.memory_space<vmem>> -> memref<128x64xf32, #tpu.memory_space<vmem>>
      %dma_start3A_58 = arith.constant 0 : i32
      %dma_start3A_59 = tpu.memref_slice %arg16[%add3A_27, %dma_start3A_58] : memref<10240x64xf32, #tpu.memory_space<vmem_shared>> -> memref<128x64xf32, #tpu.memory_space<vmem_shared>>
      %dma_start3A_60 = arith.constant 0 : i32
      %dma_start3A_61 = tpu.memref_slice %arg16[%add3A_27, %dma_start3A_60] : memref<10240x64xf32, #tpu.memory_space<vmem_shared>> -> memref<128x64xf32, #tpu.memory_space<vmem_shared>>
      %dma_start3A_62 = arith.constant 0 : i32
      %dma_start3A_63 = arith.constant 0 : i32
      %dma_start3A_64 = tpu.memref_slice %arg13[%run_scoped3A_28, %dma_start3A_62, %dma_start3A_63] : memref<5x128x64xf32, #tpu.memory_space<vmem>> -> memref<1x128x64xf32, #tpu.memory_space<vmem>>
      %dma_start3A_65 = tpu.memref_squeeze %dma_start3A_64 : memref<1x128x64xf32, #tpu.memory_space<vmem>> -> memref<128x64xf32, #tpu.memory_space<vmem>>
      tpu.enqueue_dma source(%dma_start3A_65 : memref<128x64xf32, #tpu.memory_space<vmem>>) target(%dma_start3A_61 : memref<128x64xf32, #tpu.memory_space<vmem_shared>>) target_semaphore(%run_scoped3A_54 : memref<!tpu.dma_semaphore, #tpu.memory_space<semaphore_mem>>)
      %dma_wait3A = arith.constant 0 : i32
      %dma_wait3A_66 = arith.constant 0 : i32
      %dma_wait3A_67 = tpu.memref_slice %arg13[%run_scoped3A_28, %dma_wait3A, %dma_wait3A_66] : memref<5x128x64xf32, #tpu.memory_space<vmem>> -> memref<1x128x64xf32, #tpu.memory_space<vmem>>
      %dma_wait3A_68 = tpu.memref_squeeze %dma_wait3A_67 : memref<1x128x64xf32, #tpu.memory_space<vmem>> -> memref<128x64xf32, #tpu.memory_space<vmem>>
      %dma_wait3A_69 = arith.constant 0 : i32
      %dma_wait3A_70 = tpu.memref_slice %arg16[%add3A_27, %dma_wait3A_69] : memref<10240x64xf32, #tpu.memory_space<vmem_shared>> -> memref<128x64xf32, #tpu.memory_space<vmem_shared>>
      %dma_wait3A_71 = arith.constant 0 : i32
      %dma_wait3A_72 = tpu.memref_slice %arg16[%add3A_27, %dma_wait3A_71] : memref<10240x64xf32, #tpu.memory_space<vmem_shared>> -> memref<128x64xf32, #tpu.memory_space<vmem_shared>>
      %dma_wait3A_73 = arith.constant 0 : i32
      %dma_wait3A_74 = arith.constant 0 : i32
      %dma_wait3A_75 = tpu.memref_slice %arg13[%run_scoped3A_28, %dma_wait3A_73, %dma_wait3A_74] : memref<5x128x64xf32, #tpu.memory_space<vmem>> -> memref<1x128x64xf32, #tpu.memory_space<vmem>>
      %dma_wait3A_76 = tpu.memref_squeeze %dma_wait3A_75 : memref<1x128x64xf32, #tpu.memory_space<vmem>> -> memref<128x64xf32, #tpu.memory_space<vmem>>
      tpu.wait_dma2 semaphore(%run_scoped3A_54 : memref<!tpu.dma_semaphore, #tpu.memory_space<semaphore_mem>>) src(%dma_wait3A_76 : memref<128x64xf32, #tpu.memory_space<vmem>>) dst(%dma_wait3A_72 : memref<128x64xf32, #tpu.memory_space<vmem_shared>>)
      tpu.yield
    }) : () -> ()
    "tpu.region"() ({
      %run_scoped3A_54 = tpu.sem_alloc : memref<!tpu.dma_semaphore, #tpu.memory_space<semaphore_mem>>
      %dma_start3A = arith.constant 0 : i32
      %dma_start3A_55 = tpu.memref_slice %arg17[%add3A_27, %dma_start3A] : memref<10240x16xf32, #tpu.memory_space<vmem_shared>> -> memref<128x16xf32, #tpu.memory_space<vmem_shared>>
      %dma_start3A_56 = arith.constant 0 : i32
      %dma_start3A_57 = tpu.memref_slice %arg17[%add3A_27, %dma_start3A_56] : memref<10240x16xf32, #tpu.memory_space<vmem_shared>> -> memref<128x16xf32, #tpu.memory_space<vmem_shared>>
      tpu.enqueue_dma source(%arg14 : memref<128x16xf32, #tpu.memory_space<vmem>>) target(%dma_start3A_57 : memref<128x16xf32, #tpu.memory_space<vmem_shared>>) target_semaphore(%run_scoped3A_54 : memref<!tpu.dma_semaphore, #tpu.memory_space<semaphore_mem>>)
      %dma_wait3A = arith.constant 0 : i32
      %dma_wait3A_58 = tpu.memref_slice %arg17[%add3A_27, %dma_wait3A] : memref<10240x16xf32, #tpu.memory_space<vmem_shared>> -> memref<128x16xf32, #tpu.memory_space<vmem_shared>>
      %dma_wait3A_59 = arith.constant 0 : i32
      %dma_wait3A_60 = tpu.memref_slice %arg17[%add3A_27, %dma_wait3A_59] : memref<10240x16xf32, #tpu.memory_space<vmem_shared>> -> memref<128x16xf32, #tpu.memory_space<vmem_shared>>
      tpu.wait_dma2 semaphore(%run_scoped3A_54 : memref<!tpu.dma_semaphore, #tpu.memory_space<semaphore_mem>>) src(%arg14 : memref<128x16xf32, #tpu.memory_space<vmem>>) dst(%dma_wait3A_60 : memref<128x16xf32, #tpu.memory_space<vmem_shared>>)
      tpu.yield
    }) : () -> ()
    %mul3A_29 = arith.constant 640 : i32
    %mul3A_30 = arith.muli %arg1, %mul3A_29 : i32
    %add3A_31 = arith.constant 384 : i32
    %add3A_32 = arith.addi %mul3A_30, %add3A_31 : i32
    %run_scoped3A_33 = arith.constant 0 : i32
    "tpu.region"() ({
      %run_scoped3A_54 = tpu.sem_alloc : memref<!tpu.dma_semaphore, #tpu.memory_space<semaphore_mem>>
      %dma_start3A = arith.constant 0 : i32
      %dma_start3A_55 = arith.constant 0 : i32
      %dma_start3A_56 = tpu.memref_slice %arg13[%run_scoped3A_33, %dma_start3A, %dma_start3A_55] : memref<5x128x64xf32, #tpu.memory_space<vmem>> -> memref<1x128x64xf32, #tpu.memory_space<vmem>>
      %dma_start3A_57 = tpu.memref_squeeze %dma_start3A_56 : memref<1x128x64xf32, #tpu.memory_space<vmem>> -> memref<128x64xf32, #tpu.memory_space<vmem>>
      %dma_start3A_58 = arith.constant 0 : i32
      %dma_start3A_59 = tpu.memref_slice %arg16[%add3A_32, %dma_start3A_58] : memref<10240x64xf32, #tpu.memory_space<vmem_shared>> -> memref<128x64xf32, #tpu.memory_space<vmem_shared>>
      %dma_start3A_60 = arith.constant 0 : i32
      %dma_start3A_61 = tpu.memref_slice %arg16[%add3A_32, %dma_start3A_60] : memref<10240x64xf32, #tpu.memory_space<vmem_shared>> -> memref<128x64xf32, #tpu.memory_space<vmem_shared>>
      %dma_start3A_62 = arith.constant 0 : i32
      %dma_start3A_63 = arith.constant 0 : i32
      %dma_start3A_64 = tpu.memref_slice %arg13[%run_scoped3A_33, %dma_start3A_62, %dma_start3A_63] : memref<5x128x64xf32, #tpu.memory_space<vmem>> -> memref<1x128x64xf32, #tpu.memory_space<vmem>>
      %dma_start3A_65 = tpu.memref_squeeze %dma_start3A_64 : memref<1x128x64xf32, #tpu.memory_space<vmem>> -> memref<128x64xf32, #tpu.memory_space<vmem>>
      tpu.enqueue_dma source(%dma_start3A_65 : memref<128x64xf32, #tpu.memory_space<vmem>>) target(%dma_start3A_61 : memref<128x64xf32, #tpu.memory_space<vmem_shared>>) target_semaphore(%run_scoped3A_54 : memref<!tpu.dma_semaphore, #tpu.memory_space<semaphore_mem>>)
      %dma_wait3A = arith.constant 0 : i32
      %dma_wait3A_66 = arith.constant 0 : i32
      %dma_wait3A_67 = tpu.memref_slice %arg13[%run_scoped3A_33, %dma_wait3A, %dma_wait3A_66] : memref<5x128x64xf32, #tpu.memory_space<vmem>> -> memref<1x128x64xf32, #tpu.memory_space<vmem>>
      %dma_wait3A_68 = tpu.memref_squeeze %dma_wait3A_67 : memref<1x128x64xf32, #tpu.memory_space<vmem>> -> memref<128x64xf32, #tpu.memory_space<vmem>>
      %dma_wait3A_69 = arith.constant 0 : i32
      %dma_wait3A_70 = tpu.memref_slice %arg16[%add3A_32, %dma_wait3A_69] : memref<10240x64xf32, #tpu.memory_space<vmem_shared>> -> memref<128x64xf32, #tpu.memory_space<vmem_shared>>
      %dma_wait3A_71 = arith.constant 0 : i32
      %dma_wait3A_72 = tpu.memref_slice %arg16[%add3A_32, %dma_wait3A_71] : memref<10240x64xf32, #tpu.memory_space<vmem_shared>> -> memref<128x64xf32, #tpu.memory_space<vmem_shared>>
      %dma_wait3A_73 = arith.constant 0 : i32
      %dma_wait3A_74 = arith.constant 0 : i32
      %dma_wait3A_75 = tpu.memref_slice %arg13[%run_scoped3A_33, %dma_wait3A_73, %dma_wait3A_74] : memref<5x128x64xf32, #tpu.memory_space<vmem>> -> memref<1x128x64xf32, #tpu.memory_space<vmem>>
      %dma_wait3A_76 = tpu.memref_squeeze %dma_wait3A_75 : memref<1x128x64xf32, #tpu.memory_space<vmem>> -> memref<128x64xf32, #tpu.memory_space<vmem>>
      tpu.wait_dma2 semaphore(%run_scoped3A_54 : memref<!tpu.dma_semaphore, #tpu.memory_space<semaphore_mem>>) src(%dma_wait3A_76 : memref<128x64xf32, #tpu.memory_space<vmem>>) dst(%dma_wait3A_72 : memref<128x64xf32, #tpu.memory_space<vmem_shared>>)
      tpu.yield
    }) : () -> ()
    "tpu.region"() ({
      %run_scoped3A_54 = tpu.sem_alloc : memref<!tpu.dma_semaphore, #tpu.memory_space<semaphore_mem>>
      %dma_start3A = arith.constant 0 : i32
      %dma_start3A_55 = tpu.memref_slice %arg17[%add3A_32, %dma_start3A] : memref<10240x16xf32, #tpu.memory_space<vmem_shared>> -> memref<128x16xf32, #tpu.memory_space<vmem_shared>>
      %dma_start3A_56 = arith.constant 0 : i32
      %dma_start3A_57 = tpu.memref_slice %arg17[%add3A_32, %dma_start3A_56] : memref<10240x16xf32, #tpu.memory_space<vmem_shared>> -> memref<128x16xf32, #tpu.memory_space<vmem_shared>>
      tpu.enqueue_dma source(%arg14 : memref<128x16xf32, #tpu.memory_space<vmem>>) target(%dma_start3A_57 : memref<128x16xf32, #tpu.memory_space<vmem_shared>>) target_semaphore(%run_scoped3A_54 : memref<!tpu.dma_semaphore, #tpu.memory_space<semaphore_mem>>)
      %dma_wait3A = arith.constant 0 : i32
      %dma_wait3A_58 = tpu.memref_slice %arg17[%add3A_32, %dma_wait3A] : memref<10240x16xf32, #tpu.memory_space<vmem_shared>> -> memref<128x16xf32, #tpu.memory_space<vmem_shared>>
      %dma_wait3A_59 = arith.constant 0 : i32
      %dma_wait3A_60 = tpu.memref_slice %arg17[%add3A_32, %dma_wait3A_59] : memref<10240x16xf32, #tpu.memory_space<vmem_shared>> -> memref<128x16xf32, #tpu.memory_space<vmem_shared>>
      tpu.wait_dma2 semaphore(%run_scoped3A_54 : memref<!tpu.dma_semaphore, #tpu.memory_space<semaphore_mem>>) src(%arg14 : memref<128x16xf32, #tpu.memory_space<vmem>>) dst(%dma_wait3A_60 : memref<128x16xf32, #tpu.memory_space<vmem_shared>>)
      tpu.yield
    }) : () -> ()
    %mul3A_34 = arith.constant 640 : i32
    %mul3A_35 = arith.muli %arg1, %mul3A_34 : i32
    %add3A_36 = arith.constant 512 : i32
    %add3A_37 = arith.addi %mul3A_35, %add3A_36 : i32
    %run_scoped3A_38 = arith.constant 0 : i32
    "tpu.region"() ({
      %run_scoped3A_54 = tpu.sem_alloc : memref<!tpu.dma_semaphore, #tpu.memory_space<semaphore_mem>>
      %dma_start3A = arith.constant 0 : i32
      %dma_start3A_55 = arith.constant 0 : i32
      %dma_start3A_56 = tpu.memref_slice %arg13[%run_scoped3A_38, %dma_start3A, %dma_start3A_55] : memref<5x128x64xf32, #tpu.memory_space<vmem>> -> memref<1x128x64xf32, #tpu.memory_space<vmem>>
      %dma_start3A_57 = tpu.memref_squeeze %dma_start3A_56 : memref<1x128x64xf32, #tpu.memory_space<vmem>> -> memref<128x64xf32, #tpu.memory_space<vmem>>
      %dma_start3A_58 = arith.constant 0 : i32
      %dma_start3A_59 = tpu.memref_slice %arg16[%add3A_37, %dma_start3A_58] : memref<10240x64xf32, #tpu.memory_space<vmem_shared>> -> memref<128x64xf32, #tpu.memory_space<vmem_shared>>
      %dma_start3A_60 = arith.constant 0 : i32
      %dma_start3A_61 = tpu.memref_slice %arg16[%add3A_37, %dma_start3A_60] : memref<10240x64xf32, #tpu.memory_space<vmem_shared>> -> memref<128x64xf32, #tpu.memory_space<vmem_shared>>
      %dma_start3A_62 = arith.constant 0 : i32
      %dma_start3A_63 = arith.constant 0 : i32
      %dma_start3A_64 = tpu.memref_slice %arg13[%run_scoped3A_38, %dma_start3A_62, %dma_start3A_63] : memref<5x128x64xf32, #tpu.memory_space<vmem>> -> memref<1x128x64xf32, #tpu.memory_space<vmem>>
      %dma_start3A_65 = tpu.memref_squeeze %dma_start3A_64 : memref<1x128x64xf32, #tpu.memory_space<vmem>> -> memref<128x64xf32, #tpu.memory_space<vmem>>
      tpu.enqueue_dma source(%dma_start3A_65 : memref<128x64xf32, #tpu.memory_space<vmem>>) target(%dma_start3A_61 : memref<128x64xf32, #tpu.memory_space<vmem_shared>>) target_semaphore(%run_scoped3A_54 : memref<!tpu.dma_semaphore, #tpu.memory_space<semaphore_mem>>)
      %dma_wait3A = arith.constant 0 : i32
      %dma_wait3A_66 = arith.constant 0 : i32
      %dma_wait3A_67 = tpu.memref_slice %arg13[%run_scoped3A_38, %dma_wait3A, %dma_wait3A_66] : memref<5x128x64xf32, #tpu.memory_space<vmem>> -> memref<1x128x64xf32, #tpu.memory_space<vmem>>
      %dma_wait3A_68 = tpu.memref_squeeze %dma_wait3A_67 : memref<1x128x64xf32, #tpu.memory_space<vmem>> -> memref<128x64xf32, #tpu.memory_space<vmem>>
      %dma_wait3A_69 = arith.constant 0 : i32
      %dma_wait3A_70 = tpu.memref_slice %arg16[%add3A_37, %dma_wait3A_69] : memref<10240x64xf32, #tpu.memory_space<vmem_shared>> -> memref<128x64xf32, #tpu.memory_space<vmem_shared>>
      %dma_wait3A_71 = arith.constant 0 : i32
      %dma_wait3A_72 = tpu.memref_slice %arg16[%add3A_37, %dma_wait3A_71] : memref<10240x64xf32, #tpu.memory_space<vmem_shared>> -> memref<128x64xf32, #tpu.memory_space<vmem_shared>>
      %dma_wait3A_73 = arith.constant 0 : i32
      %dma_wait3A_74 = arith.constant 0 : i32
      %dma_wait3A_75 = tpu.memref_slice %arg13[%run_scoped3A_38, %dma_wait3A_73, %dma_wait3A_74] : memref<5x128x64xf32, #tpu.memory_space<vmem>> -> memref<1x128x64xf32, #tpu.memory_space<vmem>>
      %dma_wait3A_76 = tpu.memref_squeeze %dma_wait3A_75 : memref<1x128x64xf32, #tpu.memory_space<vmem>> -> memref<128x64xf32, #tpu.memory_space<vmem>>
      tpu.wait_dma2 semaphore(%run_scoped3A_54 : memref<!tpu.dma_semaphore, #tpu.memory_space<semaphore_mem>>) src(%dma_wait3A_76 : memref<128x64xf32, #tpu.memory_space<vmem>>) dst(%dma_wait3A_72 : memref<128x64xf32, #tpu.memory_space<vmem_shared>>)
      tpu.yield
    }) : () -> ()
    "tpu.region"() ({
      %run_scoped3A_54 = tpu.sem_alloc : memref<!tpu.dma_semaphore, #tpu.memory_space<semaphore_mem>>
      %dma_start3A = arith.constant 0 : i32
      %dma_start3A_55 = tpu.memref_slice %arg17[%add3A_37, %dma_start3A] : memref<10240x16xf32, #tpu.memory_space<vmem_shared>> -> memref<128x16xf32, #tpu.memory_space<vmem_shared>>
      %dma_start3A_56 = arith.constant 0 : i32
      %dma_start3A_57 = tpu.memref_slice %arg17[%add3A_37, %dma_start3A_56] : memref<10240x16xf32, #tpu.memory_space<vmem_shared>> -> memref<128x16xf32, #tpu.memory_space<vmem_shared>>
      tpu.enqueue_dma source(%arg14 : memref<128x16xf32, #tpu.memory_space<vmem>>) target(%dma_start3A_57 : memref<128x16xf32, #tpu.memory_space<vmem_shared>>) target_semaphore(%run_scoped3A_54 : memref<!tpu.dma_semaphore, #tpu.memory_space<semaphore_mem>>)
      %dma_wait3A = arith.constant 0 : i32
      %dma_wait3A_58 = tpu.memref_slice %arg17[%add3A_37, %dma_wait3A] : memref<10240x16xf32, #tpu.memory_space<vmem_shared>> -> memref<128x16xf32, #tpu.memory_space<vmem_shared>>
      %dma_wait3A_59 = arith.constant 0 : i32
      %dma_wait3A_60 = tpu.memref_slice %arg17[%add3A_37, %dma_wait3A_59] : memref<10240x16xf32, #tpu.memory_space<vmem_shared>> -> memref<128x16xf32, #tpu.memory_space<vmem_shared>>
      tpu.wait_dma2 semaphore(%run_scoped3A_54 : memref<!tpu.dma_semaphore, #tpu.memory_space<semaphore_mem>>) src(%arg14 : memref<128x16xf32, #tpu.memory_space<vmem>>) dst(%dma_wait3A_60 : memref<128x16xf32, #tpu.memory_space<vmem_shared>>)
      tpu.yield
    }) : () -> ()
    %barrier3A = arith.constant 0 : index
    tpu.barrier barrier_id(%barrier3A)
    %mul3A_39 = arith.constant 160 : i32
    %mul3A_40 = arith.muli %arg1, %mul3A_39 : i32
    %scan3A_41 = arith.constant 0 : i32
    %scan3A_42 = arith.constant 32 : i32
    %scan3A_43 = arith.addi %scan3A_41, %scan3A_42 : i32
    %scan3A_44 = arith.constant 1 : i32
    scf.for %scan3A_54 = %scan3A_41 to %scan3A_43 step %scan3A_44  : i32 {
      %mul3A_55 = arith.constant 1 : i32
      %mul3A_56 = arith.muli %scan3A_54, %mul3A_55 : i32
      %add3A_57 = arith.constant 0 : i32
      %add3A_58 = arith.addi %add3A_57, %mul3A_56 : i32
      %mul3A_59 = arith.constant 5 : i32
      %mul3A_60 = arith.muli %add3A_58, %mul3A_59 : i32
      %add3A_61 = arith.constant 0 : i32
      %add3A_62 = arith.addi %mul3A_60, %add3A_61 : i32
      %dma_start3A = arith.constant 0 : i32
      %dma_start3A_63 = arith.constant 0 : i32
      %dma_start3A_64 = arith.constant 0 : i32
      %dma_start3A_65 = tpu.memref_slice %arg13[%dma_start3A, %dma_start3A_63, %dma_start3A_64] : memref<5x128x64xf32, #tpu.memory_space<vmem>> -> memref<1x128x64xf32, #tpu.memory_space<vmem>>
      %dma_start3A_66 = tpu.memref_squeeze %dma_start3A_65 : memref<1x128x64xf32, #tpu.memory_space<vmem>> -> memref<128x64xf32, #tpu.memory_space<vmem>>
      %dma_start3A_67 = arith.constant 0 : i32
      %dma_start3A_68 = tpu.memref_slice %arg7[%add3A_62, %dma_start3A_67] : memref<160x128xi32, #tpu.memory_space<vmem>> -> memref<1x128xi32, #tpu.memory_space<vmem>>
      %dma_start3A_69 = tpu.memref_squeeze %dma_start3A_68 : memref<1x128xi32, #tpu.memory_space<vmem>> -> memref<128xi32, #tpu.memory_space<vmem>>
      %dma_start3A_70 = arith.constant 0 : i32
      %dma_start3A_71 = arith.constant 0 : i32
      %dma_start3A_72 = tpu.memref_slice %arg2[%dma_start3A_70, %dma_start3A_71] : memref<20000x64xf32, #tpu.memory_space<hbm>> -> memref<20000x64xf32, #tpu.memory_space<hbm>>
      tpu.enqueue_indirect_dma source(%dma_start3A_72 : memref<20000x64xf32, #tpu.memory_space<hbm>>) target(%dma_start3A_66 : memref<128x64xf32, #tpu.memory_space<vmem>>) offsets(%dma_start3A_69 : memref<128xi32, #tpu.memory_space<vmem>>) semaphore(%arg18 : memref<!tpu.dma_semaphore, #tpu.memory_space<semaphore_mem>>)
      %add3A_73 = arith.addi %mul3A_40, %add3A_62 : i32
      %dma_start3A_74 = arith.constant 0 : i32
      %dma_start3A_75 = tpu.memref_slice %arg4[%add3A_73, %dma_start3A_74] : memref<2560x128xi32, #tpu.memory_space<hbm>> -> memref<1x128xi32, #tpu.memory_space<hbm>>
      %dma_start3A_76 = tpu.memref_squeeze %dma_start3A_75 : memref<1x128xi32, #tpu.memory_space<hbm>> -> memref<128xi32, #tpu.memory_space<hbm>>
      %dma_start3A_77 = arith.constant 0 : i32
      %dma_start3A_78 = tpu.memref_slice %arg4[%add3A_73, %dma_start3A_77] : memref<2560x128xi32, #tpu.memory_space<hbm>> -> memref<1x128xi32, #tpu.memory_space<hbm>>
      %dma_start3A_79 = tpu.memref_squeeze %dma_start3A_78 : memref<1x128xi32, #tpu.memory_space<hbm>> -> memref<128xi32, #tpu.memory_space<hbm>>
      tpu.enqueue_dma source(%dma_start3A_79 : memref<128xi32, #tpu.memory_space<hbm>>) target(%arg8 : memref<128xi32, #tpu.memory_space<vmem>>) target_semaphore(%arg23 : memref<!tpu.dma_semaphore, #tpu.memory_space<semaphore_mem>>)
      %add3A_80 = arith.constant 1 : i32
      %add3A_81 = arith.addi %mul3A_60, %add3A_80 : i32
      %dma_start3A_82 = arith.constant 1 : i32
      %dma_start3A_83 = arith.constant 0 : i32
      %dma_start3A_84 = arith.constant 0 : i32
      %dma_start3A_85 = tpu.memref_slice %arg13[%dma_start3A_82, %dma_start3A_83, %dma_start3A_84] : memref<5x128x64xf32, #tpu.memory_space<vmem>> -> memref<1x128x64xf32, #tpu.memory_space<vmem>>
      %dma_start3A_86 = tpu.memref_squeeze %dma_start3A_85 : memref<1x128x64xf32, #tpu.memory_space<vmem>> -> memref<128x64xf32, #tpu.memory_space<vmem>>
      %dma_start3A_87 = arith.constant 0 : i32
      %dma_start3A_88 = tpu.memref_slice %arg7[%add3A_81, %dma_start3A_87] : memref<160x128xi32, #tpu.memory_space<vmem>> -> memref<1x128xi32, #tpu.memory_space<vmem>>
      %dma_start3A_89 = tpu.memref_squeeze %dma_start3A_88 : memref<1x128xi32, #tpu.memory_space<vmem>> -> memref<128xi32, #tpu.memory_space<vmem>>
      %dma_start3A_90 = arith.constant 0 : i32
      %dma_start3A_91 = arith.constant 0 : i32
      %dma_start3A_92 = tpu.memref_slice %arg2[%dma_start3A_90, %dma_start3A_91] : memref<20000x64xf32, #tpu.memory_space<hbm>> -> memref<20000x64xf32, #tpu.memory_space<hbm>>
      tpu.enqueue_indirect_dma source(%dma_start3A_92 : memref<20000x64xf32, #tpu.memory_space<hbm>>) target(%dma_start3A_86 : memref<128x64xf32, #tpu.memory_space<vmem>>) offsets(%dma_start3A_89 : memref<128xi32, #tpu.memory_space<vmem>>) semaphore(%arg19 : memref<!tpu.dma_semaphore, #tpu.memory_space<semaphore_mem>>)
      %add3A_93 = arith.addi %mul3A_40, %add3A_81 : i32
      %dma_start3A_94 = arith.constant 0 : i32
      %dma_start3A_95 = tpu.memref_slice %arg4[%add3A_93, %dma_start3A_94] : memref<2560x128xi32, #tpu.memory_space<hbm>> -> memref<1x128xi32, #tpu.memory_space<hbm>>
      %dma_start3A_96 = tpu.memref_squeeze %dma_start3A_95 : memref<1x128xi32, #tpu.memory_space<hbm>> -> memref<128xi32, #tpu.memory_space<hbm>>
      %dma_start3A_97 = arith.constant 0 : i32
      %dma_start3A_98 = tpu.memref_slice %arg4[%add3A_93, %dma_start3A_97] : memref<2560x128xi32, #tpu.memory_space<hbm>> -> memref<1x128xi32, #tpu.memory_space<hbm>>
      %dma_start3A_99 = tpu.memref_squeeze %dma_start3A_98 : memref<1x128xi32, #tpu.memory_space<hbm>> -> memref<128xi32, #tpu.memory_space<hbm>>
      tpu.enqueue_dma source(%dma_start3A_99 : memref<128xi32, #tpu.memory_space<hbm>>) target(%arg9 : memref<128xi32, #tpu.memory_space<vmem>>) target_semaphore(%arg24 : memref<!tpu.dma_semaphore, #tpu.memory_space<semaphore_mem>>)
      %add3A_100 = arith.constant 2 : i32
      %add3A_101 = arith.addi %mul3A_60, %add3A_100 : i32
      %dma_start3A_102 = arith.constant 2 : i32
      %dma_start3A_103 = arith.constant 0 : i32
      %dma_start3A_104 = arith.constant 0 : i32
      %dma_start3A_105 = tpu.memref_slice %arg13[%dma_start3A_102, %dma_start3A_103, %dma_start3A_104] : memref<5x128x64xf32, #tpu.memory_space<vmem>> -> memref<1x128x64xf32, #tpu.memory_space<vmem>>
      %dma_start3A_106 = tpu.memref_squeeze %dma_start3A_105 : memref<1x128x64xf32, #tpu.memory_space<vmem>> -> memref<128x64xf32, #tpu.memory_space<vmem>>
      %dma_start3A_107 = arith.constant 0 : i32
      %dma_start3A_108 = tpu.memref_slice %arg7[%add3A_101, %dma_start3A_107] : memref<160x128xi32, #tpu.memory_space<vmem>> -> memref<1x128xi32, #tpu.memory_space<vmem>>
      %dma_start3A_109 = tpu.memref_squeeze %dma_start3A_108 : memref<1x128xi32, #tpu.memory_space<vmem>> -> memref<128xi32, #tpu.memory_space<vmem>>
      %dma_start3A_110 = arith.constant 0 : i32
      %dma_start3A_111 = arith.constant 0 : i32
      %dma_start3A_112 = tpu.memref_slice %arg2[%dma_start3A_110, %dma_start3A_111] : memref<20000x64xf32, #tpu.memory_space<hbm>> -> memref<20000x64xf32, #tpu.memory_space<hbm>>
      tpu.enqueue_indirect_dma source(%dma_start3A_112 : memref<20000x64xf32, #tpu.memory_space<hbm>>) target(%dma_start3A_106 : memref<128x64xf32, #tpu.memory_space<vmem>>) offsets(%dma_start3A_109 : memref<128xi32, #tpu.memory_space<vmem>>) semaphore(%arg20 : memref<!tpu.dma_semaphore, #tpu.memory_space<semaphore_mem>>)
      %add3A_113 = arith.addi %mul3A_40, %add3A_101 : i32
      %dma_start3A_114 = arith.constant 0 : i32
      %dma_start3A_115 = tpu.memref_slice %arg4[%add3A_113, %dma_start3A_114] : memref<2560x128xi32, #tpu.memory_space<hbm>> -> memref<1x128xi32, #tpu.memory_space<hbm>>
      %dma_start3A_116 = tpu.memref_squeeze %dma_start3A_115 : memref<1x128xi32, #tpu.memory_space<hbm>> -> memref<128xi32, #tpu.memory_space<hbm>>
      %dma_start3A_117 = arith.constant 0 : i32
      %dma_start3A_118 = tpu.memref_slice %arg4[%add3A_113, %dma_start3A_117] : memref<2560x128xi32, #tpu.memory_space<hbm>> -> memref<1x128xi32, #tpu.memory_space<hbm>>
      %dma_start3A_119 = tpu.memref_squeeze %dma_start3A_118 : memref<1x128xi32, #tpu.memory_space<hbm>> -> memref<128xi32, #tpu.memory_space<hbm>>
      tpu.enqueue_dma source(%dma_start3A_119 : memref<128xi32, #tpu.memory_space<hbm>>) target(%arg10 : memref<128xi32, #tpu.memory_space<vmem>>) target_semaphore(%arg25 : memref<!tpu.dma_semaphore, #tpu.memory_space<semaphore_mem>>)
      %add3A_120 = arith.constant 3 : i32
      %add3A_121 = arith.addi %mul3A_60, %add3A_120 : i32
      %dma_start3A_122 = arith.constant 3 : i32
      %dma_start3A_123 = arith.constant 0 : i32
      %dma_start3A_124 = arith.constant 0 : i32
      %dma_start3A_125 = tpu.memref_slice %arg13[%dma_start3A_122, %dma_start3A_123, %dma_start3A_124] : memref<5x128x64xf32, #tpu.memory_space<vmem>> -> memref<1x128x64xf32, #tpu.memory_space<vmem>>
      %dma_start3A_126 = tpu.memref_squeeze %dma_start3A_125 : memref<1x128x64xf32, #tpu.memory_space<vmem>> -> memref<128x64xf32, #tpu.memory_space<vmem>>
      %dma_start3A_127 = arith.constant 0 : i32
      %dma_start3A_128 = tpu.memref_slice %arg7[%add3A_121, %dma_start3A_127] : memref<160x128xi32, #tpu.memory_space<vmem>> -> memref<1x128xi32, #tpu.memory_space<vmem>>
      %dma_start3A_129 = tpu.memref_squeeze %dma_start3A_128 : memref<1x128xi32, #tpu.memory_space<vmem>> -> memref<128xi32, #tpu.memory_space<vmem>>
      %dma_start3A_130 = arith.constant 0 : i32
      %dma_start3A_131 = arith.constant 0 : i32
      %dma_start3A_132 = tpu.memref_slice %arg2[%dma_start3A_130, %dma_start3A_131] : memref<20000x64xf32, #tpu.memory_space<hbm>> -> memref<20000x64xf32, #tpu.memory_space<hbm>>
      tpu.enqueue_indirect_dma source(%dma_start3A_132 : memref<20000x64xf32, #tpu.memory_space<hbm>>) target(%dma_start3A_126 : memref<128x64xf32, #tpu.memory_space<vmem>>) offsets(%dma_start3A_129 : memref<128xi32, #tpu.memory_space<vmem>>) semaphore(%arg21 : memref<!tpu.dma_semaphore, #tpu.memory_space<semaphore_mem>>)
      %add3A_133 = arith.addi %mul3A_40, %add3A_121 : i32
      %dma_start3A_134 = arith.constant 0 : i32
      %dma_start3A_135 = tpu.memref_slice %arg4[%add3A_133, %dma_start3A_134] : memref<2560x128xi32, #tpu.memory_space<hbm>> -> memref<1x128xi32, #tpu.memory_space<hbm>>
      %dma_start3A_136 = tpu.memref_squeeze %dma_start3A_135 : memref<1x128xi32, #tpu.memory_space<hbm>> -> memref<128xi32, #tpu.memory_space<hbm>>
      %dma_start3A_137 = arith.constant 0 : i32
      %dma_start3A_138 = tpu.memref_slice %arg4[%add3A_133, %dma_start3A_137] : memref<2560x128xi32, #tpu.memory_space<hbm>> -> memref<1x128xi32, #tpu.memory_space<hbm>>
      %dma_start3A_139 = tpu.memref_squeeze %dma_start3A_138 : memref<1x128xi32, #tpu.memory_space<hbm>> -> memref<128xi32, #tpu.memory_space<hbm>>
      tpu.enqueue_dma source(%dma_start3A_139 : memref<128xi32, #tpu.memory_space<hbm>>) target(%arg11 : memref<128xi32, #tpu.memory_space<vmem>>) target_semaphore(%arg26 : memref<!tpu.dma_semaphore, #tpu.memory_space<semaphore_mem>>)
      %add3A_140 = arith.constant 4 : i32
      %add3A_141 = arith.addi %mul3A_60, %add3A_140 : i32
      %dma_start3A_142 = arith.constant 4 : i32
      %dma_start3A_143 = arith.constant 0 : i32
      %dma_start3A_144 = arith.constant 0 : i32
      %dma_start3A_145 = tpu.memref_slice %arg13[%dma_start3A_142, %dma_start3A_143, %dma_start3A_144] : memref<5x128x64xf32, #tpu.memory_space<vmem>> -> memref<1x128x64xf32, #tpu.memory_space<vmem>>
      %dma_start3A_146 = tpu.memref_squeeze %dma_start3A_145 : memref<1x128x64xf32, #tpu.memory_space<vmem>> -> memref<128x64xf32, #tpu.memory_space<vmem>>
      %dma_start3A_147 = arith.constant 0 : i32
      %dma_start3A_148 = tpu.memref_slice %arg7[%add3A_141, %dma_start3A_147] : memref<160x128xi32, #tpu.memory_space<vmem>> -> memref<1x128xi32, #tpu.memory_space<vmem>>
      %dma_start3A_149 = tpu.memref_squeeze %dma_start3A_148 : memref<1x128xi32, #tpu.memory_space<vmem>> -> memref<128xi32, #tpu.memory_space<vmem>>
      %dma_start3A_150 = arith.constant 0 : i32
      %dma_start3A_151 = arith.constant 0 : i32
      %dma_start3A_152 = tpu.memref_slice %arg2[%dma_start3A_150, %dma_start3A_151] : memref<20000x64xf32, #tpu.memory_space<hbm>> -> memref<20000x64xf32, #tpu.memory_space<hbm>>
      tpu.enqueue_indirect_dma source(%dma_start3A_152 : memref<20000x64xf32, #tpu.memory_space<hbm>>) target(%dma_start3A_146 : memref<128x64xf32, #tpu.memory_space<vmem>>) offsets(%dma_start3A_149 : memref<128xi32, #tpu.memory_space<vmem>>) semaphore(%arg22 : memref<!tpu.dma_semaphore, #tpu.memory_space<semaphore_mem>>)
      %add3A_153 = arith.addi %mul3A_40, %add3A_141 : i32
      %dma_start3A_154 = arith.constant 0 : i32
      %dma_start3A_155 = tpu.memref_slice %arg4[%add3A_153, %dma_start3A_154] : memref<2560x128xi32, #tpu.memory_space<hbm>> -> memref<1x128xi32, #tpu.memory_space<hbm>>
      %dma_start3A_156 = tpu.memref_squeeze %dma_start3A_155 : memref<1x128xi32, #tpu.memory_space<hbm>> -> memref<128xi32, #tpu.memory_space<hbm>>
      %dma_start3A_157 = arith.constant 0 : i32
      %dma_start3A_158 = tpu.memref_slice %arg4[%add3A_153, %dma_start3A_157] : memref<2560x128xi32, #tpu.memory_space<hbm>> -> memref<1x128xi32, #tpu.memory_space<hbm>>
      %dma_start3A_159 = tpu.memref_squeeze %dma_start3A_158 : memref<1x128xi32, #tpu.memory_space<hbm>> -> memref<128xi32, #tpu.memory_space<hbm>>
      tpu.enqueue_dma source(%dma_start3A_159 : memref<128xi32, #tpu.memory_space<hbm>>) target(%arg12 : memref<128xi32, #tpu.memory_space<vmem>>) target_semaphore(%arg27 : memref<!tpu.dma_semaphore, #tpu.memory_space<semaphore_mem>>)
      %dma_wait3A = arith.constant 0 : i32
      %dma_wait3A_160 = tpu.memref_slice %arg4[%add3A_73, %dma_wait3A] : memref<2560x128xi32, #tpu.memory_space<hbm>> -> memref<1x128xi32, #tpu.memory_space<hbm>>
      %dma_wait3A_161 = tpu.memref_squeeze %dma_wait3A_160 : memref<1x128xi32, #tpu.memory_space<hbm>> -> memref<128xi32, #tpu.memory_space<hbm>>
      %dma_wait3A_162 = arith.constant 0 : i32
      %dma_wait3A_163 = tpu.memref_slice %arg4[%add3A_73, %dma_wait3A_162] : memref<2560x128xi32, #tpu.memory_space<hbm>> -> memref<1x128xi32, #tpu.memory_space<hbm>>
      %dma_wait3A_164 = tpu.memref_squeeze %dma_wait3A_163 : memref<1x128xi32, #tpu.memory_space<hbm>> -> memref<128xi32, #tpu.memory_space<hbm>>
      tpu.wait_dma2 semaphore(%arg23 : memref<!tpu.dma_semaphore, #tpu.memory_space<semaphore_mem>>) src(%dma_wait3A_164 : memref<128xi32, #tpu.memory_space<hbm>>) dst(%arg8 : memref<128xi32, #tpu.memory_space<vmem>>)
      %dma_wait3A_165 = arith.constant 0 : i32
      %dma_wait3A_166 = arith.constant 0 : i32
      %dma_wait3A_167 = arith.constant 0 : i32
      %dma_wait3A_168 = tpu.memref_slice %arg13[%dma_wait3A_165, %dma_wait3A_166, %dma_wait3A_167] : memref<5x128x64xf32, #tpu.memory_space<vmem>> -> memref<1x128x64xf32, #tpu.memory_space<vmem>>
      %dma_wait3A_169 = tpu.memref_squeeze %dma_wait3A_168 : memref<1x128x64xf32, #tpu.memory_space<vmem>> -> memref<128x64xf32, #tpu.memory_space<vmem>>
      %dma_wait3A_170 = arith.constant 0 : i32
      %dma_wait3A_171 = tpu.memref_slice %arg7[%add3A_62, %dma_wait3A_170] : memref<160x128xi32, #tpu.memory_space<vmem>> -> memref<1x128xi32, #tpu.memory_space<vmem>>
      %dma_wait3A_172 = tpu.memref_squeeze %dma_wait3A_171 : memref<1x128xi32, #tpu.memory_space<vmem>> -> memref<128xi32, #tpu.memory_space<vmem>>
      %dma_wait3A_173 = arith.constant 0 : i32
      %dma_wait3A_174 = arith.constant 0 : i32
      %dma_wait3A_175 = tpu.memref_slice %arg2[%dma_wait3A_173, %dma_wait3A_174] : memref<20000x64xf32, #tpu.memory_space<hbm>> -> memref<20000x64xf32, #tpu.memory_space<hbm>>
      tpu.wait_indirect_dma semaphore(%arg18 : memref<!tpu.dma_semaphore, #tpu.memory_space<semaphore_mem>>) src(%dma_wait3A_175 : memref<20000x64xf32, #tpu.memory_space<hbm>>) dst(%dma_wait3A_169 : memref<128x64xf32, #tpu.memory_space<vmem>>)
      %dma_start3A_176 = arith.constant 0 : i32
      %dma_start3A_177 = arith.constant 0 : i32
      %dma_start3A_178 = arith.constant 0 : i32
      %dma_start3A_179 = tpu.memref_slice %arg13[%dma_start3A_176, %dma_start3A_177, %dma_start3A_178] : memref<5x128x64xf32, #tpu.memory_space<vmem>> -> memref<1x128x64xf32, #tpu.memory_space<vmem>>
      %dma_start3A_180 = tpu.memref_squeeze %dma_start3A_179 : memref<1x128x64xf32, #tpu.memory_space<vmem>> -> memref<128x64xf32, #tpu.memory_space<vmem>>
      %dma_start3A_181 = arith.constant 0 : i32
      %dma_start3A_182 = arith.constant 0 : i32
      %dma_start3A_183 = tpu.memref_slice %arg16[%dma_start3A_181, %dma_start3A_182] : memref<10240x64xf32, #tpu.memory_space<vmem_shared>> -> memref<10240x64xf32, #tpu.memory_space<vmem_shared>>
      tpu.enqueue_indirect_dma source(%dma_start3A_180 : memref<128x64xf32, #tpu.memory_space<vmem>>) target(%dma_start3A_183 : memref<10240x64xf32, #tpu.memory_space<vmem_shared>>) offsets(%arg8 : memref<128xi32, #tpu.memory_space<vmem>>) semaphore(%arg28 : memref<!tpu.dma_semaphore, #tpu.memory_space<semaphore_mem>>) {add = true}
      %convert_element_type3A_184 = arith.extui %eq3A_0 : i1 to i32
      %cond3A_185 = arith.constant 0 : i32
      %cond3A_186 = arith.cmpi ne, %convert_element_type3A_184, %cond3A_185 : i32
      scf.if %cond3A_186 {
        %dma_start3A_354 = arith.constant 0 : i32
        %dma_start3A_355 = arith.constant 0 : i32
        %dma_start3A_356 = tpu.memref_slice %arg17[%dma_start3A_354, %dma_start3A_355] : memref<10240x16xf32, #tpu.memory_space<vmem_shared>> -> memref<10240x16xf32, #tpu.memory_space<vmem_shared>>
        tpu.enqueue_indirect_dma source(%arg15 : memref<128x16xf32, #tpu.memory_space<vmem>>) target(%dma_start3A_356 : memref<10240x16xf32, #tpu.memory_space<vmem_shared>>) offsets(%arg8 : memref<128xi32, #tpu.memory_space<vmem>>) semaphore(%arg29 : memref<!tpu.dma_semaphore, #tpu.memory_space<semaphore_mem>>) {add = true}
      } else {
      }
      %dma_wait3A_187 = arith.constant 0 : i32
      %dma_wait3A_188 = tpu.memref_slice %arg4[%add3A_93, %dma_wait3A_187] : memref<2560x128xi32, #tpu.memory_space<hbm>> -> memref<1x128xi32, #tpu.memory_space<hbm>>
      %dma_wait3A_189 = tpu.memref_squeeze %dma_wait3A_188 : memref<1x128xi32, #tpu.memory_space<hbm>> -> memref<128xi32, #tpu.memory_space<hbm>>
      %dma_wait3A_190 = arith.constant 0 : i32
      %dma_wait3A_191 = tpu.memref_slice %arg4[%add3A_93, %dma_wait3A_190] : memref<2560x128xi32, #tpu.memory_space<hbm>> -> memref<1x128xi32, #tpu.memory_space<hbm>>
      %dma_wait3A_192 = tpu.memref_squeeze %dma_wait3A_191 : memref<1x128xi32, #tpu.memory_space<hbm>> -> memref<128xi32, #tpu.memory_space<hbm>>
      tpu.wait_dma2 semaphore(%arg24 : memref<!tpu.dma_semaphore, #tpu.memory_space<semaphore_mem>>) src(%dma_wait3A_192 : memref<128xi32, #tpu.memory_space<hbm>>) dst(%arg9 : memref<128xi32, #tpu.memory_space<vmem>>)
      %dma_wait3A_193 = arith.constant 1 : i32
      %dma_wait3A_194 = arith.constant 0 : i32
      %dma_wait3A_195 = arith.constant 0 : i32
      %dma_wait3A_196 = tpu.memref_slice %arg13[%dma_wait3A_193, %dma_wait3A_194, %dma_wait3A_195] : memref<5x128x64xf32, #tpu.memory_space<vmem>> -> memref<1x128x64xf32, #tpu.memory_space<vmem>>
      %dma_wait3A_197 = tpu.memref_squeeze %dma_wait3A_196 : memref<1x128x64xf32, #tpu.memory_space<vmem>> -> memref<128x64xf32, #tpu.memory_space<vmem>>
      %dma_wait3A_198 = arith.constant 0 : i32
      %dma_wait3A_199 = tpu.memref_slice %arg7[%add3A_81, %dma_wait3A_198] : memref<160x128xi32, #tpu.memory_space<vmem>> -> memref<1x128xi32, #tpu.memory_space<vmem>>
      %dma_wait3A_200 = tpu.memref_squeeze %dma_wait3A_199 : memref<1x128xi32, #tpu.memory_space<vmem>> -> memref<128xi32, #tpu.memory_space<vmem>>
      %dma_wait3A_201 = arith.constant 0 : i32
      %dma_wait3A_202 = arith.constant 0 : i32
      %dma_wait3A_203 = tpu.memref_slice %arg2[%dma_wait3A_201, %dma_wait3A_202] : memref<20000x64xf32, #tpu.memory_space<hbm>> -> memref<20000x64xf32, #tpu.memory_space<hbm>>
      tpu.wait_indirect_dma semaphore(%arg19 : memref<!tpu.dma_semaphore, #tpu.memory_space<semaphore_mem>>) src(%dma_wait3A_203 : memref<20000x64xf32, #tpu.memory_space<hbm>>) dst(%dma_wait3A_197 : memref<128x64xf32, #tpu.memory_space<vmem>>)
      %dma_start3A_204 = arith.constant 1 : i32
      %dma_start3A_205 = arith.constant 0 : i32
      %dma_start3A_206 = arith.constant 0 : i32
      %dma_start3A_207 = tpu.memref_slice %arg13[%dma_start3A_204, %dma_start3A_205, %dma_start3A_206] : memref<5x128x64xf32, #tpu.memory_space<vmem>> -> memref<1x128x64xf32, #tpu.memory_space<vmem>>
      %dma_start3A_208 = tpu.memref_squeeze %dma_start3A_207 : memref<1x128x64xf32, #tpu.memory_space<vmem>> -> memref<128x64xf32, #tpu.memory_space<vmem>>
      %dma_start3A_209 = arith.constant 0 : i32
      %dma_start3A_210 = arith.constant 0 : i32
      %dma_start3A_211 = tpu.memref_slice %arg16[%dma_start3A_209, %dma_start3A_210] : memref<10240x64xf32, #tpu.memory_space<vmem_shared>> -> memref<10240x64xf32, #tpu.memory_space<vmem_shared>>
      tpu.enqueue_indirect_dma source(%dma_start3A_208 : memref<128x64xf32, #tpu.memory_space<vmem>>) target(%dma_start3A_211 : memref<10240x64xf32, #tpu.memory_space<vmem_shared>>) offsets(%arg9 : memref<128xi32, #tpu.memory_space<vmem>>) semaphore(%arg28 : memref<!tpu.dma_semaphore, #tpu.memory_space<semaphore_mem>>) {add = true}
      %convert_element_type3A_212 = arith.extui %eq3A_0 : i1 to i32
      %cond3A_213 = arith.constant 0 : i32
      %cond3A_214 = arith.cmpi ne, %convert_element_type3A_212, %cond3A_213 : i32
      scf.if %cond3A_214 {
        %dma_start3A_354 = arith.constant 0 : i32
        %dma_start3A_355 = arith.constant 0 : i32
        %dma_start3A_356 = tpu.memref_slice %arg17[%dma_start3A_354, %dma_start3A_355] : memref<10240x16xf32, #tpu.memory_space<vmem_shared>> -> memref<10240x16xf32, #tpu.memory_space<vmem_shared>>
        tpu.enqueue_indirect_dma source(%arg15 : memref<128x16xf32, #tpu.memory_space<vmem>>) target(%dma_start3A_356 : memref<10240x16xf32, #tpu.memory_space<vmem_shared>>) offsets(%arg9 : memref<128xi32, #tpu.memory_space<vmem>>) semaphore(%arg29 : memref<!tpu.dma_semaphore, #tpu.memory_space<semaphore_mem>>) {add = true}
      } else {
      }
      %dma_wait3A_215 = arith.constant 0 : i32
      %dma_wait3A_216 = tpu.memref_slice %arg4[%add3A_113, %dma_wait3A_215] : memref<2560x128xi32, #tpu.memory_space<hbm>> -> memref<1x128xi32, #tpu.memory_space<hbm>>
      %dma_wait3A_217 = tpu.memref_squeeze %dma_wait3A_216 : memref<1x128xi32, #tpu.memory_space<hbm>> -> memref<128xi32, #tpu.memory_space<hbm>>
      %dma_wait3A_218 = arith.constant 0 : i32
      %dma_wait3A_219 = tpu.memref_slice %arg4[%add3A_113, %dma_wait3A_218] : memref<2560x128xi32, #tpu.memory_space<hbm>> -> memref<1x128xi32, #tpu.memory_space<hbm>>
      %dma_wait3A_220 = tpu.memref_squeeze %dma_wait3A_219 : memref<1x128xi32, #tpu.memory_space<hbm>> -> memref<128xi32, #tpu.memory_space<hbm>>
      tpu.wait_dma2 semaphore(%arg25 : memref<!tpu.dma_semaphore, #tpu.memory_space<semaphore_mem>>) src(%dma_wait3A_220 : memref<128xi32, #tpu.memory_space<hbm>>) dst(%arg10 : memref<128xi32, #tpu.memory_space<vmem>>)
      %dma_wait3A_221 = arith.constant 2 : i32
      %dma_wait3A_222 = arith.constant 0 : i32
      %dma_wait3A_223 = arith.constant 0 : i32
      %dma_wait3A_224 = tpu.memref_slice %arg13[%dma_wait3A_221, %dma_wait3A_222, %dma_wait3A_223] : memref<5x128x64xf32, #tpu.memory_space<vmem>> -> memref<1x128x64xf32, #tpu.memory_space<vmem>>
      %dma_wait3A_225 = tpu.memref_squeeze %dma_wait3A_224 : memref<1x128x64xf32, #tpu.memory_space<vmem>> -> memref<128x64xf32, #tpu.memory_space<vmem>>
      %dma_wait3A_226 = arith.constant 0 : i32
      %dma_wait3A_227 = tpu.memref_slice %arg7[%add3A_101, %dma_wait3A_226] : memref<160x128xi32, #tpu.memory_space<vmem>> -> memref<1x128xi32, #tpu.memory_space<vmem>>
      %dma_wait3A_228 = tpu.memref_squeeze %dma_wait3A_227 : memref<1x128xi32, #tpu.memory_space<vmem>> -> memref<128xi32, #tpu.memory_space<vmem>>
      %dma_wait3A_229 = arith.constant 0 : i32
      %dma_wait3A_230 = arith.constant 0 : i32
      %dma_wait3A_231 = tpu.memref_slice %arg2[%dma_wait3A_229, %dma_wait3A_230] : memref<20000x64xf32, #tpu.memory_space<hbm>> -> memref<20000x64xf32, #tpu.memory_space<hbm>>
      tpu.wait_indirect_dma semaphore(%arg20 : memref<!tpu.dma_semaphore, #tpu.memory_space<semaphore_mem>>) src(%dma_wait3A_231 : memref<20000x64xf32, #tpu.memory_space<hbm>>) dst(%dma_wait3A_225 : memref<128x64xf32, #tpu.memory_space<vmem>>)
      %dma_start3A_232 = arith.constant 2 : i32
      %dma_start3A_233 = arith.constant 0 : i32
      %dma_start3A_234 = arith.constant 0 : i32
      %dma_start3A_235 = tpu.memref_slice %arg13[%dma_start3A_232, %dma_start3A_233, %dma_start3A_234] : memref<5x128x64xf32, #tpu.memory_space<vmem>> -> memref<1x128x64xf32, #tpu.memory_space<vmem>>
      %dma_start3A_236 = tpu.memref_squeeze %dma_start3A_235 : memref<1x128x64xf32, #tpu.memory_space<vmem>> -> memref<128x64xf32, #tpu.memory_space<vmem>>
      %dma_start3A_237 = arith.constant 0 : i32
      %dma_start3A_238 = arith.constant 0 : i32
      %dma_start3A_239 = tpu.memref_slice %arg16[%dma_start3A_237, %dma_start3A_238] : memref<10240x64xf32, #tpu.memory_space<vmem_shared>> -> memref<10240x64xf32, #tpu.memory_space<vmem_shared>>
      tpu.enqueue_indirect_dma source(%dma_start3A_236 : memref<128x64xf32, #tpu.memory_space<vmem>>) target(%dma_start3A_239 : memref<10240x64xf32, #tpu.memory_space<vmem_shared>>) offsets(%arg10 : memref<128xi32, #tpu.memory_space<vmem>>) semaphore(%arg28 : memref<!tpu.dma_semaphore, #tpu.memory_space<semaphore_mem>>) {add = true}
      %convert_element_type3A_240 = arith.extui %eq3A_0 : i1 to i32
      %cond3A_241 = arith.constant 0 : i32
      %cond3A_242 = arith.cmpi ne, %convert_element_type3A_240, %cond3A_241 : i32
      scf.if %cond3A_242 {
        %dma_start3A_354 = arith.constant 0 : i32
        %dma_start3A_355 = arith.constant 0 : i32
        %dma_start3A_356 = tpu.memref_slice %arg17[%dma_start3A_354, %dma_start3A_355] : memref<10240x16xf32, #tpu.memory_space<vmem_shared>> -> memref<10240x16xf32, #tpu.memory_space<vmem_shared>>
        tpu.enqueue_indirect_dma source(%arg15 : memref<128x16xf32, #tpu.memory_space<vmem>>) target(%dma_start3A_356 : memref<10240x16xf32, #tpu.memory_space<vmem_shared>>) offsets(%arg10 : memref<128xi32, #tpu.memory_space<vmem>>) semaphore(%arg29 : memref<!tpu.dma_semaphore, #tpu.memory_space<semaphore_mem>>) {add = true}
      } else {
      }
      %dma_wait3A_243 = arith.constant 0 : i32
      %dma_wait3A_244 = tpu.memref_slice %arg4[%add3A_133, %dma_wait3A_243] : memref<2560x128xi32, #tpu.memory_space<hbm>> -> memref<1x128xi32, #tpu.memory_space<hbm>>
      %dma_wait3A_245 = tpu.memref_squeeze %dma_wait3A_244 : memref<1x128xi32, #tpu.memory_space<hbm>> -> memref<128xi32, #tpu.memory_space<hbm>>
      %dma_wait3A_246 = arith.constant 0 : i32
      %dma_wait3A_247 = tpu.memref_slice %arg4[%add3A_133, %dma_wait3A_246] : memref<2560x128xi32, #tpu.memory_space<hbm>> -> memref<1x128xi32, #tpu.memory_space<hbm>>
      %dma_wait3A_248 = tpu.memref_squeeze %dma_wait3A_247 : memref<1x128xi32, #tpu.memory_space<hbm>> -> memref<128xi32, #tpu.memory_space<hbm>>
      tpu.wait_dma2 semaphore(%arg26 : memref<!tpu.dma_semaphore, #tpu.memory_space<semaphore_mem>>) src(%dma_wait3A_248 : memref<128xi32, #tpu.memory_space<hbm>>) dst(%arg11 : memref<128xi32, #tpu.memory_space<vmem>>)
      %dma_wait3A_249 = arith.constant 3 : i32
      %dma_wait3A_250 = arith.constant 0 : i32
      %dma_wait3A_251 = arith.constant 0 : i32
      %dma_wait3A_252 = tpu.memref_slice %arg13[%dma_wait3A_249, %dma_wait3A_250, %dma_wait3A_251] : memref<5x128x64xf32, #tpu.memory_space<vmem>> -> memref<1x128x64xf32, #tpu.memory_space<vmem>>
      %dma_wait3A_253 = tpu.memref_squeeze %dma_wait3A_252 : memref<1x128x64xf32, #tpu.memory_space<vmem>> -> memref<128x64xf32, #tpu.memory_space<vmem>>
      %dma_wait3A_254 = arith.constant 0 : i32
      %dma_wait3A_255 = tpu.memref_slice %arg7[%add3A_121, %dma_wait3A_254] : memref<160x128xi32, #tpu.memory_space<vmem>> -> memref<1x128xi32, #tpu.memory_space<vmem>>
      %dma_wait3A_256 = tpu.memref_squeeze %dma_wait3A_255 : memref<1x128xi32, #tpu.memory_space<vmem>> -> memref<128xi32, #tpu.memory_space<vmem>>
      %dma_wait3A_257 = arith.constant 0 : i32
      %dma_wait3A_258 = arith.constant 0 : i32
      %dma_wait3A_259 = tpu.memref_slice %arg2[%dma_wait3A_257, %dma_wait3A_258] : memref<20000x64xf32, #tpu.memory_space<hbm>> -> memref<20000x64xf32, #tpu.memory_space<hbm>>
      tpu.wait_indirect_dma semaphore(%arg21 : memref<!tpu.dma_semaphore, #tpu.memory_space<semaphore_mem>>) src(%dma_wait3A_259 : memref<20000x64xf32, #tpu.memory_space<hbm>>) dst(%dma_wait3A_253 : memref<128x64xf32, #tpu.memory_space<vmem>>)
      %dma_start3A_260 = arith.constant 3 : i32
      %dma_start3A_261 = arith.constant 0 : i32
      %dma_start3A_262 = arith.constant 0 : i32
      %dma_start3A_263 = tpu.memref_slice %arg13[%dma_start3A_260, %dma_start3A_261, %dma_start3A_262] : memref<5x128x64xf32, #tpu.memory_space<vmem>> -> memref<1x128x64xf32, #tpu.memory_space<vmem>>
      %dma_start3A_264 = tpu.memref_squeeze %dma_start3A_263 : memref<1x128x64xf32, #tpu.memory_space<vmem>> -> memref<128x64xf32, #tpu.memory_space<vmem>>
      %dma_start3A_265 = arith.constant 0 : i32
      %dma_start3A_266 = arith.constant 0 : i32
      %dma_start3A_267 = tpu.memref_slice %arg16[%dma_start3A_265, %dma_start3A_266] : memref<10240x64xf32, #tpu.memory_space<vmem_shared>> -> memref<10240x64xf32, #tpu.memory_space<vmem_shared>>
      tpu.enqueue_indirect_dma source(%dma_start3A_264 : memref<128x64xf32, #tpu.memory_space<vmem>>) target(%dma_start3A_267 : memref<10240x64xf32, #tpu.memory_space<vmem_shared>>) offsets(%arg11 : memref<128xi32, #tpu.memory_space<vmem>>) semaphore(%arg28 : memref<!tpu.dma_semaphore, #tpu.memory_space<semaphore_mem>>) {add = true}
      %convert_element_type3A_268 = arith.extui %eq3A_0 : i1 to i32
      %cond3A_269 = arith.constant 0 : i32
      %cond3A_270 = arith.cmpi ne, %convert_element_type3A_268, %cond3A_269 : i32
      scf.if %cond3A_270 {
        %dma_start3A_354 = arith.constant 0 : i32
        %dma_start3A_355 = arith.constant 0 : i32
        %dma_start3A_356 = tpu.memref_slice %arg17[%dma_start3A_354, %dma_start3A_355] : memref<10240x16xf32, #tpu.memory_space<vmem_shared>> -> memref<10240x16xf32, #tpu.memory_space<vmem_shared>>
        tpu.enqueue_indirect_dma source(%arg15 : memref<128x16xf32, #tpu.memory_space<vmem>>) target(%dma_start3A_356 : memref<10240x16xf32, #tpu.memory_space<vmem_shared>>) offsets(%arg11 : memref<128xi32, #tpu.memory_space<vmem>>) semaphore(%arg29 : memref<!tpu.dma_semaphore, #tpu.memory_space<semaphore_mem>>) {add = true}
      } else {
      }
      %dma_wait3A_271 = arith.constant 0 : i32
      %dma_wait3A_272 = tpu.memref_slice %arg4[%add3A_153, %dma_wait3A_271] : memref<2560x128xi32, #tpu.memory_space<hbm>> -> memref<1x128xi32, #tpu.memory_space<hbm>>
      %dma_wait3A_273 = tpu.memref_squeeze %dma_wait3A_272 : memref<1x128xi32, #tpu.memory_space<hbm>> -> memref<128xi32, #tpu.memory_space<hbm>>
      %dma_wait3A_274 = arith.constant 0 : i32
      %dma_wait3A_275 = tpu.memref_slice %arg4[%add3A_153, %dma_wait3A_274] : memref<2560x128xi32, #tpu.memory_space<hbm>> -> memref<1x128xi32, #tpu.memory_space<hbm>>
      %dma_wait3A_276 = tpu.memref_squeeze %dma_wait3A_275 : memref<1x128xi32, #tpu.memory_space<hbm>> -> memref<128xi32, #tpu.memory_space<hbm>>
      tpu.wait_dma2 semaphore(%arg27 : memref<!tpu.dma_semaphore, #tpu.memory_space<semaphore_mem>>) src(%dma_wait3A_276 : memref<128xi32, #tpu.memory_space<hbm>>) dst(%arg12 : memref<128xi32, #tpu.memory_space<vmem>>)
      %dma_wait3A_277 = arith.constant 4 : i32
      %dma_wait3A_278 = arith.constant 0 : i32
      %dma_wait3A_279 = arith.constant 0 : i32
      %dma_wait3A_280 = tpu.memref_slice %arg13[%dma_wait3A_277, %dma_wait3A_278, %dma_wait3A_279] : memref<5x128x64xf32, #tpu.memory_space<vmem>> -> memref<1x128x64xf32, #tpu.memory_space<vmem>>
      %dma_wait3A_281 = tpu.memref_squeeze %dma_wait3A_280 : memref<1x128x64xf32, #tpu.memory_space<vmem>> -> memref<128x64xf32, #tpu.memory_space<vmem>>
      %dma_wait3A_282 = arith.constant 0 : i32
      %dma_wait3A_283 = tpu.memref_slice %arg7[%add3A_141, %dma_wait3A_282] : memref<160x128xi32, #tpu.memory_space<vmem>> -> memref<1x128xi32, #tpu.memory_space<vmem>>
      %dma_wait3A_284 = tpu.memref_squeeze %dma_wait3A_283 : memref<1x128xi32, #tpu.memory_space<vmem>> -> memref<128xi32, #tpu.memory_space<vmem>>
      %dma_wait3A_285 = arith.constant 0 : i32
      %dma_wait3A_286 = arith.constant 0 : i32
      %dma_wait3A_287 = tpu.memref_slice %arg2[%dma_wait3A_285, %dma_wait3A_286] : memref<20000x64xf32, #tpu.memory_space<hbm>> -> memref<20000x64xf32, #tpu.memory_space<hbm>>
      tpu.wait_indirect_dma semaphore(%arg22 : memref<!tpu.dma_semaphore, #tpu.memory_space<semaphore_mem>>) src(%dma_wait3A_287 : memref<20000x64xf32, #tpu.memory_space<hbm>>) dst(%dma_wait3A_281 : memref<128x64xf32, #tpu.memory_space<vmem>>)
      %dma_start3A_288 = arith.constant 4 : i32
      %dma_start3A_289 = arith.constant 0 : i32
      %dma_start3A_290 = arith.constant 0 : i32
      %dma_start3A_291 = tpu.memref_slice %arg13[%dma_start3A_288, %dma_start3A_289, %dma_start3A_290] : memref<5x128x64xf32, #tpu.memory_space<vmem>> -> memref<1x128x64xf32, #tpu.memory_space<vmem>>
      %dma_start3A_292 = tpu.memref_squeeze %dma_start3A_291 : memref<1x128x64xf32, #tpu.memory_space<vmem>> -> memref<128x64xf32, #tpu.memory_space<vmem>>
      %dma_start3A_293 = arith.constant 0 : i32
      %dma_start3A_294 = arith.constant 0 : i32
      %dma_start3A_295 = tpu.memref_slice %arg16[%dma_start3A_293, %dma_start3A_294] : memref<10240x64xf32, #tpu.memory_space<vmem_shared>> -> memref<10240x64xf32, #tpu.memory_space<vmem_shared>>
      tpu.enqueue_indirect_dma source(%dma_start3A_292 : memref<128x64xf32, #tpu.memory_space<vmem>>) target(%dma_start3A_295 : memref<10240x64xf32, #tpu.memory_space<vmem_shared>>) offsets(%arg12 : memref<128xi32, #tpu.memory_space<vmem>>) semaphore(%arg28 : memref<!tpu.dma_semaphore, #tpu.memory_space<semaphore_mem>>) {add = true}
      %convert_element_type3A_296 = arith.extui %eq3A_0 : i1 to i32
      %cond3A_297 = arith.constant 0 : i32
      %cond3A_298 = arith.cmpi ne, %convert_element_type3A_296, %cond3A_297 : i32
      scf.if %cond3A_298 {
        %dma_start3A_354 = arith.constant 0 : i32
        %dma_start3A_355 = arith.constant 0 : i32
        %dma_start3A_356 = tpu.memref_slice %arg17[%dma_start3A_354, %dma_start3A_355] : memref<10240x16xf32, #tpu.memory_space<vmem_shared>> -> memref<10240x16xf32, #tpu.memory_space<vmem_shared>>
        tpu.enqueue_indirect_dma source(%arg15 : memref<128x16xf32, #tpu.memory_space<vmem>>) target(%dma_start3A_356 : memref<10240x16xf32, #tpu.memory_space<vmem_shared>>) offsets(%arg12 : memref<128xi32, #tpu.memory_space<vmem>>) semaphore(%arg29 : memref<!tpu.dma_semaphore, #tpu.memory_space<semaphore_mem>>) {add = true}
      } else {
      }
      %dma_wait3A_299 = arith.constant 0 : i32
      %dma_wait3A_300 = arith.constant 0 : i32
      %dma_wait3A_301 = arith.constant 0 : i32
      %dma_wait3A_302 = tpu.memref_slice %arg13[%dma_wait3A_299, %dma_wait3A_300, %dma_wait3A_301] : memref<5x128x64xf32, #tpu.memory_space<vmem>> -> memref<1x128x64xf32, #tpu.memory_space<vmem>>
      %dma_wait3A_303 = tpu.memref_squeeze %dma_wait3A_302 : memref<1x128x64xf32, #tpu.memory_space<vmem>> -> memref<128x64xf32, #tpu.memory_space<vmem>>
      %dma_wait3A_304 = arith.constant 0 : i32
      %dma_wait3A_305 = arith.constant 0 : i32
      %dma_wait3A_306 = tpu.memref_slice %arg16[%dma_wait3A_304, %dma_wait3A_305] : memref<10240x64xf32, #tpu.memory_space<vmem_shared>> -> memref<10240x64xf32, #tpu.memory_space<vmem_shared>>
      tpu.wait_indirect_dma semaphore(%arg28 : memref<!tpu.dma_semaphore, #tpu.memory_space<semaphore_mem>>) src(%dma_wait3A_303 : memref<128x64xf32, #tpu.memory_space<vmem>>) dst(%dma_wait3A_306 : memref<10240x64xf32, #tpu.memory_space<vmem_shared>>)
      %convert_element_type3A_307 = arith.extui %eq3A_0 : i1 to i32
      %cond3A_308 = arith.constant 0 : i32
      %cond3A_309 = arith.cmpi ne, %convert_element_type3A_307, %cond3A_308 : i32
      scf.if %cond3A_309 {
        %dma_wait3A_354 = arith.constant 0 : i32
        %dma_wait3A_355 = arith.constant 0 : i32
        %dma_wait3A_356 = tpu.memref_slice %arg17[%dma_wait3A_354, %dma_wait3A_355] : memref<10240x16xf32, #tpu.memory_space<vmem_shared>> -> memref<10240x16xf32, #tpu.memory_space<vmem_shared>>
        tpu.wait_indirect_dma semaphore(%arg29 : memref<!tpu.dma_semaphore, #tpu.memory_space<semaphore_mem>>) src(%arg15 : memref<128x16xf32, #tpu.memory_space<vmem>>) dst(%dma_wait3A_356 : memref<10240x16xf32, #tpu.memory_space<vmem_shared>>)
      } else {
      }
      %dma_wait3A_310 = arith.constant 1 : i32
      %dma_wait3A_311 = arith.constant 0 : i32
      %dma_wait3A_312 = arith.constant 0 : i32
      %dma_wait3A_313 = tpu.memref_slice %arg13[%dma_wait3A_310, %dma_wait3A_311, %dma_wait3A_312] : memref<5x128x64xf32, #tpu.memory_space<vmem>> -> memref<1x128x64xf32, #tpu.memory_space<vmem>>
      %dma_wait3A_314 = tpu.memref_squeeze %dma_wait3A_313 : memref<1x128x64xf32, #tpu.memory_space<vmem>> -> memref<128x64xf32, #tpu.memory_space<vmem>>
      %dma_wait3A_315 = arith.constant 0 : i32
      %dma_wait3A_316 = arith.constant 0 : i32
      %dma_wait3A_317 = tpu.memref_slice %arg16[%dma_wait3A_315, %dma_wait3A_316] : memref<10240x64xf32, #tpu.memory_space<vmem_shared>> -> memref<10240x64xf32, #tpu.memory_space<vmem_shared>>
      tpu.wait_indirect_dma semaphore(%arg28 : memref<!tpu.dma_semaphore, #tpu.memory_space<semaphore_mem>>) src(%dma_wait3A_314 : memref<128x64xf32, #tpu.memory_space<vmem>>) dst(%dma_wait3A_317 : memref<10240x64xf32, #tpu.memory_space<vmem_shared>>)
      %convert_element_type3A_318 = arith.extui %eq3A_0 : i1 to i32
      %cond3A_319 = arith.constant 0 : i32
      %cond3A_320 = arith.cmpi ne, %convert_element_type3A_318, %cond3A_319 : i32
      scf.if %cond3A_320 {
        %dma_wait3A_354 = arith.constant 0 : i32
        %dma_wait3A_355 = arith.constant 0 : i32
        %dma_wait3A_356 = tpu.memref_slice %arg17[%dma_wait3A_354, %dma_wait3A_355] : memref<10240x16xf32, #tpu.memory_space<vmem_shared>> -> memref<10240x16xf32, #tpu.memory_space<vmem_shared>>
        tpu.wait_indirect_dma semaphore(%arg29 : memref<!tpu.dma_semaphore, #tpu.memory_space<semaphore_mem>>) src(%arg15 : memref<128x16xf32, #tpu.memory_space<vmem>>) dst(%dma_wait3A_356 : memref<10240x16xf32, #tpu.memory_space<vmem_shared>>)
      } else {
      }
      %dma_wait3A_321 = arith.constant 2 : i32
      %dma_wait3A_322 = arith.constant 0 : i32
      %dma_wait3A_323 = arith.constant 0 : i32
      %dma_wait3A_324 = tpu.memref_slice %arg13[%dma_wait3A_321, %dma_wait3A_322, %dma_wait3A_323] : memref<5x128x64xf32, #tpu.memory_space<vmem>> -> memref<1x128x64xf32, #tpu.memory_space<vmem>>
      %dma_wait3A_325 = tpu.memref_squeeze %dma_wait3A_324 : memref<1x128x64xf32, #tpu.memory_space<vmem>> -> memref<128x64xf32, #tpu.memory_space<vmem>>
      %dma_wait3A_326 = arith.constant 0 : i32
      %dma_wait3A_327 = arith.constant 0 : i32
      %dma_wait3A_328 = tpu.memref_slice %arg16[%dma_wait3A_326, %dma_wait3A_327] : memref<10240x64xf32, #tpu.memory_space<vmem_shared>> -> memref<10240x64xf32, #tpu.memory_space<vmem_shared>>
      tpu.wait_indirect_dma semaphore(%arg28 : memref<!tpu.dma_semaphore, #tpu.memory_space<semaphore_mem>>) src(%dma_wait3A_325 : memref<128x64xf32, #tpu.memory_space<vmem>>) dst(%dma_wait3A_328 : memref<10240x64xf32, #tpu.memory_space<vmem_shared>>)
      %convert_element_type3A_329 = arith.extui %eq3A_0 : i1 to i32
      %cond3A_330 = arith.constant 0 : i32
      %cond3A_331 = arith.cmpi ne, %convert_element_type3A_329, %cond3A_330 : i32
      scf.if %cond3A_331 {
        %dma_wait3A_354 = arith.constant 0 : i32
        %dma_wait3A_355 = arith.constant 0 : i32
        %dma_wait3A_356 = tpu.memref_slice %arg17[%dma_wait3A_354, %dma_wait3A_355] : memref<10240x16xf32, #tpu.memory_space<vmem_shared>> -> memref<10240x16xf32, #tpu.memory_space<vmem_shared>>
        tpu.wait_indirect_dma semaphore(%arg29 : memref<!tpu.dma_semaphore, #tpu.memory_space<semaphore_mem>>) src(%arg15 : memref<128x16xf32, #tpu.memory_space<vmem>>) dst(%dma_wait3A_356 : memref<10240x16xf32, #tpu.memory_space<vmem_shared>>)
      } else {
      }
      %dma_wait3A_332 = arith.constant 3 : i32
      %dma_wait3A_333 = arith.constant 0 : i32
      %dma_wait3A_334 = arith.constant 0 : i32
      %dma_wait3A_335 = tpu.memref_slice %arg13[%dma_wait3A_332, %dma_wait3A_333, %dma_wait3A_334] : memref<5x128x64xf32, #tpu.memory_space<vmem>> -> memref<1x128x64xf32, #tpu.memory_space<vmem>>
      %dma_wait3A_336 = tpu.memref_squeeze %dma_wait3A_335 : memref<1x128x64xf32, #tpu.memory_space<vmem>> -> memref<128x64xf32, #tpu.memory_space<vmem>>
      %dma_wait3A_337 = arith.constant 0 : i32
      %dma_wait3A_338 = arith.constant 0 : i32
      %dma_wait3A_339 = tpu.memref_slice %arg16[%dma_wait3A_337, %dma_wait3A_338] : memref<10240x64xf32, #tpu.memory_space<vmem_shared>> -> memref<10240x64xf32, #tpu.memory_space<vmem_shared>>
      tpu.wait_indirect_dma semaphore(%arg28 : memref<!tpu.dma_semaphore, #tpu.memory_space<semaphore_mem>>) src(%dma_wait3A_336 : memref<128x64xf32, #tpu.memory_space<vmem>>) dst(%dma_wait3A_339 : memref<10240x64xf32, #tpu.memory_space<vmem_shared>>)
      %convert_element_type3A_340 = arith.extui %eq3A_0 : i1 to i32
      %cond3A_341 = arith.constant 0 : i32
      %cond3A_342 = arith.cmpi ne, %convert_element_type3A_340, %cond3A_341 : i32
      scf.if %cond3A_342 {
        %dma_wait3A_354 = arith.constant 0 : i32
        %dma_wait3A_355 = arith.constant 0 : i32
        %dma_wait3A_356 = tpu.memref_slice %arg17[%dma_wait3A_354, %dma_wait3A_355] : memref<10240x16xf32, #tpu.memory_space<vmem_shared>> -> memref<10240x16xf32, #tpu.memory_space<vmem_shared>>
        tpu.wait_indirect_dma semaphore(%arg29 : memref<!tpu.dma_semaphore, #tpu.memory_space<semaphore_mem>>) src(%arg15 : memref<128x16xf32, #tpu.memory_space<vmem>>) dst(%dma_wait3A_356 : memref<10240x16xf32, #tpu.memory_space<vmem_shared>>)
      } else {
      }
      %dma_wait3A_343 = arith.constant 4 : i32
      %dma_wait3A_344 = arith.constant 0 : i32
      %dma_wait3A_345 = arith.constant 0 : i32
      %dma_wait3A_346 = tpu.memref_slice %arg13[%dma_wait3A_343, %dma_wait3A_344, %dma_wait3A_345] : memref<5x128x64xf32, #tpu.memory_space<vmem>> -> memref<1x128x64xf32, #tpu.memory_space<vmem>>
      %dma_wait3A_347 = tpu.memref_squeeze %dma_wait3A_346 : memref<1x128x64xf32, #tpu.memory_space<vmem>> -> memref<128x64xf32, #tpu.memory_space<vmem>>
      %dma_wait3A_348 = arith.constant 0 : i32
      %dma_wait3A_349 = arith.constant 0 : i32
      %dma_wait3A_350 = tpu.memref_slice %arg16[%dma_wait3A_348, %dma_wait3A_349] : memref<10240x64xf32, #tpu.memory_space<vmem_shared>> -> memref<10240x64xf32, #tpu.memory_space<vmem_shared>>
      tpu.wait_indirect_dma semaphore(%arg28 : memref<!tpu.dma_semaphore, #tpu.memory_space<semaphore_mem>>) src(%dma_wait3A_347 : memref<128x64xf32, #tpu.memory_space<vmem>>) dst(%dma_wait3A_350 : memref<10240x64xf32, #tpu.memory_space<vmem_shared>>)
      %convert_element_type3A_351 = arith.extui %eq3A_0 : i1 to i32
      %cond3A_352 = arith.constant 0 : i32
      %cond3A_353 = arith.cmpi ne, %convert_element_type3A_351, %cond3A_352 : i32
      scf.if %cond3A_353 {
        %dma_wait3A_354 = arith.constant 0 : i32
        %dma_wait3A_355 = arith.constant 0 : i32
        %dma_wait3A_356 = tpu.memref_slice %arg17[%dma_wait3A_354, %dma_wait3A_355] : memref<10240x16xf32, #tpu.memory_space<vmem_shared>> -> memref<10240x16xf32, #tpu.memory_space<vmem_shared>>
        tpu.wait_indirect_dma semaphore(%arg29 : memref<!tpu.dma_semaphore, #tpu.memory_space<semaphore_mem>>) src(%arg15 : memref<128x16xf32, #tpu.memory_space<vmem>>) dst(%dma_wait3A_356 : memref<10240x16xf32, #tpu.memory_space<vmem_shared>>)
      } else {
      }
    }
    %scan3A_45 = arith.constant 32 : i32
    %barrier3A_46 = arith.constant 0 : index
    tpu.barrier barrier_id(%barrier3A_46)
    %lt3A = arith.constant 15 : i32
    %lt3A_47 = arith.cmpi slt, %arg1, %lt3A : i32
    %convert_element_type3A = arith.extui %lt3A_47 : i1 to i32
    %cond3A = arith.constant 0 : i32
    %cond3A_48 = arith.cmpi ne, %convert_element_type3A, %cond3A : i32
    scf.if %cond3A_48 {
      %mul3A_54 = arith.constant 640 : i32
      %mul3A_55 = arith.muli %arg1, %mul3A_54 : i32
      %mul3A_56 = arith.constant 10000 : i32
      %mul3A_57 = arith.muli %arg0, %mul3A_56 : i32
      %add3A_58 = arith.addi %mul3A_57, %mul3A_55 : i32
      "tpu.region"() ({
        %run_scoped3A_62 = tpu.sem_alloc : memref<!tpu.dma_semaphore, #tpu.memory_space<semaphore_mem>>
        %dma_start3A = arith.constant 0 : i32
        %dma_start3A_63 = tpu.memref_slice %arg5[%add3A_58, %dma_start3A] : memref<20000x64xf32, #tpu.memory_space<hbm>> -> memref<640x64xf32, #tpu.memory_space<hbm>>
        %dma_start3A_64 = arith.constant 0 : i32
        %dma_start3A_65 = tpu.memref_slice %arg16[%mul3A_55, %dma_start3A_64] : memref<10240x64xf32, #tpu.memory_space<vmem_shared>> -> memref<640x64xf32, #tpu.memory_space<vmem_shared>>
        tpu.enqueue_dma source(%dma_start3A_65 : memref<640x64xf32, #tpu.memory_space<vmem_shared>>) target(%dma_start3A_63 : memref<640x64xf32, #tpu.memory_space<hbm>>) target_semaphore(%run_scoped3A_62 : memref<!tpu.dma_semaphore, #tpu.memory_space<semaphore_mem>>)
        %dma_wait3A = arith.constant 0 : i32
        %dma_wait3A_66 = tpu.memref_slice %arg5[%add3A_58, %dma_wait3A] : memref<20000x64xf32, #tpu.memory_space<hbm>> -> memref<640x64xf32, #tpu.memory_space<hbm>>
        %dma_wait3A_67 = arith.constant 0 : i32
        %dma_wait3A_68 = tpu.memref_slice %arg16[%mul3A_55, %dma_wait3A_67] : memref<10240x64xf32, #tpu.memory_space<vmem_shared>> -> memref<640x64xf32, #tpu.memory_space<vmem_shared>>
        tpu.wait_dma2 semaphore(%run_scoped3A_62 : memref<!tpu.dma_semaphore, #tpu.memory_space<semaphore_mem>>) src(%dma_wait3A_68 : memref<640x64xf32, #tpu.memory_space<vmem_shared>>) dst(%dma_wait3A_66 : memref<640x64xf32, #tpu.memory_space<hbm>>)
        tpu.yield
      }) : () -> ()
      %convert_element_type3A_59 = arith.extui %eq3A_0 : i1 to i32
      %cond3A_60 = arith.constant 0 : i32
      %cond3A_61 = arith.cmpi ne, %convert_element_type3A_59, %cond3A_60 : i32
      scf.if %cond3A_61 {
        "tpu.region"() ({
          %run_scoped3A_62 = tpu.sem_alloc : memref<!tpu.dma_semaphore, #tpu.memory_space<semaphore_mem>>
          %dma_start3A = arith.constant 0 : i32
          %dma_start3A_63 = tpu.memref_slice %arg6[%mul3A_55, %dma_start3A] : memref<10000x16xf32, #tpu.memory_space<hbm>> -> memref<640x16xf32, #tpu.memory_space<hbm>>
          %dma_start3A_64 = arith.constant 0 : i32
          %dma_start3A_65 = tpu.memref_slice %arg17[%mul3A_55, %dma_start3A_64] : memref<10240x16xf32, #tpu.memory_space<vmem_shared>> -> memref<640x16xf32, #tpu.memory_space<vmem_shared>>
          tpu.enqueue_dma source(%dma_start3A_65 : memref<640x16xf32, #tpu.memory_space<vmem_shared>>) target(%dma_start3A_63 : memref<640x16xf32, #tpu.memory_space<hbm>>) target_semaphore(%run_scoped3A_62 : memref<!tpu.dma_semaphore, #tpu.memory_space<semaphore_mem>>)
          %dma_wait3A = arith.constant 0 : i32
          %dma_wait3A_66 = tpu.memref_slice %arg6[%mul3A_55, %dma_wait3A] : memref<10000x16xf32, #tpu.memory_space<hbm>> -> memref<640x16xf32, #tpu.memory_space<hbm>>
          %dma_wait3A_67 = arith.constant 0 : i32
          %dma_wait3A_68 = tpu.memref_slice %arg17[%mul3A_55, %dma_wait3A_67] : memref<10240x16xf32, #tpu.memory_space<vmem_shared>> -> memref<640x16xf32, #tpu.memory_space<vmem_shared>>
          tpu.wait_dma2 semaphore(%run_scoped3A_62 : memref<!tpu.dma_semaphore, #tpu.memory_space<semaphore_mem>>) src(%dma_wait3A_68 : memref<640x16xf32, #tpu.memory_space<vmem_shared>>) dst(%dma_wait3A_66 : memref<640x16xf32, #tpu.memory_space<hbm>>)
          tpu.yield
        }) : () -> ()
      } else {
      }
    } else {
    }
    %eq3A_49 = arith.constant 15 : i32
    %eq3A_50 = arith.cmpi eq, %arg1, %eq3A_49 : i32
    %convert_element_type3A_51 = arith.extui %eq3A_50 : i1 to i32
    %cond3A_52 = arith.constant 0 : i32
    %cond3A_53 = arith.cmpi ne, %convert_element_type3A_51, %cond3A_52 : i32
    scf.if %cond3A_53 {
      %mul3A_54 = arith.constant 10000 : i32
      %mul3A_55 = arith.muli %arg0, %mul3A_54 : i32
      %add3A_56 = arith.constant 9600 : i32
      %add3A_57 = arith.addi %mul3A_55, %add3A_56 : i32
      "tpu.region"() ({
        %run_scoped3A_61 = tpu.sem_alloc : memref<!tpu.dma_semaphore, #tpu.memory_space<semaphore_mem>>
        %dma_start3A = arith.constant 0 : i32
        %dma_start3A_62 = tpu.memref_slice %arg5[%add3A_57, %dma_start3A] : memref<20000x64xf32, #tpu.memory_space<hbm>> -> memref<400x64xf32, #tpu.memory_space<hbm>>
        %dma_start3A_63 = arith.constant 9600 : i32
        %dma_start3A_64 = arith.constant 0 : i32
        %dma_start3A_65 = tpu.memref_slice %arg16[%dma_start3A_63, %dma_start3A_64] : memref<10240x64xf32, #tpu.memory_space<vmem_shared>> -> memref<400x64xf32, #tpu.memory_space<vmem_shared>>
        tpu.enqueue_dma source(%dma_start3A_65 : memref<400x64xf32, #tpu.memory_space<vmem_shared>>) target(%dma_start3A_62 : memref<400x64xf32, #tpu.memory_space<hbm>>) target_semaphore(%run_scoped3A_61 : memref<!tpu.dma_semaphore, #tpu.memory_space<semaphore_mem>>)
        %dma_wait3A = arith.constant 0 : i32
        %dma_wait3A_66 = tpu.memref_slice %arg5[%add3A_57, %dma_wait3A] : memref<20000x64xf32, #tpu.memory_space<hbm>> -> memref<400x64xf32, #tpu.memory_space<hbm>>
        %dma_wait3A_67 = arith.constant 9600 : i32
        %dma_wait3A_68 = arith.constant 0 : i32
        %dma_wait3A_69 = tpu.memref_slice %arg16[%dma_wait3A_67, %dma_wait3A_68] : memref<10240x64xf32, #tpu.memory_space<vmem_shared>> -> memref<400x64xf32, #tpu.memory_space<vmem_shared>>
        tpu.wait_dma2 semaphore(%run_scoped3A_61 : memref<!tpu.dma_semaphore, #tpu.memory_space<semaphore_mem>>) src(%dma_wait3A_69 : memref<400x64xf32, #tpu.memory_space<vmem_shared>>) dst(%dma_wait3A_66 : memref<400x64xf32, #tpu.memory_space<hbm>>)
        tpu.yield
      }) : () -> ()
      %convert_element_type3A_58 = arith.extui %eq3A_0 : i1 to i32
      %cond3A_59 = arith.constant 0 : i32
      %cond3A_60 = arith.cmpi ne, %convert_element_type3A_58, %cond3A_59 : i32
      scf.if %cond3A_60 {
        "tpu.region"() ({
          %run_scoped3A_61 = tpu.sem_alloc : memref<!tpu.dma_semaphore, #tpu.memory_space<semaphore_mem>>
          %dma_start3A = arith.constant 9600 : i32
          %dma_start3A_62 = arith.constant 0 : i32
          %dma_start3A_63 = tpu.memref_slice %arg6[%dma_start3A, %dma_start3A_62] : memref<10000x16xf32, #tpu.memory_space<hbm>> -> memref<400x16xf32, #tpu.memory_space<hbm>>
          %dma_start3A_64 = arith.constant 9600 : i32
          %dma_start3A_65 = arith.constant 0 : i32
          %dma_start3A_66 = tpu.memref_slice %arg17[%dma_start3A_64, %dma_start3A_65] : memref<10240x16xf32, #tpu.memory_space<vmem_shared>> -> memref<400x16xf32, #tpu.memory_space<vmem_shared>>
          tpu.enqueue_dma source(%dma_start3A_66 : memref<400x16xf32, #tpu.memory_space<vmem_shared>>) target(%dma_start3A_63 : memref<400x16xf32, #tpu.memory_space<hbm>>) target_semaphore(%run_scoped3A_61 : memref<!tpu.dma_semaphore, #tpu.memory_space<semaphore_mem>>)
          %dma_wait3A = arith.constant 9600 : i32
          %dma_wait3A_67 = arith.constant 0 : i32
          %dma_wait3A_68 = tpu.memref_slice %arg6[%dma_wait3A, %dma_wait3A_67] : memref<10000x16xf32, #tpu.memory_space<hbm>> -> memref<400x16xf32, #tpu.memory_space<hbm>>
          %dma_wait3A_69 = arith.constant 9600 : i32
          %dma_wait3A_70 = arith.constant 0 : i32
          %dma_wait3A_71 = tpu.memref_slice %arg17[%dma_wait3A_69, %dma_wait3A_70] : memref<10240x16xf32, #tpu.memory_space<vmem_shared>> -> memref<400x16xf32, #tpu.memory_space<vmem_shared>>
          tpu.wait_dma2 semaphore(%run_scoped3A_61 : memref<!tpu.dma_semaphore, #tpu.memory_space<semaphore_mem>>) src(%dma_wait3A_71 : memref<400x16xf32, #tpu.memory_space<vmem_shared>>) dst(%dma_wait3A_68 : memref<400x16xf32, #tpu.memory_space<hbm>>)
          tpu.yield
        }) : () -> ()
      } else {
      }
    } else {
    }
    return
  }
}

#map = affine_map<(d0, d1) -> (0, 0)>
module attributes {stable_mosaic.version = 14 : i64} {
  func.func @_sc2_body(%arg0: i32, %arg1: i32, %arg2: memref<10000x16xf32, #tpu.memory_space<hbm>>, %arg3: memref<2560x128xi32, #tpu.memory_space<hbm>>, %arg4: memref<2560x128xi32, #tpu.memory_space<hbm>>, %arg5: memref<20000x16xf32, #tpu.memory_space<hbm>>, %arg6: memref<80x128xi32, #tpu.memory_space<vmem>>, %arg7: memref<128xi32, #tpu.memory_space<vmem>>, %arg8: memref<128xi32, #tpu.memory_space<vmem>>, %arg9: memref<128xi32, #tpu.memory_space<vmem>>, %arg10: memref<128xi32, #tpu.memory_space<vmem>>, %arg11: memref<128xi32, #tpu.memory_space<vmem>>, %arg12: memref<5x128x16xf32, #tpu.memory_space<vmem>>, %arg13: memref<10240x16xf32, #tpu.memory_space<vmem_shared>>, %arg14: memref<!tpu.dma_semaphore, #tpu.memory_space<semaphore_mem>>, %arg15: memref<!tpu.dma_semaphore, #tpu.memory_space<semaphore_mem>>, %arg16: memref<!tpu.dma_semaphore, #tpu.memory_space<semaphore_mem>>, %arg17: memref<!tpu.dma_semaphore, #tpu.memory_space<semaphore_mem>>, %arg18: memref<!tpu.dma_semaphore, #tpu.memory_space<semaphore_mem>>, %arg19: memref<!tpu.dma_semaphore, #tpu.memory_space<semaphore_mem>>, %arg20: memref<!tpu.dma_semaphore, #tpu.memory_space<semaphore_mem>>, %arg21: memref<!tpu.dma_semaphore, #tpu.memory_space<semaphore_mem>>, %arg22: memref<!tpu.dma_semaphore, #tpu.memory_space<semaphore_mem>>, %arg23: memref<!tpu.dma_semaphore, #tpu.memory_space<semaphore_mem>>, %arg24: memref<!tpu.dma_semaphore, #tpu.memory_space<semaphore_mem>>) attributes {dimension_semantics = [#tpu.dimension_semantics<core_parallel>, #tpu.dimension_semantics<subcore_parallel>], iteration_bounds = array<i64: 2, 16>, scalar_prefetch = 0 : i64, scratch_operands = 19 : i64, tpu.core_type = #tpu.core_type<sc_vector_subcore>, window_params = [{transform_indices = #map}, {transform_indices = #map}, {transform_indices = #map}, {transform_indices = #map}]} {
    %broadcast_in_dim3A = arith.constant 0.000000e+00 : f32
    %broadcast_in_dim3A_0 = vector.broadcast %broadcast_in_dim3A : f32 to vector<16xf32>
    %mul3A = arith.constant 1280 : i32
    %mul3A_1 = arith.muli %arg0, %mul3A : i32
    %mul3A_2 = arith.constant 80 : i32
    %mul3A_3 = arith.muli %arg1, %mul3A_2 : i32
    %add3A = arith.addi %mul3A_1, %mul3A_3 : i32
    "tpu.region"() ({
      %run_scoped3A_44 = tpu.sem_alloc : memref<!tpu.dma_semaphore, #tpu.memory_space<semaphore_mem>>
      %dma_start3A = arith.constant 0 : i32
      %dma_start3A_45 = tpu.memref_slice %arg3[%add3A, %dma_start3A] : memref<2560x128xi32, #tpu.memory_space<hbm>> -> memref<80x128xi32, #tpu.memory_space<hbm>>
      %dma_start3A_46 = arith.constant 0 : i32
      %dma_start3A_47 = tpu.memref_slice %arg3[%add3A, %dma_start3A_46] : memref<2560x128xi32, #tpu.memory_space<hbm>> -> memref<80x128xi32, #tpu.memory_space<hbm>>
      tpu.enqueue_dma source(%dma_start3A_47 : memref<80x128xi32, #tpu.memory_space<hbm>>) target(%arg6 : memref<80x128xi32, #tpu.memory_space<vmem>>) target_semaphore(%run_scoped3A_44 : memref<!tpu.dma_semaphore, #tpu.memory_space<semaphore_mem>>)
      %dma_wait3A = arith.constant 0 : i32
      %dma_wait3A_48 = tpu.memref_slice %arg3[%add3A, %dma_wait3A] : memref<2560x128xi32, #tpu.memory_space<hbm>> -> memref<80x128xi32, #tpu.memory_space<hbm>>
      %dma_wait3A_49 = arith.constant 0 : i32
      %dma_wait3A_50 = tpu.memref_slice %arg3[%add3A, %dma_wait3A_49] : memref<2560x128xi32, #tpu.memory_space<hbm>> -> memref<80x128xi32, #tpu.memory_space<hbm>>
      tpu.wait_dma2 semaphore(%run_scoped3A_44 : memref<!tpu.dma_semaphore, #tpu.memory_space<semaphore_mem>>) src(%dma_wait3A_50 : memref<80x128xi32, #tpu.memory_space<hbm>>) dst(%arg6 : memref<80x128xi32, #tpu.memory_space<vmem>>)
      tpu.yield
    }) : () -> ()
    %scan3A = arith.constant 0 : i32
    %scan3A_4 = arith.constant 128 : i32
    %scan3A_5 = arith.addi %scan3A, %scan3A_4 : i32
    %scan3A_6 = arith.constant 1 : i32
    scf.for %scan3A_44 = %scan3A to %scan3A_5 step %scan3A_6  : i32 {
      %mul3A_45 = arith.constant 1 : i32
      %mul3A_46 = arith.muli %scan3A_44, %mul3A_45 : i32
      %add3A_47 = arith.constant 0 : i32
      %add3A_48 = arith.addi %add3A_47, %mul3A_46 : i32
      %swap3A = arith.constant 0 : i32
      %swap3A_49 = arith.index_cast %swap3A : i32 to index
      %swap3A_50 = arith.index_cast %add3A_48 : i32 to index
      %swap3A_51 = arith.constant 0 : index
      %swap3A_52 = tpu.vector_load %arg12[%swap3A_49, %swap3A_50, %swap3A_51] {strides = array<i32>} : memref<5x128x16xf32, #tpu.memory_space<vmem>>, vector<1x1x16xf32>,
      %swap3A_53 = vector.shape_cast %swap3A_52 : vector<1x1x16xf32> to vector<16xf32>
      %swap3A_54 = vector.shape_cast %broadcast_in_dim3A_0 : vector<16xf32> to vector<1x1x16xf32>
      tpu.vector_store %arg12[%swap3A_49, %swap3A_50, %swap3A_51], %swap3A_54 {strides = array<i32>} : memref<5x128x16xf32, #tpu.memory_space<vmem>>, vector<1x1x16xf32>,
    }
    %scan3A_7 = arith.constant 128 : i32
    %mul3A_8 = arith.constant 640 : i32
    %mul3A_9 = arith.muli %arg1, %mul3A_8 : i32
    %add3A_10 = arith.constant 0 : i32
    %add3A_11 = arith.addi %mul3A_9, %add3A_10 : i32
    %run_scoped3A = arith.constant 0 : i32
    "tpu.region"() ({
      %run_scoped3A_44 = tpu.sem_alloc : memref<!tpu.dma_semaphore, #tpu.memory_space<semaphore_mem>>
      %dma_start3A = arith.constant 0 : i32
      %dma_start3A_45 = arith.constant 0 : i32
      %dma_start3A_46 = tpu.memref_slice %arg12[%run_scoped3A, %dma_start3A, %dma_start3A_45] : memref<5x128x16xf32, #tpu.memory_space<vmem>> -> memref<1x128x16xf32, #tpu.memory_space<vmem>>
      %dma_start3A_47 = tpu.memref_squeeze %dma_start3A_46 : memref<1x128x16xf32, #tpu.memory_space<vmem>> -> memref<128x16xf32, #tpu.memory_space<vmem>>
      %dma_start3A_48 = arith.constant 0 : i32
      %dma_start3A_49 = tpu.memref_slice %arg13[%add3A_11, %dma_start3A_48] : memref<10240x16xf32, #tpu.memory_space<vmem_shared>> -> memref<128x16xf32, #tpu.memory_space<vmem_shared>>
      %dma_start3A_50 = arith.constant 0 : i32
      %dma_start3A_51 = tpu.memref_slice %arg13[%add3A_11, %dma_start3A_50] : memref<10240x16xf32, #tpu.memory_space<vmem_shared>> -> memref<128x16xf32, #tpu.memory_space<vmem_shared>>
      %dma_start3A_52 = arith.constant 0 : i32
      %dma_start3A_53 = arith.constant 0 : i32
      %dma_start3A_54 = tpu.memref_slice %arg12[%run_scoped3A, %dma_start3A_52, %dma_start3A_53] : memref<5x128x16xf32, #tpu.memory_space<vmem>> -> memref<1x128x16xf32, #tpu.memory_space<vmem>>
      %dma_start3A_55 = tpu.memref_squeeze %dma_start3A_54 : memref<1x128x16xf32, #tpu.memory_space<vmem>> -> memref<128x16xf32, #tpu.memory_space<vmem>>
      tpu.enqueue_dma source(%dma_start3A_55 : memref<128x16xf32, #tpu.memory_space<vmem>>) target(%dma_start3A_51 : memref<128x16xf32, #tpu.memory_space<vmem_shared>>) target_semaphore(%run_scoped3A_44 : memref<!tpu.dma_semaphore, #tpu.memory_space<semaphore_mem>>)
      %dma_wait3A = arith.constant 0 : i32
      %dma_wait3A_56 = arith.constant 0 : i32
      %dma_wait3A_57 = tpu.memref_slice %arg12[%run_scoped3A, %dma_wait3A, %dma_wait3A_56] : memref<5x128x16xf32, #tpu.memory_space<vmem>> -> memref<1x128x16xf32, #tpu.memory_space<vmem>>
      %dma_wait3A_58 = tpu.memref_squeeze %dma_wait3A_57 : memref<1x128x16xf32, #tpu.memory_space<vmem>> -> memref<128x16xf32, #tpu.memory_space<vmem>>
      %dma_wait3A_59 = arith.constant 0 : i32
      %dma_wait3A_60 = tpu.memref_slice %arg13[%add3A_11, %dma_wait3A_59] : memref<10240x16xf32, #tpu.memory_space<vmem_shared>> -> memref<128x16xf32, #tpu.memory_space<vmem_shared>>
      %dma_wait3A_61 = arith.constant 0 : i32
      %dma_wait3A_62 = tpu.memref_slice %arg13[%add3A_11, %dma_wait3A_61] : memref<10240x16xf32, #tpu.memory_space<vmem_shared>> -> memref<128x16xf32, #tpu.memory_space<vmem_shared>>
      %dma_wait3A_63 = arith.constant 0 : i32
      %dma_wait3A_64 = arith.constant 0 : i32
      %dma_wait3A_65 = tpu.memref_slice %arg12[%run_scoped3A, %dma_wait3A_63, %dma_wait3A_64] : memref<5x128x16xf32, #tpu.memory_space<vmem>> -> memref<1x128x16xf32, #tpu.memory_space<vmem>>
      %dma_wait3A_66 = tpu.memref_squeeze %dma_wait3A_65 : memref<1x128x16xf32, #tpu.memory_space<vmem>> -> memref<128x16xf32, #tpu.memory_space<vmem>>
      tpu.wait_dma2 semaphore(%run_scoped3A_44 : memref<!tpu.dma_semaphore, #tpu.memory_space<semaphore_mem>>) src(%dma_wait3A_66 : memref<128x16xf32, #tpu.memory_space<vmem>>) dst(%dma_wait3A_62 : memref<128x16xf32, #tpu.memory_space<vmem_shared>>)
      tpu.yield
    }) : () -> ()
    %mul3A_12 = arith.constant 640 : i32
    %mul3A_13 = arith.muli %arg1, %mul3A_12 : i32
    %add3A_14 = arith.constant 128 : i32
    %add3A_15 = arith.addi %mul3A_13, %add3A_14 : i32
    %run_scoped3A_16 = arith.constant 0 : i32
    "tpu.region"() ({
      %run_scoped3A_44 = tpu.sem_alloc : memref<!tpu.dma_semaphore, #tpu.memory_space<semaphore_mem>>
      %dma_start3A = arith.constant 0 : i32
      %dma_start3A_45 = arith.constant 0 : i32
      %dma_start3A_46 = tpu.memref_slice %arg12[%run_scoped3A_16, %dma_start3A, %dma_start3A_45] : memref<5x128x16xf32, #tpu.memory_space<vmem>> -> memref<1x128x16xf32, #tpu.memory_space<vmem>>
      %dma_start3A_47 = tpu.memref_squeeze %dma_start3A_46 : memref<1x128x16xf32, #tpu.memory_space<vmem>> -> memref<128x16xf32, #tpu.memory_space<vmem>>
      %dma_start3A_48 = arith.constant 0 : i32
      %dma_start3A_49 = tpu.memref_slice %arg13[%add3A_15, %dma_start3A_48] : memref<10240x16xf32, #tpu.memory_space<vmem_shared>> -> memref<128x16xf32, #tpu.memory_space<vmem_shared>>
      %dma_start3A_50 = arith.constant 0 : i32
      %dma_start3A_51 = tpu.memref_slice %arg13[%add3A_15, %dma_start3A_50] : memref<10240x16xf32, #tpu.memory_space<vmem_shared>> -> memref<128x16xf32, #tpu.memory_space<vmem_shared>>
      %dma_start3A_52 = arith.constant 0 : i32
      %dma_start3A_53 = arith.constant 0 : i32
      %dma_start3A_54 = tpu.memref_slice %arg12[%run_scoped3A_16, %dma_start3A_52, %dma_start3A_53] : memref<5x128x16xf32, #tpu.memory_space<vmem>> -> memref<1x128x16xf32, #tpu.memory_space<vmem>>
      %dma_start3A_55 = tpu.memref_squeeze %dma_start3A_54 : memref<1x128x16xf32, #tpu.memory_space<vmem>> -> memref<128x16xf32, #tpu.memory_space<vmem>>
      tpu.enqueue_dma source(%dma_start3A_55 : memref<128x16xf32, #tpu.memory_space<vmem>>) target(%dma_start3A_51 : memref<128x16xf32, #tpu.memory_space<vmem_shared>>) target_semaphore(%run_scoped3A_44 : memref<!tpu.dma_semaphore, #tpu.memory_space<semaphore_mem>>)
      %dma_wait3A = arith.constant 0 : i32
      %dma_wait3A_56 = arith.constant 0 : i32
      %dma_wait3A_57 = tpu.memref_slice %arg12[%run_scoped3A_16, %dma_wait3A, %dma_wait3A_56] : memref<5x128x16xf32, #tpu.memory_space<vmem>> -> memref<1x128x16xf32, #tpu.memory_space<vmem>>
      %dma_wait3A_58 = tpu.memref_squeeze %dma_wait3A_57 : memref<1x128x16xf32, #tpu.memory_space<vmem>> -> memref<128x16xf32, #tpu.memory_space<vmem>>
      %dma_wait3A_59 = arith.constant 0 : i32
      %dma_wait3A_60 = tpu.memref_slice %arg13[%add3A_15, %dma_wait3A_59] : memref<10240x16xf32, #tpu.memory_space<vmem_shared>> -> memref<128x16xf32, #tpu.memory_space<vmem_shared>>
      %dma_wait3A_61 = arith.constant 0 : i32
      %dma_wait3A_62 = tpu.memref_slice %arg13[%add3A_15, %dma_wait3A_61] : memref<10240x16xf32, #tpu.memory_space<vmem_shared>> -> memref<128x16xf32, #tpu.memory_space<vmem_shared>>
      %dma_wait3A_63 = arith.constant 0 : i32
      %dma_wait3A_64 = arith.constant 0 : i32
      %dma_wait3A_65 = tpu.memref_slice %arg12[%run_scoped3A_16, %dma_wait3A_63, %dma_wait3A_64] : memref<5x128x16xf32, #tpu.memory_space<vmem>> -> memref<1x128x16xf32, #tpu.memory_space<vmem>>
      %dma_wait3A_66 = tpu.memref_squeeze %dma_wait3A_65 : memref<1x128x16xf32, #tpu.memory_space<vmem>> -> memref<128x16xf32, #tpu.memory_space<vmem>>
      tpu.wait_dma2 semaphore(%run_scoped3A_44 : memref<!tpu.dma_semaphore, #tpu.memory_space<semaphore_mem>>) src(%dma_wait3A_66 : memref<128x16xf32, #tpu.memory_space<vmem>>) dst(%dma_wait3A_62 : memref<128x16xf32, #tpu.memory_space<vmem_shared>>)
      tpu.yield
    }) : () -> ()
    %mul3A_17 = arith.constant 640 : i32
    %mul3A_18 = arith.muli %arg1, %mul3A_17 : i32
    %add3A_19 = arith.constant 256 : i32
    %add3A_20 = arith.addi %mul3A_18, %add3A_19 : i32
    %run_scoped3A_21 = arith.constant 0 : i32
    "tpu.region"() ({
      %run_scoped3A_44 = tpu.sem_alloc : memref<!tpu.dma_semaphore, #tpu.memory_space<semaphore_mem>>
      %dma_start3A = arith.constant 0 : i32
      %dma_start3A_45 = arith.constant 0 : i32
      %dma_start3A_46 = tpu.memref_slice %arg12[%run_scoped3A_21, %dma_start3A, %dma_start3A_45] : memref<5x128x16xf32, #tpu.memory_space<vmem>> -> memref<1x128x16xf32, #tpu.memory_space<vmem>>
      %dma_start3A_47 = tpu.memref_squeeze %dma_start3A_46 : memref<1x128x16xf32, #tpu.memory_space<vmem>> -> memref<128x16xf32, #tpu.memory_space<vmem>>
      %dma_start3A_48 = arith.constant 0 : i32
      %dma_start3A_49 = tpu.memref_slice %arg13[%add3A_20, %dma_start3A_48] : memref<10240x16xf32, #tpu.memory_space<vmem_shared>> -> memref<128x16xf32, #tpu.memory_space<vmem_shared>>
      %dma_start3A_50 = arith.constant 0 : i32
      %dma_start3A_51 = tpu.memref_slice %arg13[%add3A_20, %dma_start3A_50] : memref<10240x16xf32, #tpu.memory_space<vmem_shared>> -> memref<128x16xf32, #tpu.memory_space<vmem_shared>>
      %dma_start3A_52 = arith.constant 0 : i32
      %dma_start3A_53 = arith.constant 0 : i32
      %dma_start3A_54 = tpu.memref_slice %arg12[%run_scoped3A_21, %dma_start3A_52, %dma_start3A_53] : memref<5x128x16xf32, #tpu.memory_space<vmem>> -> memref<1x128x16xf32, #tpu.memory_space<vmem>>
      %dma_start3A_55 = tpu.memref_squeeze %dma_start3A_54 : memref<1x128x16xf32, #tpu.memory_space<vmem>> -> memref<128x16xf32, #tpu.memory_space<vmem>>
      tpu.enqueue_dma source(%dma_start3A_55 : memref<128x16xf32, #tpu.memory_space<vmem>>) target(%dma_start3A_51 : memref<128x16xf32, #tpu.memory_space<vmem_shared>>) target_semaphore(%run_scoped3A_44 : memref<!tpu.dma_semaphore, #tpu.memory_space<semaphore_mem>>)
      %dma_wait3A = arith.constant 0 : i32
      %dma_wait3A_56 = arith.constant 0 : i32
      %dma_wait3A_57 = tpu.memref_slice %arg12[%run_scoped3A_21, %dma_wait3A, %dma_wait3A_56] : memref<5x128x16xf32, #tpu.memory_space<vmem>> -> memref<1x128x16xf32, #tpu.memory_space<vmem>>
      %dma_wait3A_58 = tpu.memref_squeeze %dma_wait3A_57 : memref<1x128x16xf32, #tpu.memory_space<vmem>> -> memref<128x16xf32, #tpu.memory_space<vmem>>
      %dma_wait3A_59 = arith.constant 0 : i32
      %dma_wait3A_60 = tpu.memref_slice %arg13[%add3A_20, %dma_wait3A_59] : memref<10240x16xf32, #tpu.memory_space<vmem_shared>> -> memref<128x16xf32, #tpu.memory_space<vmem_shared>>
      %dma_wait3A_61 = arith.constant 0 : i32
      %dma_wait3A_62 = tpu.memref_slice %arg13[%add3A_20, %dma_wait3A_61] : memref<10240x16xf32, #tpu.memory_space<vmem_shared>> -> memref<128x16xf32, #tpu.memory_space<vmem_shared>>
      %dma_wait3A_63 = arith.constant 0 : i32
      %dma_wait3A_64 = arith.constant 0 : i32
      %dma_wait3A_65 = tpu.memref_slice %arg12[%run_scoped3A_21, %dma_wait3A_63, %dma_wait3A_64] : memref<5x128x16xf32, #tpu.memory_space<vmem>> -> memref<1x128x16xf32, #tpu.memory_space<vmem>>
      %dma_wait3A_66 = tpu.memref_squeeze %dma_wait3A_65 : memref<1x128x16xf32, #tpu.memory_space<vmem>> -> memref<128x16xf32, #tpu.memory_space<vmem>>
      tpu.wait_dma2 semaphore(%run_scoped3A_44 : memref<!tpu.dma_semaphore, #tpu.memory_space<semaphore_mem>>) src(%dma_wait3A_66 : memref<128x16xf32, #tpu.memory_space<vmem>>) dst(%dma_wait3A_62 : memref<128x16xf32, #tpu.memory_space<vmem_shared>>)
      tpu.yield
    }) : () -> ()
    %mul3A_22 = arith.constant 640 : i32
    %mul3A_23 = arith.muli %arg1, %mul3A_22 : i32
    %add3A_24 = arith.constant 384 : i32
    %add3A_25 = arith.addi %mul3A_23, %add3A_24 : i32
    %run_scoped3A_26 = arith.constant 0 : i32
    "tpu.region"() ({
      %run_scoped3A_44 = tpu.sem_alloc : memref<!tpu.dma_semaphore, #tpu.memory_space<semaphore_mem>>
      %dma_start3A = arith.constant 0 : i32
      %dma_start3A_45 = arith.constant 0 : i32
      %dma_start3A_46 = tpu.memref_slice %arg12[%run_scoped3A_26, %dma_start3A, %dma_start3A_45] : memref<5x128x16xf32, #tpu.memory_space<vmem>> -> memref<1x128x16xf32, #tpu.memory_space<vmem>>
      %dma_start3A_47 = tpu.memref_squeeze %dma_start3A_46 : memref<1x128x16xf32, #tpu.memory_space<vmem>> -> memref<128x16xf32, #tpu.memory_space<vmem>>
      %dma_start3A_48 = arith.constant 0 : i32
      %dma_start3A_49 = tpu.memref_slice %arg13[%add3A_25, %dma_start3A_48] : memref<10240x16xf32, #tpu.memory_space<vmem_shared>> -> memref<128x16xf32, #tpu.memory_space<vmem_shared>>
      %dma_start3A_50 = arith.constant 0 : i32
      %dma_start3A_51 = tpu.memref_slice %arg13[%add3A_25, %dma_start3A_50] : memref<10240x16xf32, #tpu.memory_space<vmem_shared>> -> memref<128x16xf32, #tpu.memory_space<vmem_shared>>
      %dma_start3A_52 = arith.constant 0 : i32
      %dma_start3A_53 = arith.constant 0 : i32
      %dma_start3A_54 = tpu.memref_slice %arg12[%run_scoped3A_26, %dma_start3A_52, %dma_start3A_53] : memref<5x128x16xf32, #tpu.memory_space<vmem>> -> memref<1x128x16xf32, #tpu.memory_space<vmem>>
      %dma_start3A_55 = tpu.memref_squeeze %dma_start3A_54 : memref<1x128x16xf32, #tpu.memory_space<vmem>> -> memref<128x16xf32, #tpu.memory_space<vmem>>
      tpu.enqueue_dma source(%dma_start3A_55 : memref<128x16xf32, #tpu.memory_space<vmem>>) target(%dma_start3A_51 : memref<128x16xf32, #tpu.memory_space<vmem_shared>>) target_semaphore(%run_scoped3A_44 : memref<!tpu.dma_semaphore, #tpu.memory_space<semaphore_mem>>)
      %dma_wait3A = arith.constant 0 : i32
      %dma_wait3A_56 = arith.constant 0 : i32
      %dma_wait3A_57 = tpu.memref_slice %arg12[%run_scoped3A_26, %dma_wait3A, %dma_wait3A_56] : memref<5x128x16xf32, #tpu.memory_space<vmem>> -> memref<1x128x16xf32, #tpu.memory_space<vmem>>
      %dma_wait3A_58 = tpu.memref_squeeze %dma_wait3A_57 : memref<1x128x16xf32, #tpu.memory_space<vmem>> -> memref<128x16xf32, #tpu.memory_space<vmem>>
      %dma_wait3A_59 = arith.constant 0 : i32
      %dma_wait3A_60 = tpu.memref_slice %arg13[%add3A_25, %dma_wait3A_59] : memref<10240x16xf32, #tpu.memory_space<vmem_shared>> -> memref<128x16xf32, #tpu.memory_space<vmem_shared>>
      %dma_wait3A_61 = arith.constant 0 : i32
      %dma_wait3A_62 = tpu.memref_slice %arg13[%add3A_25, %dma_wait3A_61] : memref<10240x16xf32, #tpu.memory_space<vmem_shared>> -> memref<128x16xf32, #tpu.memory_space<vmem_shared>>
      %dma_wait3A_63 = arith.constant 0 : i32
      %dma_wait3A_64 = arith.constant 0 : i32
      %dma_wait3A_65 = tpu.memref_slice %arg12[%run_scoped3A_26, %dma_wait3A_63, %dma_wait3A_64] : memref<5x128x16xf32, #tpu.memory_space<vmem>> -> memref<1x128x16xf32, #tpu.memory_space<vmem>>
      %dma_wait3A_66 = tpu.memref_squeeze %dma_wait3A_65 : memref<1x128x16xf32, #tpu.memory_space<vmem>> -> memref<128x16xf32, #tpu.memory_space<vmem>>
      tpu.wait_dma2 semaphore(%run_scoped3A_44 : memref<!tpu.dma_semaphore, #tpu.memory_space<semaphore_mem>>) src(%dma_wait3A_66 : memref<128x16xf32, #tpu.memory_space<vmem>>) dst(%dma_wait3A_62 : memref<128x16xf32, #tpu.memory_space<vmem_shared>>)
      tpu.yield
    }) : () -> ()
    %mul3A_27 = arith.constant 640 : i32
    %mul3A_28 = arith.muli %arg1, %mul3A_27 : i32
    %add3A_29 = arith.constant 512 : i32
    %add3A_30 = arith.addi %mul3A_28, %add3A_29 : i32
    %run_scoped3A_31 = arith.constant 0 : i32
    "tpu.region"() ({
      %run_scoped3A_44 = tpu.sem_alloc : memref<!tpu.dma_semaphore, #tpu.memory_space<semaphore_mem>>
      %dma_start3A = arith.constant 0 : i32
      %dma_start3A_45 = arith.constant 0 : i32
      %dma_start3A_46 = tpu.memref_slice %arg12[%run_scoped3A_31, %dma_start3A, %dma_start3A_45] : memref<5x128x16xf32, #tpu.memory_space<vmem>> -> memref<1x128x16xf32, #tpu.memory_space<vmem>>
      %dma_start3A_47 = tpu.memref_squeeze %dma_start3A_46 : memref<1x128x16xf32, #tpu.memory_space<vmem>> -> memref<128x16xf32, #tpu.memory_space<vmem>>
      %dma_start3A_48 = arith.constant 0 : i32
      %dma_start3A_49 = tpu.memref_slice %arg13[%add3A_30, %dma_start3A_48] : memref<10240x16xf32, #tpu.memory_space<vmem_shared>> -> memref<128x16xf32, #tpu.memory_space<vmem_shared>>
      %dma_start3A_50 = arith.constant 0 : i32
      %dma_start3A_51 = tpu.memref_slice %arg13[%add3A_30, %dma_start3A_50] : memref<10240x16xf32, #tpu.memory_space<vmem_shared>> -> memref<128x16xf32, #tpu.memory_space<vmem_shared>>
      %dma_start3A_52 = arith.constant 0 : i32
      %dma_start3A_53 = arith.constant 0 : i32
      %dma_start3A_54 = tpu.memref_slice %arg12[%run_scoped3A_31, %dma_start3A_52, %dma_start3A_53] : memref<5x128x16xf32, #tpu.memory_space<vmem>> -> memref<1x128x16xf32, #tpu.memory_space<vmem>>
      %dma_start3A_55 = tpu.memref_squeeze %dma_start3A_54 : memref<1x128x16xf32, #tpu.memory_space<vmem>> -> memref<128x16xf32, #tpu.memory_space<vmem>>
      tpu.enqueue_dma source(%dma_start3A_55 : memref<128x16xf32, #tpu.memory_space<vmem>>) target(%dma_start3A_51 : memref<128x16xf32, #tpu.memory_space<vmem_shared>>) target_semaphore(%run_scoped3A_44 : memref<!tpu.dma_semaphore, #tpu.memory_space<semaphore_mem>>)
      %dma_wait3A = arith.constant 0 : i32
      %dma_wait3A_56 = arith.constant 0 : i32
      %dma_wait3A_57 = tpu.memref_slice %arg12[%run_scoped3A_31, %dma_wait3A, %dma_wait3A_56] : memref<5x128x16xf32, #tpu.memory_space<vmem>> -> memref<1x128x16xf32, #tpu.memory_space<vmem>>
      %dma_wait3A_58 = tpu.memref_squeeze %dma_wait3A_57 : memref<1x128x16xf32, #tpu.memory_space<vmem>> -> memref<128x16xf32, #tpu.memory_space<vmem>>
      %dma_wait3A_59 = arith.constant 0 : i32
      %dma_wait3A_60 = tpu.memref_slice %arg13[%add3A_30, %dma_wait3A_59] : memref<10240x16xf32, #tpu.memory_space<vmem_shared>> -> memref<128x16xf32, #tpu.memory_space<vmem_shared>>
      %dma_wait3A_61 = arith.constant 0 : i32
      %dma_wait3A_62 = tpu.memref_slice %arg13[%add3A_30, %dma_wait3A_61] : memref<10240x16xf32, #tpu.memory_space<vmem_shared>> -> memref<128x16xf32, #tpu.memory_space<vmem_shared>>
      %dma_wait3A_63 = arith.constant 0 : i32
      %dma_wait3A_64 = arith.constant 0 : i32
      %dma_wait3A_65 = tpu.memref_slice %arg12[%run_scoped3A_31, %dma_wait3A_63, %dma_wait3A_64] : memref<5x128x16xf32, #tpu.memory_space<vmem>> -> memref<1x128x16xf32, #tpu.memory_space<vmem>>
      %dma_wait3A_66 = tpu.memref_squeeze %dma_wait3A_65 : memref<1x128x16xf32, #tpu.memory_space<vmem>> -> memref<128x16xf32, #tpu.memory_space<vmem>>
      tpu.wait_dma2 semaphore(%run_scoped3A_44 : memref<!tpu.dma_semaphore, #tpu.memory_space<semaphore_mem>>) src(%dma_wait3A_66 : memref<128x16xf32, #tpu.memory_space<vmem>>) dst(%dma_wait3A_62 : memref<128x16xf32, #tpu.memory_space<vmem_shared>>)
      tpu.yield
    }) : () -> ()
    %barrier3A = arith.constant 0 : index
    tpu.barrier barrier_id(%barrier3A)
    %scan3A_32 = arith.constant 0 : i32
    %scan3A_33 = arith.constant 16 : i32
    %scan3A_34 = arith.addi %scan3A_32, %scan3A_33 : i32
    %scan3A_35 = arith.constant 1 : i32
    scf.for %scan3A_44 = %scan3A_32 to %scan3A_34 step %scan3A_35  : i32 {
      %mul3A_45 = arith.constant 1 : i32
      %mul3A_46 = arith.muli %scan3A_44, %mul3A_45 : i32
      %add3A_47 = arith.constant 0 : i32
      %add3A_48 = arith.addi %add3A_47, %mul3A_46 : i32
      %mul3A_49 = arith.constant 5 : i32
      %mul3A_50 = arith.muli %add3A_48, %mul3A_49 : i32
      %add3A_51 = arith.constant 0 : i32
      %add3A_52 = arith.addi %mul3A_50, %add3A_51 : i32
      %dma_start3A = arith.constant 0 : i32
      %dma_start3A_53 = arith.constant 0 : i32
      %dma_start3A_54 = arith.constant 0 : i32
      %dma_start3A_55 = tpu.memref_slice %arg12[%dma_start3A, %dma_start3A_53, %dma_start3A_54] : memref<5x128x16xf32, #tpu.memory_space<vmem>> -> memref<1x128x16xf32, #tpu.memory_space<vmem>>
      %dma_start3A_56 = tpu.memref_squeeze %dma_start3A_55 : memref<1x128x16xf32, #tpu.memory_space<vmem>> -> memref<128x16xf32, #tpu.memory_space<vmem>>
      %dma_start3A_57 = arith.constant 0 : i32
      %dma_start3A_58 = tpu.memref_slice %arg6[%add3A_52, %dma_start3A_57] : memref<80x128xi32, #tpu.memory_space<vmem>> -> memref<1x128xi32, #tpu.memory_space<vmem>>
      %dma_start3A_59 = tpu.memref_squeeze %dma_start3A_58 : memref<1x128xi32, #tpu.memory_space<vmem>> -> memref<128xi32, #tpu.memory_space<vmem>>
      %dma_start3A_60 = arith.constant 0 : i32
      %dma_start3A_61 = arith.constant 0 : i32
      %dma_start3A_62 = tpu.memref_slice %arg2[%dma_start3A_60, %dma_start3A_61] : memref<10000x16xf32, #tpu.memory_space<hbm>> -> memref<10000x16xf32, #tpu.memory_space<hbm>>
      tpu.enqueue_indirect_dma source(%dma_start3A_62 : memref<10000x16xf32, #tpu.memory_space<hbm>>) target(%dma_start3A_56 : memref<128x16xf32, #tpu.memory_space<vmem>>) offsets(%dma_start3A_59 : memref<128xi32, #tpu.memory_space<vmem>>) semaphore(%arg14 : memref<!tpu.dma_semaphore, #tpu.memory_space<semaphore_mem>>)
      %add3A_63 = arith.addi %add3A, %add3A_52 : i32
      %dma_start3A_64 = arith.constant 0 : i32
      %dma_start3A_65 = tpu.memref_slice %arg4[%add3A_63, %dma_start3A_64] : memref<2560x128xi32, #tpu.memory_space<hbm>> -> memref<1x128xi32, #tpu.memory_space<hbm>>
      %dma_start3A_66 = tpu.memref_squeeze %dma_start3A_65 : memref<1x128xi32, #tpu.memory_space<hbm>> -> memref<128xi32, #tpu.memory_space<hbm>>
      %dma_start3A_67 = arith.constant 0 : i32
      %dma_start3A_68 = tpu.memref_slice %arg4[%add3A_63, %dma_start3A_67] : memref<2560x128xi32, #tpu.memory_space<hbm>> -> memref<1x128xi32, #tpu.memory_space<hbm>>
      %dma_start3A_69 = tpu.memref_squeeze %dma_start3A_68 : memref<1x128xi32, #tpu.memory_space<hbm>> -> memref<128xi32, #tpu.memory_space<hbm>>
      tpu.enqueue_dma source(%dma_start3A_69 : memref<128xi32, #tpu.memory_space<hbm>>) target(%arg7 : memref<128xi32, #tpu.memory_space<vmem>>) target_semaphore(%arg19 : memref<!tpu.dma_semaphore, #tpu.memory_space<semaphore_mem>>)
      %add3A_70 = arith.constant 1 : i32
      %add3A_71 = arith.addi %mul3A_50, %add3A_70 : i32
      %dma_start3A_72 = arith.constant 1 : i32
      %dma_start3A_73 = arith.constant 0 : i32
      %dma_start3A_74 = arith.constant 0 : i32
      %dma_start3A_75 = tpu.memref_slice %arg12[%dma_start3A_72, %dma_start3A_73, %dma_start3A_74] : memref<5x128x16xf32, #tpu.memory_space<vmem>> -> memref<1x128x16xf32, #tpu.memory_space<vmem>>
      %dma_start3A_76 = tpu.memref_squeeze %dma_start3A_75 : memref<1x128x16xf32, #tpu.memory_space<vmem>> -> memref<128x16xf32, #tpu.memory_space<vmem>>
      %dma_start3A_77 = arith.constant 0 : i32
      %dma_start3A_78 = tpu.memref_slice %arg6[%add3A_71, %dma_start3A_77] : memref<80x128xi32, #tpu.memory_space<vmem>> -> memref<1x128xi32, #tpu.memory_space<vmem>>
      %dma_start3A_79 = tpu.memref_squeeze %dma_start3A_78 : memref<1x128xi32, #tpu.memory_space<vmem>> -> memref<128xi32, #tpu.memory_space<vmem>>
      %dma_start3A_80 = arith.constant 0 : i32
      %dma_start3A_81 = arith.constant 0 : i32
      %dma_start3A_82 = tpu.memref_slice %arg2[%dma_start3A_80, %dma_start3A_81] : memref<10000x16xf32, #tpu.memory_space<hbm>> -> memref<10000x16xf32, #tpu.memory_space<hbm>>
      tpu.enqueue_indirect_dma source(%dma_start3A_82 : memref<10000x16xf32, #tpu.memory_space<hbm>>) target(%dma_start3A_76 : memref<128x16xf32, #tpu.memory_space<vmem>>) offsets(%dma_start3A_79 : memref<128xi32, #tpu.memory_space<vmem>>) semaphore(%arg15 : memref<!tpu.dma_semaphore, #tpu.memory_space<semaphore_mem>>)
      %add3A_83 = arith.addi %add3A, %add3A_71 : i32
      %dma_start3A_84 = arith.constant 0 : i32
      %dma_start3A_85 = tpu.memref_slice %arg4[%add3A_83, %dma_start3A_84] : memref<2560x128xi32, #tpu.memory_space<hbm>> -> memref<1x128xi32, #tpu.memory_space<hbm>>
      %dma_start3A_86 = tpu.memref_squeeze %dma_start3A_85 : memref<1x128xi32, #tpu.memory_space<hbm>> -> memref<128xi32, #tpu.memory_space<hbm>>
      %dma_start3A_87 = arith.constant 0 : i32
      %dma_start3A_88 = tpu.memref_slice %arg4[%add3A_83, %dma_start3A_87] : memref<2560x128xi32, #tpu.memory_space<hbm>> -> memref<1x128xi32, #tpu.memory_space<hbm>>
      %dma_start3A_89 = tpu.memref_squeeze %dma_start3A_88 : memref<1x128xi32, #tpu.memory_space<hbm>> -> memref<128xi32, #tpu.memory_space<hbm>>
      tpu.enqueue_dma source(%dma_start3A_89 : memref<128xi32, #tpu.memory_space<hbm>>) target(%arg8 : memref<128xi32, #tpu.memory_space<vmem>>) target_semaphore(%arg20 : memref<!tpu.dma_semaphore, #tpu.memory_space<semaphore_mem>>)
      %add3A_90 = arith.constant 2 : i32
      %add3A_91 = arith.addi %mul3A_50, %add3A_90 : i32
      %dma_start3A_92 = arith.constant 2 : i32
      %dma_start3A_93 = arith.constant 0 : i32
      %dma_start3A_94 = arith.constant 0 : i32
      %dma_start3A_95 = tpu.memref_slice %arg12[%dma_start3A_92, %dma_start3A_93, %dma_start3A_94] : memref<5x128x16xf32, #tpu.memory_space<vmem>> -> memref<1x128x16xf32, #tpu.memory_space<vmem>>
      %dma_start3A_96 = tpu.memref_squeeze %dma_start3A_95 : memref<1x128x16xf32, #tpu.memory_space<vmem>> -> memref<128x16xf32, #tpu.memory_space<vmem>>
      %dma_start3A_97 = arith.constant 0 : i32
      %dma_start3A_98 = tpu.memref_slice %arg6[%add3A_91, %dma_start3A_97] : memref<80x128xi32, #tpu.memory_space<vmem>> -> memref<1x128xi32, #tpu.memory_space<vmem>>
      %dma_start3A_99 = tpu.memref_squeeze %dma_start3A_98 : memref<1x128xi32, #tpu.memory_space<vmem>> -> memref<128xi32, #tpu.memory_space<vmem>>
      %dma_start3A_100 = arith.constant 0 : i32
      %dma_start3A_101 = arith.constant 0 : i32
      %dma_start3A_102 = tpu.memref_slice %arg2[%dma_start3A_100, %dma_start3A_101] : memref<10000x16xf32, #tpu.memory_space<hbm>> -> memref<10000x16xf32, #tpu.memory_space<hbm>>
      tpu.enqueue_indirect_dma source(%dma_start3A_102 : memref<10000x16xf32, #tpu.memory_space<hbm>>) target(%dma_start3A_96 : memref<128x16xf32, #tpu.memory_space<vmem>>) offsets(%dma_start3A_99 : memref<128xi32, #tpu.memory_space<vmem>>) semaphore(%arg16 : memref<!tpu.dma_semaphore, #tpu.memory_space<semaphore_mem>>)
      %add3A_103 = arith.addi %add3A, %add3A_91 : i32
      %dma_start3A_104 = arith.constant 0 : i32
      %dma_start3A_105 = tpu.memref_slice %arg4[%add3A_103, %dma_start3A_104] : memref<2560x128xi32, #tpu.memory_space<hbm>> -> memref<1x128xi32, #tpu.memory_space<hbm>>
      %dma_start3A_106 = tpu.memref_squeeze %dma_start3A_105 : memref<1x128xi32, #tpu.memory_space<hbm>> -> memref<128xi32, #tpu.memory_space<hbm>>
      %dma_start3A_107 = arith.constant 0 : i32
      %dma_start3A_108 = tpu.memref_slice %arg4[%add3A_103, %dma_start3A_107] : memref<2560x128xi32, #tpu.memory_space<hbm>> -> memref<1x128xi32, #tpu.memory_space<hbm>>
      %dma_start3A_109 = tpu.memref_squeeze %dma_start3A_108 : memref<1x128xi32, #tpu.memory_space<hbm>> -> memref<128xi32, #tpu.memory_space<hbm>>
      tpu.enqueue_dma source(%dma_start3A_109 : memref<128xi32, #tpu.memory_space<hbm>>) target(%arg9 : memref<128xi32, #tpu.memory_space<vmem>>) target_semaphore(%arg21 : memref<!tpu.dma_semaphore, #tpu.memory_space<semaphore_mem>>)
      %add3A_110 = arith.constant 3 : i32
      %add3A_111 = arith.addi %mul3A_50, %add3A_110 : i32
      %dma_start3A_112 = arith.constant 3 : i32
      %dma_start3A_113 = arith.constant 0 : i32
      %dma_start3A_114 = arith.constant 0 : i32
      %dma_start3A_115 = tpu.memref_slice %arg12[%dma_start3A_112, %dma_start3A_113, %dma_start3A_114] : memref<5x128x16xf32, #tpu.memory_space<vmem>> -> memref<1x128x16xf32, #tpu.memory_space<vmem>>
      %dma_start3A_116 = tpu.memref_squeeze %dma_start3A_115 : memref<1x128x16xf32, #tpu.memory_space<vmem>> -> memref<128x16xf32, #tpu.memory_space<vmem>>
      %dma_start3A_117 = arith.constant 0 : i32
      %dma_start3A_118 = tpu.memref_slice %arg6[%add3A_111, %dma_start3A_117] : memref<80x128xi32, #tpu.memory_space<vmem>> -> memref<1x128xi32, #tpu.memory_space<vmem>>
      %dma_start3A_119 = tpu.memref_squeeze %dma_start3A_118 : memref<1x128xi32, #tpu.memory_space<vmem>> -> memref<128xi32, #tpu.memory_space<vmem>>
      %dma_start3A_120 = arith.constant 0 : i32
      %dma_start3A_121 = arith.constant 0 : i32
      %dma_start3A_122 = tpu.memref_slice %arg2[%dma_start3A_120, %dma_start3A_121] : memref<10000x16xf32, #tpu.memory_space<hbm>> -> memref<10000x16xf32, #tpu.memory_space<hbm>>
      tpu.enqueue_indirect_dma source(%dma_start3A_122 : memref<10000x16xf32, #tpu.memory_space<hbm>>) target(%dma_start3A_116 : memref<128x16xf32, #tpu.memory_space<vmem>>) offsets(%dma_start3A_119 : memref<128xi32, #tpu.memory_space<vmem>>) semaphore(%arg17 : memref<!tpu.dma_semaphore, #tpu.memory_space<semaphore_mem>>)
      %add3A_123 = arith.addi %add3A, %add3A_111 : i32
      %dma_start3A_124 = arith.constant 0 : i32
      %dma_start3A_125 = tpu.memref_slice %arg4[%add3A_123, %dma_start3A_124] : memref<2560x128xi32, #tpu.memory_space<hbm>> -> memref<1x128xi32, #tpu.memory_space<hbm>>
      %dma_start3A_126 = tpu.memref_squeeze %dma_start3A_125 : memref<1x128xi32, #tpu.memory_space<hbm>> -> memref<128xi32, #tpu.memory_space<hbm>>
      %dma_start3A_127 = arith.constant 0 : i32
      %dma_start3A_128 = tpu.memref_slice %arg4[%add3A_123, %dma_start3A_127] : memref<2560x128xi32, #tpu.memory_space<hbm>> -> memref<1x128xi32, #tpu.memory_space<hbm>>
      %dma_start3A_129 = tpu.memref_squeeze %dma_start3A_128 : memref<1x128xi32, #tpu.memory_space<hbm>> -> memref<128xi32, #tpu.memory_space<hbm>>
      tpu.enqueue_dma source(%dma_start3A_129 : memref<128xi32, #tpu.memory_space<hbm>>) target(%arg10 : memref<128xi32, #tpu.memory_space<vmem>>) target_semaphore(%arg22 : memref<!tpu.dma_semaphore, #tpu.memory_space<semaphore_mem>>)
      %add3A_130 = arith.constant 4 : i32
      %add3A_131 = arith.addi %mul3A_50, %add3A_130 : i32
      %dma_start3A_132 = arith.constant 4 : i32
      %dma_start3A_133 = arith.constant 0 : i32
      %dma_start3A_134 = arith.constant 0 : i32
      %dma_start3A_135 = tpu.memref_slice %arg12[%dma_start3A_132, %dma_start3A_133, %dma_start3A_134] : memref<5x128x16xf32, #tpu.memory_space<vmem>> -> memref<1x128x16xf32, #tpu.memory_space<vmem>>
      %dma_start3A_136 = tpu.memref_squeeze %dma_start3A_135 : memref<1x128x16xf32, #tpu.memory_space<vmem>> -> memref<128x16xf32, #tpu.memory_space<vmem>>
      %dma_start3A_137 = arith.constant 0 : i32
      %dma_start3A_138 = tpu.memref_slice %arg6[%add3A_131, %dma_start3A_137] : memref<80x128xi32, #tpu.memory_space<vmem>> -> memref<1x128xi32, #tpu.memory_space<vmem>>
      %dma_start3A_139 = tpu.memref_squeeze %dma_start3A_138 : memref<1x128xi32, #tpu.memory_space<vmem>> -> memref<128xi32, #tpu.memory_space<vmem>>
      %dma_start3A_140 = arith.constant 0 : i32
      %dma_start3A_141 = arith.constant 0 : i32
      %dma_start3A_142 = tpu.memref_slice %arg2[%dma_start3A_140, %dma_start3A_141] : memref<10000x16xf32, #tpu.memory_space<hbm>> -> memref<10000x16xf32, #tpu.memory_space<hbm>>
      tpu.enqueue_indirect_dma source(%dma_start3A_142 : memref<10000x16xf32, #tpu.memory_space<hbm>>) target(%dma_start3A_136 : memref<128x16xf32, #tpu.memory_space<vmem>>) offsets(%dma_start3A_139 : memref<128xi32, #tpu.memory_space<vmem>>) semaphore(%arg18 : memref<!tpu.dma_semaphore, #tpu.memory_space<semaphore_mem>>)
      %add3A_143 = arith.addi %add3A, %add3A_131 : i32
      %dma_start3A_144 = arith.constant 0 : i32
      %dma_start3A_145 = tpu.memref_slice %arg4[%add3A_143, %dma_start3A_144] : memref<2560x128xi32, #tpu.memory_space<hbm>> -> memref<1x128xi32, #tpu.memory_space<hbm>>
      %dma_start3A_146 = tpu.memref_squeeze %dma_start3A_145 : memref<1x128xi32, #tpu.memory_space<hbm>> -> memref<128xi32, #tpu.memory_space<hbm>>
      %dma_start3A_147 = arith.constant 0 : i32
      %dma_start3A_148 = tpu.memref_slice %arg4[%add3A_143, %dma_start3A_147] : memref<2560x128xi32, #tpu.memory_space<hbm>> -> memref<1x128xi32, #tpu.memory_space<hbm>>
      %dma_start3A_149 = tpu.memref_squeeze %dma_start3A_148 : memref<1x128xi32, #tpu.memory_space<hbm>> -> memref<128xi32, #tpu.memory_space<hbm>>
      tpu.enqueue_dma source(%dma_start3A_149 : memref<128xi32, #tpu.memory_space<hbm>>) target(%arg11 : memref<128xi32, #tpu.memory_space<vmem>>) target_semaphore(%arg23 : memref<!tpu.dma_semaphore, #tpu.memory_space<semaphore_mem>>)
      %dma_wait3A = arith.constant 0 : i32
      %dma_wait3A_150 = tpu.memref_slice %arg4[%add3A_63, %dma_wait3A] : memref<2560x128xi32, #tpu.memory_space<hbm>> -> memref<1x128xi32, #tpu.memory_space<hbm>>
      %dma_wait3A_151 = tpu.memref_squeeze %dma_wait3A_150 : memref<1x128xi32, #tpu.memory_space<hbm>> -> memref<128xi32, #tpu.memory_space<hbm>>
      %dma_wait3A_152 = arith.constant 0 : i32
      %dma_wait3A_153 = tpu.memref_slice %arg4[%add3A_63, %dma_wait3A_152] : memref<2560x128xi32, #tpu.memory_space<hbm>> -> memref<1x128xi32, #tpu.memory_space<hbm>>
      %dma_wait3A_154 = tpu.memref_squeeze %dma_wait3A_153 : memref<1x128xi32, #tpu.memory_space<hbm>> -> memref<128xi32, #tpu.memory_space<hbm>>
      tpu.wait_dma2 semaphore(%arg19 : memref<!tpu.dma_semaphore, #tpu.memory_space<semaphore_mem>>) src(%dma_wait3A_154 : memref<128xi32, #tpu.memory_space<hbm>>) dst(%arg7 : memref<128xi32, #tpu.memory_space<vmem>>)
      %dma_wait3A_155 = arith.constant 0 : i32
      %dma_wait3A_156 = arith.constant 0 : i32
      %dma_wait3A_157 = arith.constant 0 : i32
      %dma_wait3A_158 = tpu.memref_slice %arg12[%dma_wait3A_155, %dma_wait3A_156, %dma_wait3A_157] : memref<5x128x16xf32, #tpu.memory_space<vmem>> -> memref<1x128x16xf32, #tpu.memory_space<vmem>>
      %dma_wait3A_159 = tpu.memref_squeeze %dma_wait3A_158 : memref<1x128x16xf32, #tpu.memory_space<vmem>> -> memref<128x16xf32, #tpu.memory_space<vmem>>
      %dma_wait3A_160 = arith.constant 0 : i32
      %dma_wait3A_161 = tpu.memref_slice %arg6[%add3A_52, %dma_wait3A_160] : memref<80x128xi32, #tpu.memory_space<vmem>> -> memref<1x128xi32, #tpu.memory_space<vmem>>
      %dma_wait3A_162 = tpu.memref_squeeze %dma_wait3A_161 : memref<1x128xi32, #tpu.memory_space<vmem>> -> memref<128xi32, #tpu.memory_space<vmem>>
      %dma_wait3A_163 = arith.constant 0 : i32
      %dma_wait3A_164 = arith.constant 0 : i32
      %dma_wait3A_165 = tpu.memref_slice %arg2[%dma_wait3A_163, %dma_wait3A_164] : memref<10000x16xf32, #tpu.memory_space<hbm>> -> memref<10000x16xf32, #tpu.memory_space<hbm>>
      tpu.wait_indirect_dma semaphore(%arg14 : memref<!tpu.dma_semaphore, #tpu.memory_space<semaphore_mem>>) src(%dma_wait3A_165 : memref<10000x16xf32, #tpu.memory_space<hbm>>) dst(%dma_wait3A_159 : memref<128x16xf32, #tpu.memory_space<vmem>>)
      %dma_start3A_166 = arith.constant 0 : i32
      %dma_start3A_167 = arith.constant 0 : i32
      %dma_start3A_168 = arith.constant 0 : i32
      %dma_start3A_169 = tpu.memref_slice %arg12[%dma_start3A_166, %dma_start3A_167, %dma_start3A_168] : memref<5x128x16xf32, #tpu.memory_space<vmem>> -> memref<1x128x16xf32, #tpu.memory_space<vmem>>
      %dma_start3A_170 = tpu.memref_squeeze %dma_start3A_169 : memref<1x128x16xf32, #tpu.memory_space<vmem>> -> memref<128x16xf32, #tpu.memory_space<vmem>>
      %dma_start3A_171 = arith.constant 0 : i32
      %dma_start3A_172 = arith.constant 0 : i32
      %dma_start3A_173 = tpu.memref_slice %arg13[%dma_start3A_171, %dma_start3A_172] : memref<10240x16xf32, #tpu.memory_space<vmem_shared>> -> memref<10240x16xf32, #tpu.memory_space<vmem_shared>>
      tpu.enqueue_indirect_dma source(%dma_start3A_170 : memref<128x16xf32, #tpu.memory_space<vmem>>) target(%dma_start3A_173 : memref<10240x16xf32, #tpu.memory_space<vmem_shared>>) offsets(%arg7 : memref<128xi32, #tpu.memory_space<vmem>>) semaphore(%arg24 : memref<!tpu.dma_semaphore, #tpu.memory_space<semaphore_mem>>) {add = true}
      %dma_wait3A_174 = arith.constant 0 : i32
      %dma_wait3A_175 = tpu.memref_slice %arg4[%add3A_83, %dma_wait3A_174] : memref<2560x128xi32, #tpu.memory_space<hbm>> -> memref<1x128xi32, #tpu.memory_space<hbm>>
      %dma_wait3A_176 = tpu.memref_squeeze %dma_wait3A_175 : memref<1x128xi32, #tpu.memory_space<hbm>> -> memref<128xi32, #tpu.memory_space<hbm>>
      %dma_wait3A_177 = arith.constant 0 : i32
      %dma_wait3A_178 = tpu.memref_slice %arg4[%add3A_83, %dma_wait3A_177] : memref<2560x128xi32, #tpu.memory_space<hbm>> -> memref<1x128xi32, #tpu.memory_space<hbm>>
      %dma_wait3A_179 = tpu.memref_squeeze %dma_wait3A_178 : memref<1x128xi32, #tpu.memory_space<hbm>> -> memref<128xi32, #tpu.memory_space<hbm>>
      tpu.wait_dma2 semaphore(%arg20 : memref<!tpu.dma_semaphore, #tpu.memory_space<semaphore_mem>>) src(%dma_wait3A_179 : memref<128xi32, #tpu.memory_space<hbm>>) dst(%arg8 : memref<128xi32, #tpu.memory_space<vmem>>)
      %dma_wait3A_180 = arith.constant 1 : i32
      %dma_wait3A_181 = arith.constant 0 : i32
      %dma_wait3A_182 = arith.constant 0 : i32
      %dma_wait3A_183 = tpu.memref_slice %arg12[%dma_wait3A_180, %dma_wait3A_181, %dma_wait3A_182] : memref<5x128x16xf32, #tpu.memory_space<vmem>> -> memref<1x128x16xf32, #tpu.memory_space<vmem>>
      %dma_wait3A_184 = tpu.memref_squeeze %dma_wait3A_183 : memref<1x128x16xf32, #tpu.memory_space<vmem>> -> memref<128x16xf32, #tpu.memory_space<vmem>>
      %dma_wait3A_185 = arith.constant 0 : i32
      %dma_wait3A_186 = tpu.memref_slice %arg6[%add3A_71, %dma_wait3A_185] : memref<80x128xi32, #tpu.memory_space<vmem>> -> memref<1x128xi32, #tpu.memory_space<vmem>>
      %dma_wait3A_187 = tpu.memref_squeeze %dma_wait3A_186 : memref<1x128xi32, #tpu.memory_space<vmem>> -> memref<128xi32, #tpu.memory_space<vmem>>
      %dma_wait3A_188 = arith.constant 0 : i32
      %dma_wait3A_189 = arith.constant 0 : i32
      %dma_wait3A_190 = tpu.memref_slice %arg2[%dma_wait3A_188, %dma_wait3A_189] : memref<10000x16xf32, #tpu.memory_space<hbm>> -> memref<10000x16xf32, #tpu.memory_space<hbm>>
      tpu.wait_indirect_dma semaphore(%arg15 : memref<!tpu.dma_semaphore, #tpu.memory_space<semaphore_mem>>) src(%dma_wait3A_190 : memref<10000x16xf32, #tpu.memory_space<hbm>>) dst(%dma_wait3A_184 : memref<128x16xf32, #tpu.memory_space<vmem>>)
      %dma_start3A_191 = arith.constant 1 : i32
      %dma_start3A_192 = arith.constant 0 : i32
      %dma_start3A_193 = arith.constant 0 : i32
      %dma_start3A_194 = tpu.memref_slice %arg12[%dma_start3A_191, %dma_start3A_192, %dma_start3A_193] : memref<5x128x16xf32, #tpu.memory_space<vmem>> -> memref<1x128x16xf32, #tpu.memory_space<vmem>>
      %dma_start3A_195 = tpu.memref_squeeze %dma_start3A_194 : memref<1x128x16xf32, #tpu.memory_space<vmem>> -> memref<128x16xf32, #tpu.memory_space<vmem>>
      %dma_start3A_196 = arith.constant 0 : i32
      %dma_start3A_197 = arith.constant 0 : i32
      %dma_start3A_198 = tpu.memref_slice %arg13[%dma_start3A_196, %dma_start3A_197] : memref<10240x16xf32, #tpu.memory_space<vmem_shared>> -> memref<10240x16xf32, #tpu.memory_space<vmem_shared>>
      tpu.enqueue_indirect_dma source(%dma_start3A_195 : memref<128x16xf32, #tpu.memory_space<vmem>>) target(%dma_start3A_198 : memref<10240x16xf32, #tpu.memory_space<vmem_shared>>) offsets(%arg8 : memref<128xi32, #tpu.memory_space<vmem>>) semaphore(%arg24 : memref<!tpu.dma_semaphore, #tpu.memory_space<semaphore_mem>>) {add = true}
      %dma_wait3A_199 = arith.constant 0 : i32
      %dma_wait3A_200 = tpu.memref_slice %arg4[%add3A_103, %dma_wait3A_199] : memref<2560x128xi32, #tpu.memory_space<hbm>> -> memref<1x128xi32, #tpu.memory_space<hbm>>
      %dma_wait3A_201 = tpu.memref_squeeze %dma_wait3A_200 : memref<1x128xi32, #tpu.memory_space<hbm>> -> memref<128xi32, #tpu.memory_space<hbm>>
      %dma_wait3A_202 = arith.constant 0 : i32
      %dma_wait3A_203 = tpu.memref_slice %arg4[%add3A_103, %dma_wait3A_202] : memref<2560x128xi32, #tpu.memory_space<hbm>> -> memref<1x128xi32, #tpu.memory_space<hbm>>
      %dma_wait3A_204 = tpu.memref_squeeze %dma_wait3A_203 : memref<1x128xi32, #tpu.memory_space<hbm>> -> memref<128xi32, #tpu.memory_space<hbm>>
      tpu.wait_dma2 semaphore(%arg21 : memref<!tpu.dma_semaphore, #tpu.memory_space<semaphore_mem>>) src(%dma_wait3A_204 : memref<128xi32, #tpu.memory_space<hbm>>) dst(%arg9 : memref<128xi32, #tpu.memory_space<vmem>>)
      %dma_wait3A_205 = arith.constant 2 : i32
      %dma_wait3A_206 = arith.constant 0 : i32
      %dma_wait3A_207 = arith.constant 0 : i32
      %dma_wait3A_208 = tpu.memref_slice %arg12[%dma_wait3A_205, %dma_wait3A_206, %dma_wait3A_207] : memref<5x128x16xf32, #tpu.memory_space<vmem>> -> memref<1x128x16xf32, #tpu.memory_space<vmem>>
      %dma_wait3A_209 = tpu.memref_squeeze %dma_wait3A_208 : memref<1x128x16xf32, #tpu.memory_space<vmem>> -> memref<128x16xf32, #tpu.memory_space<vmem>>
      %dma_wait3A_210 = arith.constant 0 : i32
      %dma_wait3A_211 = tpu.memref_slice %arg6[%add3A_91, %dma_wait3A_210] : memref<80x128xi32, #tpu.memory_space<vmem>> -> memref<1x128xi32, #tpu.memory_space<vmem>>
      %dma_wait3A_212 = tpu.memref_squeeze %dma_wait3A_211 : memref<1x128xi32, #tpu.memory_space<vmem>> -> memref<128xi32, #tpu.memory_space<vmem>>
      %dma_wait3A_213 = arith.constant 0 : i32
      %dma_wait3A_214 = arith.constant 0 : i32
      %dma_wait3A_215 = tpu.memref_slice %arg2[%dma_wait3A_213, %dma_wait3A_214] : memref<10000x16xf32, #tpu.memory_space<hbm>> -> memref<10000x16xf32, #tpu.memory_space<hbm>>
      tpu.wait_indirect_dma semaphore(%arg16 : memref<!tpu.dma_semaphore, #tpu.memory_space<semaphore_mem>>) src(%dma_wait3A_215 : memref<10000x16xf32, #tpu.memory_space<hbm>>) dst(%dma_wait3A_209 : memref<128x16xf32, #tpu.memory_space<vmem>>)
      %dma_start3A_216 = arith.constant 2 : i32
      %dma_start3A_217 = arith.constant 0 : i32
      %dma_start3A_218 = arith.constant 0 : i32
      %dma_start3A_219 = tpu.memref_slice %arg12[%dma_start3A_216, %dma_start3A_217, %dma_start3A_218] : memref<5x128x16xf32, #tpu.memory_space<vmem>> -> memref<1x128x16xf32, #tpu.memory_space<vmem>>
      %dma_start3A_220 = tpu.memref_squeeze %dma_start3A_219 : memref<1x128x16xf32, #tpu.memory_space<vmem>> -> memref<128x16xf32, #tpu.memory_space<vmem>>
      %dma_start3A_221 = arith.constant 0 : i32
      %dma_start3A_222 = arith.constant 0 : i32
      %dma_start3A_223 = tpu.memref_slice %arg13[%dma_start3A_221, %dma_start3A_222] : memref<10240x16xf32, #tpu.memory_space<vmem_shared>> -> memref<10240x16xf32, #tpu.memory_space<vmem_shared>>
      tpu.enqueue_indirect_dma source(%dma_start3A_220 : memref<128x16xf32, #tpu.memory_space<vmem>>) target(%dma_start3A_223 : memref<10240x16xf32, #tpu.memory_space<vmem_shared>>) offsets(%arg9 : memref<128xi32, #tpu.memory_space<vmem>>) semaphore(%arg24 : memref<!tpu.dma_semaphore, #tpu.memory_space<semaphore_mem>>) {add = true}
      %dma_wait3A_224 = arith.constant 0 : i32
      %dma_wait3A_225 = tpu.memref_slice %arg4[%add3A_123, %dma_wait3A_224] : memref<2560x128xi32, #tpu.memory_space<hbm>> -> memref<1x128xi32, #tpu.memory_space<hbm>>
      %dma_wait3A_226 = tpu.memref_squeeze %dma_wait3A_225 : memref<1x128xi32, #tpu.memory_space<hbm>> -> memref<128xi32, #tpu.memory_space<hbm>>
      %dma_wait3A_227 = arith.constant 0 : i32
      %dma_wait3A_228 = tpu.memref_slice %arg4[%add3A_123, %dma_wait3A_227] : memref<2560x128xi32, #tpu.memory_space<hbm>> -> memref<1x128xi32, #tpu.memory_space<hbm>>
      %dma_wait3A_229 = tpu.memref_squeeze %dma_wait3A_228 : memref<1x128xi32, #tpu.memory_space<hbm>> -> memref<128xi32, #tpu.memory_space<hbm>>
      tpu.wait_dma2 semaphore(%arg22 : memref<!tpu.dma_semaphore, #tpu.memory_space<semaphore_mem>>) src(%dma_wait3A_229 : memref<128xi32, #tpu.memory_space<hbm>>) dst(%arg10 : memref<128xi32, #tpu.memory_space<vmem>>)
      %dma_wait3A_230 = arith.constant 3 : i32
      %dma_wait3A_231 = arith.constant 0 : i32
      %dma_wait3A_232 = arith.constant 0 : i32
      %dma_wait3A_233 = tpu.memref_slice %arg12[%dma_wait3A_230, %dma_wait3A_231, %dma_wait3A_232] : memref<5x128x16xf32, #tpu.memory_space<vmem>> -> memref<1x128x16xf32, #tpu.memory_space<vmem>>
      %dma_wait3A_234 = tpu.memref_squeeze %dma_wait3A_233 : memref<1x128x16xf32, #tpu.memory_space<vmem>> -> memref<128x16xf32, #tpu.memory_space<vmem>>
      %dma_wait3A_235 = arith.constant 0 : i32
      %dma_wait3A_236 = tpu.memref_slice %arg6[%add3A_111, %dma_wait3A_235] : memref<80x128xi32, #tpu.memory_space<vmem>> -> memref<1x128xi32, #tpu.memory_space<vmem>>
      %dma_wait3A_237 = tpu.memref_squeeze %dma_wait3A_236 : memref<1x128xi32, #tpu.memory_space<vmem>> -> memref<128xi32, #tpu.memory_space<vmem>>
      %dma_wait3A_238 = arith.constant 0 : i32
      %dma_wait3A_239 = arith.constant 0 : i32
      %dma_wait3A_240 = tpu.memref_slice %arg2[%dma_wait3A_238, %dma_wait3A_239] : memref<10000x16xf32, #tpu.memory_space<hbm>> -> memref<10000x16xf32, #tpu.memory_space<hbm>>
      tpu.wait_indirect_dma semaphore(%arg17 : memref<!tpu.dma_semaphore, #tpu.memory_space<semaphore_mem>>) src(%dma_wait3A_240 : memref<10000x16xf32, #tpu.memory_space<hbm>>) dst(%dma_wait3A_234 : memref<128x16xf32, #tpu.memory_space<vmem>>)
      %dma_start3A_241 = arith.constant 3 : i32
      %dma_start3A_242 = arith.constant 0 : i32
      %dma_start3A_243 = arith.constant 0 : i32
      %dma_start3A_244 = tpu.memref_slice %arg12[%dma_start3A_241, %dma_start3A_242, %dma_start3A_243] : memref<5x128x16xf32, #tpu.memory_space<vmem>> -> memref<1x128x16xf32, #tpu.memory_space<vmem>>
      %dma_start3A_245 = tpu.memref_squeeze %dma_start3A_244 : memref<1x128x16xf32, #tpu.memory_space<vmem>> -> memref<128x16xf32, #tpu.memory_space<vmem>>
      %dma_start3A_246 = arith.constant 0 : i32
      %dma_start3A_247 = arith.constant 0 : i32
      %dma_start3A_248 = tpu.memref_slice %arg13[%dma_start3A_246, %dma_start3A_247] : memref<10240x16xf32, #tpu.memory_space<vmem_shared>> -> memref<10240x16xf32, #tpu.memory_space<vmem_shared>>
      tpu.enqueue_indirect_dma source(%dma_start3A_245 : memref<128x16xf32, #tpu.memory_space<vmem>>) target(%dma_start3A_248 : memref<10240x16xf32, #tpu.memory_space<vmem_shared>>) offsets(%arg10 : memref<128xi32, #tpu.memory_space<vmem>>) semaphore(%arg24 : memref<!tpu.dma_semaphore, #tpu.memory_space<semaphore_mem>>) {add = true}
      %dma_wait3A_249 = arith.constant 0 : i32
      %dma_wait3A_250 = tpu.memref_slice %arg4[%add3A_143, %dma_wait3A_249] : memref<2560x128xi32, #tpu.memory_space<hbm>> -> memref<1x128xi32, #tpu.memory_space<hbm>>
      %dma_wait3A_251 = tpu.memref_squeeze %dma_wait3A_250 : memref<1x128xi32, #tpu.memory_space<hbm>> -> memref<128xi32, #tpu.memory_space<hbm>>
      %dma_wait3A_252 = arith.constant 0 : i32
      %dma_wait3A_253 = tpu.memref_slice %arg4[%add3A_143, %dma_wait3A_252] : memref<2560x128xi32, #tpu.memory_space<hbm>> -> memref<1x128xi32, #tpu.memory_space<hbm>>
      %dma_wait3A_254 = tpu.memref_squeeze %dma_wait3A_253 : memref<1x128xi32, #tpu.memory_space<hbm>> -> memref<128xi32, #tpu.memory_space<hbm>>
      tpu.wait_dma2 semaphore(%arg23 : memref<!tpu.dma_semaphore, #tpu.memory_space<semaphore_mem>>) src(%dma_wait3A_254 : memref<128xi32, #tpu.memory_space<hbm>>) dst(%arg11 : memref<128xi32, #tpu.memory_space<vmem>>)
      %dma_wait3A_255 = arith.constant 4 : i32
      %dma_wait3A_256 = arith.constant 0 : i32
      %dma_wait3A_257 = arith.constant 0 : i32
      %dma_wait3A_258 = tpu.memref_slice %arg12[%dma_wait3A_255, %dma_wait3A_256, %dma_wait3A_257] : memref<5x128x16xf32, #tpu.memory_space<vmem>> -> memref<1x128x16xf32, #tpu.memory_space<vmem>>
      %dma_wait3A_259 = tpu.memref_squeeze %dma_wait3A_258 : memref<1x128x16xf32, #tpu.memory_space<vmem>> -> memref<128x16xf32, #tpu.memory_space<vmem>>
      %dma_wait3A_260 = arith.constant 0 : i32
      %dma_wait3A_261 = tpu.memref_slice %arg6[%add3A_131, %dma_wait3A_260] : memref<80x128xi32, #tpu.memory_space<vmem>> -> memref<1x128xi32, #tpu.memory_space<vmem>>
      %dma_wait3A_262 = tpu.memref_squeeze %dma_wait3A_261 : memref<1x128xi32, #tpu.memory_space<vmem>> -> memref<128xi32, #tpu.memory_space<vmem>>
      %dma_wait3A_263 = arith.constant 0 : i32
      %dma_wait3A_264 = arith.constant 0 : i32
      %dma_wait3A_265 = tpu.memref_slice %arg2[%dma_wait3A_263, %dma_wait3A_264] : memref<10000x16xf32, #tpu.memory_space<hbm>> -> memref<10000x16xf32, #tpu.memory_space<hbm>>
      tpu.wait_indirect_dma semaphore(%arg18 : memref<!tpu.dma_semaphore, #tpu.memory_space<semaphore_mem>>) src(%dma_wait3A_265 : memref<10000x16xf32, #tpu.memory_space<hbm>>) dst(%dma_wait3A_259 : memref<128x16xf32, #tpu.memory_space<vmem>>)
      %dma_start3A_266 = arith.constant 4 : i32
      %dma_start3A_267 = arith.constant 0 : i32
      %dma_start3A_268 = arith.constant 0 : i32
      %dma_start3A_269 = tpu.memref_slice %arg12[%dma_start3A_266, %dma_start3A_267, %dma_start3A_268] : memref<5x128x16xf32, #tpu.memory_space<vmem>> -> memref<1x128x16xf32, #tpu.memory_space<vmem>>
      %dma_start3A_270 = tpu.memref_squeeze %dma_start3A_269 : memref<1x128x16xf32, #tpu.memory_space<vmem>> -> memref<128x16xf32, #tpu.memory_space<vmem>>
      %dma_start3A_271 = arith.constant 0 : i32
      %dma_start3A_272 = arith.constant 0 : i32
      %dma_start3A_273 = tpu.memref_slice %arg13[%dma_start3A_271, %dma_start3A_272] : memref<10240x16xf32, #tpu.memory_space<vmem_shared>> -> memref<10240x16xf32, #tpu.memory_space<vmem_shared>>
      tpu.enqueue_indirect_dma source(%dma_start3A_270 : memref<128x16xf32, #tpu.memory_space<vmem>>) target(%dma_start3A_273 : memref<10240x16xf32, #tpu.memory_space<vmem_shared>>) offsets(%arg11 : memref<128xi32, #tpu.memory_space<vmem>>) semaphore(%arg24 : memref<!tpu.dma_semaphore, #tpu.memory_space<semaphore_mem>>) {add = true}
      %dma_wait3A_274 = arith.constant 0 : i32
      %dma_wait3A_275 = arith.constant 0 : i32
      %dma_wait3A_276 = arith.constant 0 : i32
      %dma_wait3A_277 = tpu.memref_slice %arg12[%dma_wait3A_274, %dma_wait3A_275, %dma_wait3A_276] : memref<5x128x16xf32, #tpu.memory_space<vmem>> -> memref<1x128x16xf32, #tpu.memory_space<vmem>>
      %dma_wait3A_278 = tpu.memref_squeeze %dma_wait3A_277 : memref<1x128x16xf32, #tpu.memory_space<vmem>> -> memref<128x16xf32, #tpu.memory_space<vmem>>
      %dma_wait3A_279 = arith.constant 0 : i32
      %dma_wait3A_280 = arith.constant 0 : i32
      %dma_wait3A_281 = tpu.memref_slice %arg13[%dma_wait3A_279, %dma_wait3A_280] : memref<10240x16xf32, #tpu.memory_space<vmem_shared>> -> memref<10240x16xf32, #tpu.memory_space<vmem_shared>>
      tpu.wait_indirect_dma semaphore(%arg24 : memref<!tpu.dma_semaphore, #tpu.memory_space<semaphore_mem>>) src(%dma_wait3A_278 : memref<128x16xf32, #tpu.memory_space<vmem>>) dst(%dma_wait3A_281 : memref<10240x16xf32, #tpu.memory_space<vmem_shared>>)
      %dma_wait3A_282 = arith.constant 1 : i32
      %dma_wait3A_283 = arith.constant 0 : i32
      %dma_wait3A_284 = arith.constant 0 : i32
      %dma_wait3A_285 = tpu.memref_slice %arg12[%dma_wait3A_282, %dma_wait3A_283, %dma_wait3A_284] : memref<5x128x16xf32, #tpu.memory_space<vmem>> -> memref<1x128x16xf32, #tpu.memory_space<vmem>>
      %dma_wait3A_286 = tpu.memref_squeeze %dma_wait3A_285 : memref<1x128x16xf32, #tpu.memory_space<vmem>> -> memref<128x16xf32, #tpu.memory_space<vmem>>
      %dma_wait3A_287 = arith.constant 0 : i32
      %dma_wait3A_288 = arith.constant 0 : i32
      %dma_wait3A_289 = tpu.memref_slice %arg13[%dma_wait3A_287, %dma_wait3A_288] : memref<10240x16xf32, #tpu.memory_space<vmem_shared>> -> memref<10240x16xf32, #tpu.memory_space<vmem_shared>>
      tpu.wait_indirect_dma semaphore(%arg24 : memref<!tpu.dma_semaphore, #tpu.memory_space<semaphore_mem>>) src(%dma_wait3A_286 : memref<128x16xf32, #tpu.memory_space<vmem>>) dst(%dma_wait3A_289 : memref<10240x16xf32, #tpu.memory_space<vmem_shared>>)
      %dma_wait3A_290 = arith.constant 2 : i32
      %dma_wait3A_291 = arith.constant 0 : i32
      %dma_wait3A_292 = arith.constant 0 : i32
      %dma_wait3A_293 = tpu.memref_slice %arg12[%dma_wait3A_290, %dma_wait3A_291, %dma_wait3A_292] : memref<5x128x16xf32, #tpu.memory_space<vmem>> -> memref<1x128x16xf32, #tpu.memory_space<vmem>>
      %dma_wait3A_294 = tpu.memref_squeeze %dma_wait3A_293 : memref<1x128x16xf32, #tpu.memory_space<vmem>> -> memref<128x16xf32, #tpu.memory_space<vmem>>
      %dma_wait3A_295 = arith.constant 0 : i32
      %dma_wait3A_296 = arith.constant 0 : i32
      %dma_wait3A_297 = tpu.memref_slice %arg13[%dma_wait3A_295, %dma_wait3A_296] : memref<10240x16xf32, #tpu.memory_space<vmem_shared>> -> memref<10240x16xf32, #tpu.memory_space<vmem_shared>>
      tpu.wait_indirect_dma semaphore(%arg24 : memref<!tpu.dma_semaphore, #tpu.memory_space<semaphore_mem>>) src(%dma_wait3A_294 : memref<128x16xf32, #tpu.memory_space<vmem>>) dst(%dma_wait3A_297 : memref<10240x16xf32, #tpu.memory_space<vmem_shared>>)
      %dma_wait3A_298 = arith.constant 3 : i32
      %dma_wait3A_299 = arith.constant 0 : i32
      %dma_wait3A_300 = arith.constant 0 : i32
      %dma_wait3A_301 = tpu.memref_slice %arg12[%dma_wait3A_298, %dma_wait3A_299, %dma_wait3A_300] : memref<5x128x16xf32, #tpu.memory_space<vmem>> -> memref<1x128x16xf32, #tpu.memory_space<vmem>>
      %dma_wait3A_302 = tpu.memref_squeeze %dma_wait3A_301 : memref<1x128x16xf32, #tpu.memory_space<vmem>> -> memref<128x16xf32, #tpu.memory_space<vmem>>
      %dma_wait3A_303 = arith.constant 0 : i32
      %dma_wait3A_304 = arith.constant 0 : i32
      %dma_wait3A_305 = tpu.memref_slice %arg13[%dma_wait3A_303, %dma_wait3A_304] : memref<10240x16xf32, #tpu.memory_space<vmem_shared>> -> memref<10240x16xf32, #tpu.memory_space<vmem_shared>>
      tpu.wait_indirect_dma semaphore(%arg24 : memref<!tpu.dma_semaphore, #tpu.memory_space<semaphore_mem>>) src(%dma_wait3A_302 : memref<128x16xf32, #tpu.memory_space<vmem>>) dst(%dma_wait3A_305 : memref<10240x16xf32, #tpu.memory_space<vmem_shared>>)
      %dma_wait3A_306 = arith.constant 4 : i32
      %dma_wait3A_307 = arith.constant 0 : i32
      %dma_wait3A_308 = arith.constant 0 : i32
      %dma_wait3A_309 = tpu.memref_slice %arg12[%dma_wait3A_306, %dma_wait3A_307, %dma_wait3A_308] : memref<5x128x16xf32, #tpu.memory_space<vmem>> -> memref<1x128x16xf32, #tpu.memory_space<vmem>>
      %dma_wait3A_310 = tpu.memref_squeeze %dma_wait3A_309 : memref<1x128x16xf32, #tpu.memory_space<vmem>> -> memref<128x16xf32, #tpu.memory_space<vmem>>
      %dma_wait3A_311 = arith.constant 0 : i32
      %dma_wait3A_312 = arith.constant 0 : i32
      %dma_wait3A_313 = tpu.memref_slice %arg13[%dma_wait3A_311, %dma_wait3A_312] : memref<10240x16xf32, #tpu.memory_space<vmem_shared>> -> memref<10240x16xf32, #tpu.memory_space<vmem_shared>>
      tpu.wait_indirect_dma semaphore(%arg24 : memref<!tpu.dma_semaphore, #tpu.memory_space<semaphore_mem>>) src(%dma_wait3A_310 : memref<128x16xf32, #tpu.memory_space<vmem>>) dst(%dma_wait3A_313 : memref<10240x16xf32, #tpu.memory_space<vmem_shared>>)
    }
    %scan3A_36 = arith.constant 16 : i32
    %barrier3A_37 = arith.constant 0 : index
    tpu.barrier barrier_id(%barrier3A_37)
    %lt3A = arith.constant 15 : i32
    %lt3A_38 = arith.cmpi slt, %arg1, %lt3A : i32
    %convert_element_type3A = arith.extui %lt3A_38 : i1 to i32
    %cond3A = arith.constant 0 : i32
    %cond3A_39 = arith.cmpi ne, %convert_element_type3A, %cond3A : i32
    scf.if %cond3A_39 {
      %mul3A_44 = arith.constant 640 : i32
      %mul3A_45 = arith.muli %arg1, %mul3A_44 : i32
      %mul3A_46 = arith.constant 10000 : i32
      %mul3A_47 = arith.muli %arg0, %mul3A_46 : i32
      %add3A_48 = arith.addi %mul3A_47, %mul3A_45 : i32
      "tpu.region"() ({
        %run_scoped3A_49 = tpu.sem_alloc : memref<!tpu.dma_semaphore, #tpu.memory_space<semaphore_mem>>
        %dma_start3A = arith.constant 0 : i32
        %dma_start3A_50 = tpu.memref_slice %arg5[%add3A_48, %dma_start3A] : memref<20000x16xf32, #tpu.memory_space<hbm>> -> memref<640x16xf32, #tpu.memory_space<hbm>>
        %dma_start3A_51 = arith.constant 0 : i32
        %dma_start3A_52 = tpu.memref_slice %arg13[%mul3A_45, %dma_start3A_51] : memref<10240x16xf32, #tpu.memory_space<vmem_shared>> -> memref<640x16xf32, #tpu.memory_space<vmem_shared>>
        tpu.enqueue_dma source(%dma_start3A_52 : memref<640x16xf32, #tpu.memory_space<vmem_shared>>) target(%dma_start3A_50 : memref<640x16xf32, #tpu.memory_space<hbm>>) target_semaphore(%run_scoped3A_49 : memref<!tpu.dma_semaphore, #tpu.memory_space<semaphore_mem>>)
        %dma_wait3A = arith.constant 0 : i32
        %dma_wait3A_53 = tpu.memref_slice %arg5[%add3A_48, %dma_wait3A] : memref<20000x16xf32, #tpu.memory_space<hbm>> -> memref<640x16xf32, #tpu.memory_space<hbm>>
        %dma_wait3A_54 = arith.constant 0 : i32
        %dma_wait3A_55 = tpu.memref_slice %arg13[%mul3A_45, %dma_wait3A_54] : memref<10240x16xf32, #tpu.memory_space<vmem_shared>> -> memref<640x16xf32, #tpu.memory_space<vmem_shared>>
        tpu.wait_dma2 semaphore(%run_scoped3A_49 : memref<!tpu.dma_semaphore, #tpu.memory_space<semaphore_mem>>) src(%dma_wait3A_55 : memref<640x16xf32, #tpu.memory_space<vmem_shared>>) dst(%dma_wait3A_53 : memref<640x16xf32, #tpu.memory_space<hbm>>)
        tpu.yield
      }) : () -> ()
    } else {
    }
    %eq3A = arith.constant 15 : i32
    %eq3A_40 = arith.cmpi eq, %arg1, %eq3A : i32
    %convert_element_type3A_41 = arith.extui %eq3A_40 : i1 to i32
    %cond3A_42 = arith.constant 0 : i32
    %cond3A_43 = arith.cmpi ne, %convert_element_type3A_41, %cond3A_42 : i32
    scf.if %cond3A_43 {
      %mul3A_44 = arith.constant 10000 : i32
      %mul3A_45 = arith.muli %arg0, %mul3A_44 : i32
      %add3A_46 = arith.constant 9600 : i32
      %add3A_47 = arith.addi %mul3A_45, %add3A_46 : i32
      "tpu.region"() ({
        %run_scoped3A_48 = tpu.sem_alloc : memref<!tpu.dma_semaphore, #tpu.memory_space<semaphore_mem>>
        %dma_start3A = arith.constant 0 : i32
        %dma_start3A_49 = tpu.memref_slice %arg5[%add3A_47, %dma_start3A] : memref<20000x16xf32, #tpu.memory_space<hbm>> -> memref<400x16xf32, #tpu.memory_space<hbm>>
        %dma_start3A_50 = arith.constant 9600 : i32
        %dma_start3A_51 = arith.constant 0 : i32
        %dma_start3A_52 = tpu.memref_slice %arg13[%dma_start3A_50, %dma_start3A_51] : memref<10240x16xf32, #tpu.memory_space<vmem_shared>> -> memref<400x16xf32, #tpu.memory_space<vmem_shared>>
        tpu.enqueue_dma source(%dma_start3A_52 : memref<400x16xf32, #tpu.memory_space<vmem_shared>>) target(%dma_start3A_49 : memref<400x16xf32, #tpu.memory_space<hbm>>) target_semaphore(%run_scoped3A_48 : memref<!tpu.dma_semaphore, #tpu.memory_space<semaphore_mem>>)
        %dma_wait3A = arith.constant 0 : i32
        %dma_wait3A_53 = tpu.memref_slice %arg5[%add3A_47, %dma_wait3A] : memref<20000x16xf32, #tpu.memory_space<hbm>> -> memref<400x16xf32, #tpu.memory_space<hbm>>
        %dma_wait3A_54 = arith.constant 9600 : i32
        %dma_wait3A_55 = arith.constant 0 : i32
        %dma_wait3A_56 = tpu.memref_slice %arg13[%dma_wait3A_54, %dma_wait3A_55] : memref<10240x16xf32, #tpu.memory_space<vmem_shared>> -> memref<400x16xf32, #tpu.memory_space<vmem_shared>>
        tpu.wait_dma2 semaphore(%run_scoped3A_48 : memref<!tpu.dma_semaphore, #tpu.memory_space<semaphore_mem>>) src(%dma_wait3A_56 : memref<400x16xf32, #tpu.memory_space<vmem_shared>>) dst(%dma_wait3A_53 : memref<400x16xf32, #tpu.memory_space<hbm>>)
        tpu.yield
      }) : () -> ()
    } else {
    }
    return
  }
}

module attributes {stable_mosaic.version = 14 : i64} {
  func.func @_tc_pre_body(%arg0: i32, %arg1: memref<400x128xf32, #tpu.memory_space<vmem>>, %arg2: memref<128x128xf32, #tpu.memory_space<vmem>>, %arg3: memref<1x128xf32, #tpu.memory_space<vmem>>, %arg4: memref<128x128xf32, #tpu.memory_space<vmem>>, %arg5: memref<128x128xf32, #tpu.memory_space<vmem>>, %arg6: memref<1x128xf32, #tpu.memory_space<vmem>>, %arg7: memref<2x400x64xf32, #tpu.memory_space<vmem>>, %arg8: memref<400x128xf32, #tpu.memory_space<vmem>>) attributes {dimension_semantics = [#tpu.dimension_semantics<arbitrary>], iteration_bounds = array<i64: 25>, scalar_prefetch = 0 : i64, scratch_operands = 0 : i64, tpu.core_type = #tpu.core_type<tc>, window_params = [{transform_indices = @transform_0, window_bounds = array<i64: 400, 128>}, {pipeline_mode = #tpu.pipeline_mode<synchronous>, transform_indices = @transform_1, window_bounds = array<i64: 128, 128>}, {pipeline_mode = #tpu.pipeline_mode<synchronous>, transform_indices = @transform_2, window_bounds = array<i64: 1, 128>}, {pipeline_mode = #tpu.pipeline_mode<synchronous>, transform_indices = @transform_3, window_bounds = array<i64: 128, 128>}, {pipeline_mode = #tpu.pipeline_mode<synchronous>, transform_indices = @transform_4, window_bounds = array<i64: 128, 128>}, {pipeline_mode = #tpu.pipeline_mode<synchronous>, transform_indices = @transform_5, window_bounds = array<i64: 1, 128>}, {transform_indices = @transform_6, window_bounds = array<i64: 2, 400, 64>}, {transform_indices = @transform_7, window_bounds = array<i64: 400, 128>}]} {
    %get3A = arith.constant 0 : index
    %get3A_0 = arith.constant 0 : index
    %get3A_1 = vector.load %arg1[%get3A, %get3A_0] : memref<400x128xf32, #tpu.memory_space<vmem>>, vector<400x128xf32>
    %get3A_2 = arith.constant 0 : index
    %get3A_3 = arith.constant 0 : index
    %get3A_4 = vector.load %arg2[%get3A_2, %get3A_3] : memref<128x128xf32, #tpu.memory_space<vmem>>, vector<128x128xf32>
    %dot_general3A = arith.constant dense<0.000000e+00> : vector<400x128xf32>
    %dot_general3A_5 = tpu.matmul %get3A_1, %get3A_4, %dot_general3A {dimension_numbers = #tpu.dot_dimension_numbers<[1], [1], [0], [0], [0, 0, 1, 0], [], []>, transpose_lhs_hint = false} : vector<400x128xf32>, vector<128x128xf32>, vector<400x128xf32> -> vector<400x128xf32>
    %get3A_6 = arith.constant 0 : index
    %get3A_7 = arith.constant 0 : index
    %get3A_8 = vector.load %arg3[%get3A_6, %get3A_7] : memref<1x128xf32, #tpu.memory_space<vmem>>, vector<1x128xf32>
    %add3A = vector.broadcast %get3A_8 : vector<1x128xf32> to vector<400x128xf32>
    %add3A_9 = arith.addf %dot_general3A_5, %add3A : vector<400x128xf32>
    %max3A = arith.constant 0.000000e+00 : f32
    %max3A_10 = vector.broadcast %max3A : f32 to vector<400x128xf32>
    %max3A_11 = arith.maximumf %add3A_9, %max3A_10 : vector<400x128xf32>
    %get3A_12 = arith.constant 0 : index
    %get3A_13 = arith.constant 0 : index
    %get3A_14 = vector.load %arg4[%get3A_12, %get3A_13] : memref<128x128xf32, #tpu.memory_space<vmem>>, vector<128x128xf32>
    %dot_general3A_15 = arith.constant dense<0.000000e+00> : vector<400x128xf32>
    %dot_general3A_16 = tpu.matmul %max3A_11, %get3A_14, %dot_general3A_15 {dimension_numbers = #tpu.dot_dimension_numbers<[1], [1], [0], [0], [0, 0, 1, 0], [], []>, transpose_lhs_hint = false} : vector<400x128xf32>, vector<128x128xf32>, vector<400x128xf32> -> vector<400x128xf32>
    %slice3A = vector.extract_strided_slice %dot_general3A_16 {offsets = [0, 0], sizes = [400, 64], strides = [1, 1]} : vector<400x128xf32> to vector<400x64xf32>
    %swap3A = arith.constant 0 : index
    %swap3A_17 = arith.constant 0 : index
    %swap3A_18 = arith.constant 0 : index
    %swap3A_19 = vector.load %arg7[%swap3A, %swap3A_17, %swap3A_18] : memref<2x400x64xf32, #tpu.memory_space<vmem>>, vector<1x400x64xf32>
    %swap3A_20 = vector.shape_cast %swap3A_19 : vector<1x400x64xf32> to vector<400x64xf32>
    %swap3A_21 = vector.shape_cast %slice3A : vector<400x64xf32> to vector<1x400x64xf32>
    tpu.vector_store %arg7[%swap3A, %swap3A_17, %swap3A_18], %swap3A_21 {strides = array<i32>} : memref<2x400x64xf32, #tpu.memory_space<vmem>>, vector<1x400x64xf32>,
    %slice3A_22 = vector.extract_strided_slice %dot_general3A_16 {offsets = [0, 64], sizes = [400, 64], strides = [1, 1]} : vector<400x128xf32> to vector<400x64xf32>
    %swap3A_23 = arith.constant 1 : index
    %swap3A_24 = arith.constant 0 : index
    %swap3A_25 = arith.constant 0 : index
    %swap3A_26 = vector.load %arg7[%swap3A_23, %swap3A_24, %swap3A_25] : memref<2x400x64xf32, #tpu.memory_space<vmem>>, vector<1x400x64xf32>
    %swap3A_27 = vector.shape_cast %swap3A_26 : vector<1x400x64xf32> to vector<400x64xf32>
    %swap3A_28 = vector.shape_cast %slice3A_22 : vector<400x64xf32> to vector<1x400x64xf32>
    tpu.vector_store %arg7[%swap3A_23, %swap3A_24, %swap3A_25], %swap3A_28 {strides = array<i32>} : memref<2x400x64xf32, #tpu.memory_space<vmem>>, vector<1x400x64xf32>,
    %get3A_29 = arith.constant 0 : index
    %get3A_30 = arith.constant 0 : index
    %get3A_31 = vector.load %arg5[%get3A_29, %get3A_30] : memref<128x128xf32, #tpu.memory_space<vmem>>, vector<128x128xf32>
    %dot_general3A_32 = arith.constant dense<0.000000e+00> : vector<400x128xf32>
    %dot_general3A_33 = tpu.matmul %max3A_11, %get3A_31, %dot_general3A_32 {dimension_numbers = #tpu.dot_dimension_numbers<[1], [1], [0], [0], [0, 0, 1, 0], [], []>, transpose_lhs_hint = false} : vector<400x128xf32>, vector<128x128xf32>, vector<400x128xf32> -> vector<400x128xf32>
    %get3A_34 = arith.constant 0 : index
    %get3A_35 = arith.constant 0 : index
    %get3A_36 = vector.load %arg6[%get3A_34, %get3A_35] : memref<1x128xf32, #tpu.memory_space<vmem>>, vector<1x128xf32>
    %add3A_37 = vector.broadcast %get3A_36 : vector<1x128xf32> to vector<400x128xf32>
    %add3A_38 = arith.addf %dot_general3A_33, %add3A_37 : vector<400x128xf32>
    %swap3A_39 = arith.constant 0 : index
    %swap3A_40 = arith.constant 0 : index
    %swap3A_41 = vector.load %arg8[%swap3A_39, %swap3A_40] : memref<400x128xf32, #tpu.memory_space<vmem>>, vector<400x128xf32>
    tpu.vector_store %arg8[%swap3A_39, %swap3A_40], %add3A_38 {strides = array<i32>} : memref<400x128xf32, #tpu.memory_space<vmem>>, vector<400x128xf32>,
    return
  }
  func.func @transform_0(%arg0: i32) -> (i32, i32) {
    %c0_i32 = arith.constant 0 : i32
    %c0_i32_0 = arith.constant 0 : i32
    return %arg0, %c0_i32 : i32, i32
  }
  func.func @transform_1(%arg0: i32) -> (i32, i32) {
    %c0_i32 = arith.constant 0 : i32
    %c0_i32_0 = arith.constant 0 : i32
    %c0_i32_1 = arith.constant 0 : i32
    return %c0_i32, %c0_i32_0 : i32, i32
  }
  func.func @transform_2(%arg0: i32) -> (i32, i32) {
    %c0_i32 = arith.constant 0 : i32
    %c0_i32_0 = arith.constant 0 : i32
    %c0_i32_1 = arith.constant 0 : i32
    return %c0_i32, %c0_i32_0 : i32, i32
  }
  func.func @transform_3(%arg0: i32) -> (i32, i32) {
    %c0_i32 = arith.constant 0 : i32
    %c0_i32_0 = arith.constant 0 : i32
    %c0_i32_1 = arith.constant 0 : i32
    return %c0_i32, %c0_i32_0 : i32, i32
  }
  func.func @transform_4(%arg0: i32) -> (i32, i32) {
    %c0_i32 = arith.constant 0 : i32
    %c0_i32_0 = arith.constant 0 : i32
    %c0_i32_1 = arith.constant 0 : i32
    return %c0_i32, %c0_i32_0 : i32, i32
  }
  func.func @transform_5(%arg0: i32) -> (i32, i32) {
    %c0_i32 = arith.constant 0 : i32
    %c0_i32_0 = arith.constant 0 : i32
    %c0_i32_1 = arith.constant 0 : i32
    return %c0_i32, %c0_i32_0 : i32, i32
  }
  func.func @transform_6(%arg0: i32) -> (i32, i32, i32) {
    %c0_i32 = arith.constant 0 : i32
    %c0_i32_0 = arith.constant 0 : i32
    %c0_i32_1 = arith.constant 0 : i32
    return %c0_i32, %arg0, %c0_i32_0 : i32, i32, i32
  }
  func.func @transform_7(%arg0: i32) -> (i32, i32) {
    %c0_i32 = arith.constant 0 : i32
    %c0_i32_0 = arith.constant 0 : i32
    return %arg0, %c0_i32 : i32, i32
  }
}

module attributes {stable_mosaic.version = 14 : i64} {
  func.func @_tc_mid_body(%arg0: i32, %arg1: memref<2x400x64xf32, #tpu.memory_space<vmem>>, %arg2: memref<400x16xf32, #tpu.memory_space<vmem>>, %arg3: memref<400x128xf32, #tpu.memory_space<vmem>>, %arg4: memref<16x128xf32, #tpu.memory_space<vmem>>, %arg5: memref<16x128xf32, #tpu.memory_space<vmem>>, %arg6: memref<1x16xf32, #tpu.memory_space<vmem>>, %arg7: memref<400x16xf32, #tpu.memory_space<vmem>>, %arg8: memref<400x16xf32, #tpu.memory_space<vmem>>) attributes {dimension_semantics = [#tpu.dimension_semantics<arbitrary>], iteration_bounds = array<i64: 25>, scalar_prefetch = 0 : i64, scratch_operands = 0 : i64, tpu.core_type = #tpu.core_type<tc>, window_params = [{transform_indices = @transform_0, window_bounds = array<i64: 2, 400, 64>}, {transform_indices = @transform_1, window_bounds = array<i64: 400, 16>}, {transform_indices = @transform_2, window_bounds = array<i64: 400, 128>}, {pipeline_mode = #tpu.pipeline_mode<synchronous>, transform_indices = @transform_3, window_bounds = array<i64: 16, 128>}, {pipeline_mode = #tpu.pipeline_mode<synchronous>, transform_indices = @transform_4, window_bounds = array<i64: 16, 128>}, {pipeline_mode = #tpu.pipeline_mode<synchronous>, transform_indices = @transform_5, window_bounds = array<i64: 1, 16>}, {transform_indices = @transform_6, window_bounds = array<i64: 400, 16>}, {transform_indices = @transform_7, window_bounds = array<i64: 400, 16>}]} {
    %get3A = arith.constant 0 : index
    %get3A_0 = arith.constant 0 : index
    %get3A_1 = arith.constant 0 : index
    %get3A_2 = vector.load %arg1[%get3A, %get3A_0, %get3A_1] : memref<2x400x64xf32, #tpu.memory_space<vmem>>, vector<1x400x64xf32>
    %get3A_3 = vector.shape_cast %get3A_2 : vector<1x400x64xf32> to vector<400x64xf32>
    %get3A_4 = arith.constant 1 : index
    %get3A_5 = arith.constant 0 : index
    %get3A_6 = arith.constant 0 : index
    %get3A_7 = vector.load %arg1[%get3A_4, %get3A_5, %get3A_6] : memref<2x400x64xf32, #tpu.memory_space<vmem>>, vector<1x400x64xf32>
    %get3A_8 = vector.shape_cast %get3A_7 : vector<1x400x64xf32> to vector<400x64xf32>
    %concatenate3A = tpu.concatenate %get3A_3, %get3A_8 in 1 : vector<400x64xf32>, vector<400x64xf32> -> vector<400x128xf32>
    %get3A_9 = arith.constant 0 : index
    %get3A_10 = arith.constant 0 : index
    %get3A_11 = vector.load %arg2[%get3A_9, %get3A_10] : memref<400x16xf32, #tpu.memory_space<vmem>>, vector<400x1xf32>
    %get3A_12 = vector.shape_cast %get3A_11 : vector<400x1xf32> to vector<400xf32>
    %max3A = arith.constant 1.000000e+00 : f32
    %max3A_13 = vector.broadcast %max3A : f32 to vector<400xf32>
    %max3A_14 = arith.maximumf %get3A_12, %max3A_13 : vector<400xf32>
    %broadcast_in_dim3A = vector.shape_cast %max3A_14 : vector<400xf32> to vector<400x1xf32>
    %div3A = vector.broadcast %broadcast_in_dim3A : vector<400x1xf32> to vector<400x128xf32>
    %div3A_15 = arith.divf %concatenate3A, %div3A : vector<400x128xf32>
    %get3A_16 = arith.constant 0 : index
    %get3A_17 = arith.constant 0 : index
    %get3A_18 = vector.load %arg3[%get3A_16, %get3A_17] : memref<400x128xf32, #tpu.memory_space<vmem>>, vector<400x128xf32>
    %add3A = arith.addf %div3A_15, %get3A_18 : vector<400x128xf32>
    %max3A_19 = arith.constant 0.000000e+00 : f32
    %max3A_20 = vector.broadcast %max3A_19 : f32 to vector<400x128xf32>
    %max3A_21 = arith.maximumf %add3A, %max3A_20 : vector<400x128xf32>
    %get3A_22 = arith.constant 0 : index
    %get3A_23 = arith.constant 0 : index
    %get3A_24 = vector.load %arg4[%get3A_22, %get3A_23] : memref<16x128xf32, #tpu.memory_space<vmem>>, vector<16x128xf32>
    %dot_general3A = arith.constant dense<0.000000e+00> : vector<400x16xf32>
    %dot_general3A_25 = tpu.matmul %max3A_21, %get3A_24, %dot_general3A {dimension_numbers = #tpu.dot_dimension_numbers<[1], [1], [0], [0], [0, 0, 1, 0], [], []>, transpose_lhs_hint = false} : vector<400x128xf32>, vector<16x128xf32>, vector<400x16xf32> -> vector<400x16xf32>
    %swap3A = arith.constant 0 : index
    %swap3A_26 = arith.constant 0 : index
    %swap3A_27 = vector.load %arg7[%swap3A, %swap3A_26] : memref<400x16xf32, #tpu.memory_space<vmem>>, vector<400x16xf32>
    tpu.vector_store %arg7[%swap3A, %swap3A_26], %dot_general3A_25 {strides = array<i32>} : memref<400x16xf32, #tpu.memory_space<vmem>>, vector<400x16xf32>,
    %get3A_28 = arith.constant 0 : index
    %get3A_29 = arith.constant 0 : index
    %get3A_30 = vector.load %arg5[%get3A_28, %get3A_29] : memref<16x128xf32, #tpu.memory_space<vmem>>, vector<16x128xf32>
    %dot_general3A_31 = arith.constant dense<0.000000e+00> : vector<400x16xf32>
    %dot_general3A_32 = tpu.matmul %max3A_21, %get3A_30, %dot_general3A_31 {dimension_numbers = #tpu.dot_dimension_numbers<[1], [1], [0], [0], [0, 0, 1, 0], [], []>, transpose_lhs_hint = false} : vector<400x128xf32>, vector<16x128xf32>, vector<400x16xf32> -> vector<400x16xf32>
    %get3A_33 = arith.constant 0 : index
    %get3A_34 = arith.constant 0 : index
    %get3A_35 = vector.load %arg6[%get3A_33, %get3A_34] : memref<1x16xf32, #tpu.memory_space<vmem>>, vector<1x16xf32>
    %add3A_36 = vector.broadcast %get3A_35 : vector<1x16xf32> to vector<400x16xf32>
    %add3A_37 = arith.addf %dot_general3A_32, %add3A_36 : vector<400x16xf32>
    %iota3A = tpu.iota {dimensions = array<i32: 1>} : vector<400x16xi32>
    %eq3A = arith.constant 8 : i32
    %eq3A_38 = vector.broadcast %eq3A : i32 to vector<400x16xi32>
    %eq3A_39 = arith.cmpi eq, %iota3A, %eq3A_38 : vector<400x16xi32>
    %broadcast_in_dim3A_40 = vector.shape_cast %max3A_14 : vector<400xf32> to vector<400x1xf32>
    %broadcast_in_dim3A_41 = vector.shape_cast %broadcast_in_dim3A_40 : vector<400x1xf32> to vector<400x1xf32>
    %broadcast_in_dim3A_42 = vector.broadcast %broadcast_in_dim3A_41 : vector<400x1xf32> to vector<400x16xf32>
    %select_n3A = arith.select %eq3A_39, %broadcast_in_dim3A_42, %add3A_37 : vector<400x16xi1>, vector<400x16xf32>
    %swap3A_43 = arith.constant 0 : index
    %swap3A_44 = arith.constant 0 : index
    %swap3A_45 = vector.load %arg8[%swap3A_43, %swap3A_44] : memref<400x16xf32, #tpu.memory_space<vmem>>, vector<400x16xf32>
    tpu.vector_store %arg8[%swap3A_43, %swap3A_44], %select_n3A {strides = array<i32>} : memref<400x16xf32, #tpu.memory_space<vmem>>, vector<400x16xf32>,
    return
  }
  func.func @transform_0(%arg0: i32) -> (i32, i32, i32) {
    %c0_i32 = arith.constant 0 : i32
    %c0_i32_0 = arith.constant 0 : i32
    %c0_i32_1 = arith.constant 0 : i32
    return %c0_i32, %arg0, %c0_i32_0 : i32, i32, i32
  }
  func.func @transform_1(%arg0: i32) -> (i32, i32) {
    %c0_i32 = arith.constant 0 : i32
    %c0_i32_0 = arith.constant 0 : i32
    return %arg0, %c0_i32 : i32, i32
  }
  func.func @transform_2(%arg0: i32) -> (i32, i32) {
    %c0_i32 = arith.constant 0 : i32
    %c0_i32_0 = arith.constant 0 : i32
    return %arg0, %c0_i32 : i32, i32
  }
  func.func @transform_3(%arg0: i32) -> (i32, i32) {
    %c0_i32 = arith.constant 0 : i32
    %c0_i32_0 = arith.constant 0 : i32
    %c0_i32_1 = arith.constant 0 : i32
    return %c0_i32, %c0_i32_0 : i32, i32
  }
  func.func @transform_4(%arg0: i32) -> (i32, i32) {
    %c0_i32 = arith.constant 0 : i32
    %c0_i32_0 = arith.constant 0 : i32
    %c0_i32_1 = arith.constant 0 : i32
    return %c0_i32, %c0_i32_0 : i32, i32
  }
  func.func @transform_5(%arg0: i32) -> (i32, i32) {
    %c0_i32 = arith.constant 0 : i32
    %c0_i32_0 = arith.constant 0 : i32
    %c0_i32_1 = arith.constant 0 : i32
    return %c0_i32, %c0_i32_0 : i32, i32
  }
  func.func @transform_6(%arg0: i32) -> (i32, i32) {
    %c0_i32 = arith.constant 0 : i32
    %c0_i32_0 = arith.constant 0 : i32
    return %arg0, %c0_i32 : i32, i32
  }
  func.func @transform_7(%arg0: i32) -> (i32, i32) {
    %c0_i32 = arith.constant 0 : i32
    %c0_i32_0 = arith.constant 0 : i32
    return %arg0, %c0_i32 : i32, i32
  }
}

module attributes {stable_mosaic.version = 14 : i64} {
  func.func @_tc_fin_body(%arg0: i32, %arg1: memref<2x400x16xf32, #tpu.memory_space<vmem>>, %arg2: memref<400x16xf32, #tpu.memory_space<vmem>>, %arg3: memref<400x4xf32, #tpu.memory_space<vmem>>) attributes {dimension_semantics = [#tpu.dimension_semantics<arbitrary>], iteration_bounds = array<i64: 25>, scalar_prefetch = 0 : i64, scratch_operands = 0 : i64, tpu.core_type = #tpu.core_type<tc>, window_params = [{transform_indices = @transform_0, window_bounds = array<i64: 2, 400, 16>}, {transform_indices = @transform_1, window_bounds = array<i64: 400, 16>}, {transform_indices = @transform_2, window_bounds = array<i64: 400, 4>}]} {
    %get3A = arith.constant 0 : index
    %get3A_0 = arith.constant 0 : index
    %get3A_1 = arith.constant 0 : index
    %get3A_2 = vector.load %arg1[%get3A, %get3A_0, %get3A_1] : memref<2x400x16xf32, #tpu.memory_space<vmem>>, vector<1x400x16xf32>
    %get3A_3 = vector.shape_cast %get3A_2 : vector<1x400x16xf32> to vector<400x16xf32>
    %get3A_4 = arith.constant 1 : index
    %get3A_5 = arith.constant 0 : index
    %get3A_6 = arith.constant 0 : index
    %get3A_7 = vector.load %arg1[%get3A_4, %get3A_5, %get3A_6] : memref<2x400x16xf32, #tpu.memory_space<vmem>>, vector<1x400x16xf32>
    %get3A_8 = vector.shape_cast %get3A_7 : vector<1x400x16xf32> to vector<400x16xf32>
    %add3A = arith.addf %get3A_3, %get3A_8 : vector<400x16xf32>
    %slice3A = vector.extract_strided_slice %add3A {offsets = [0, 0], sizes = [400, 4], strides = [1, 1]} : vector<400x16xf32> to vector<400x4xf32>
    %get3A_9 = arith.constant 0 : index
    %get3A_10 = arith.constant 8 : index
    %get3A_11 = vector.load %arg2[%get3A_9, %get3A_10] : memref<400x16xf32, #tpu.memory_space<vmem>>, vector<400x1xf32>
    %div3A = vector.broadcast %get3A_11 : vector<400x1xf32> to vector<400x4xf32>
    %div3A_12 = arith.divf %slice3A, %div3A : vector<400x4xf32>
    %get3A_13 = arith.constant 0 : index
    %get3A_14 = arith.constant 0 : index
    %get3A_15 = vector.load %arg2[%get3A_13, %get3A_14] : memref<400x16xf32, #tpu.memory_space<vmem>>, vector<400x4xf32>
    %add3A_16 = arith.addf %div3A_12, %get3A_15 : vector<400x4xf32>
    %swap3A = arith.constant 0 : index
    %swap3A_17 = arith.constant 0 : index
    %swap3A_18 = vector.load %arg3[%swap3A, %swap3A_17] : memref<400x4xf32, #tpu.memory_space<vmem>>, vector<400x4xf32>
    tpu.vector_store %arg3[%swap3A, %swap3A_17], %add3A_16 {strides = array<i32>} : memref<400x4xf32, #tpu.memory_space<vmem>>, vector<400x4xf32>,
    return
  }
  func.func @transform_0(%arg0: i32) -> (i32, i32, i32) {
    %c0_i32 = arith.constant 0 : i32
    %c0_i32_0 = arith.constant 0 : i32
    %c0_i32_1 = arith.constant 0 : i32
    return %c0_i32, %arg0, %c0_i32_0 : i32, i32, i32
  }
  func.func @transform_1(%arg0: i32) -> (i32, i32) {
    %c0_i32 = arith.constant 0 : i32
    %c0_i32_0 = arith.constant 0 : i32
    return %arg0, %c0_i32 : i32, i32
  }
  func.func @transform_2(%arg0: i32) -> (i32, i32) {
    %c0_i32 = arith.constant 0 : i32
    %c0_i32_0 = arith.constant 0 : i32
    return %arg0, %c0_i32 : i32, i32
  }
}

</mosaic_0001>

<sc_bundles>
// kernel: kernel.10.cloned.1.call-start
scs
__scs_entry_jumppad:
0x0: {  	(pc) =	sbr.rel $0x88, $3  }
0x1: {  	(tag) =	ssettag $0x0;
	lr =	simm.s32 $0x1  }
0x2: {  	[smem:$0x3F97] =	sst lr;
	_ =	strace $0xD0000000  }
0x3: {  	_ = 	snop  }
0x4: {  	_ = 	snop  }
0x5: {  	_ = 	snop  }
0x6: {  	_ = 	snop  }
0x7: {  	_ = 	snop  }
__scs_overlays_trampoline_lowered:
0x8: {  	[smem:$0x3FA6] =	sst s0  }
0x9: {  	[smem:$0x3FA7] =	sst s1  }
0xa: {  	[smem:$0x3FA8] =	sst s2  }
0xb: {  	[smem:$0x3FA9] =	sst s3  }
0xc: {  	[smem:$0x3FAA] =	sst s4  }
0xd: {  	[smem:$0x3FAB] =	sst s5  }
0xe: {  	[smem:$0x3FAC] =	sst s6  }
0xf: {  	[smem:$0x3FAD] =	sst s7  }
0x10: {  	[smem:$0x3FAE] =	sst s8  }
0x11: {  	[smem:$0x3FAF] =	sst s9;
	s0 =	simm.s32 @!p0 $0x0  }
0x12: {  	s1 =	sld [smem:$0x3F95];
	s0 =	simm.s32 @p0 $0x1  }
0x13: {  	[smem:$0x3FB0] =	sst s0;
	s0 =	simm.s32 @!p1 $0x0  }
0x14: {  	s2 =	sld [smem:$0x3F94];
	s0 =	simm.s32 @p1 $0x1  }
0x15: {  	[smem:$0x3FB1] =	sst s0;
	s0 =	simm.s32 @!p2 $0x0  }
0x16: {  	s3 =	sld [smem:$0x3FDB];
	s0 =	simm.s32 @p2 $0x1  }
0x17: {  	s4 =	simm.s32 $0x1BF5;
	[smem:$0x3FB3] =	sst s0  }
0x18: {  	s0 =	sld [smem:$0x3F96];
	_ =	swait.ge [sflag:s4], $0x0  }
0x19: {  	s7 =	sld [smem:$0x3F97]  }
0x1a: {  	s8 =	sadd.s32 $0xFFFFE003, lr  }
0x1b: {  	s9 =	sadd.s32 $0xFFFFFEF7, lr;
	s5 =	simm.s32 $0xFFFFFFFF;
	p2 =	slt.u32 s8, $0xFFFFF086  }
0x1c: {  	p1 =	slt.u32 s9, $0xF7A;
	s5 =	simm.s32 @!p2 $0x0  }
0x1d: {  	s5 =	simm.s32 @p1 $0x1;
	p0 =	seq.s32 s7, s2  }
0x1e: {  	s7 =	smul.u32 @!p0 $0xF7A, s2;
	p2 =	seq.s32 @!p0 s5, $0x0  }
0x1f: {  	s9 =	smul.u32 $0xF7A, s1;
	s8 =	simm.s32 @!p0 $0x1BF5;
	p2 =	por !p2, p0  }
0x20: {  	[sflag:s8] =	ssyncset.s32 @!p0 $0xFFFFF086;
	s6 =	sadd.s32 @!p0 s3, s7;
	s7 =	simm.s32 @!p0 $0x108  }
0x21: {  	s3 =	sadd.s32 s3, s9;
	s6 =	sadd.s32 @!p0 $0x88, s6;
	s7 =	simm.s32 @p2 $0x1082  }
0x22: {  	[simem:s7], [sflag:s8] =	dma.local @!p0 [hbm:s6], $0xF7A  }
0x23: {  	s9 =	sor.u32 $0xD0000000, s2;
	s6 =	simm.s32 $0x108;
	_ =	swait.ge @!p0 [sflag:s8], $0x0  }
0x24: {  	s3 =	sadd.s32 $0x88, s3;
	s6 =	simm.s32 @!p1 $0x1082;
	[sflag:s4] =	ssyncset.s32 $0xFFFFF086  }
0x25: {  	[simem:s6], [sflag:s4] =	dma.local [hbm:s3], $0xF7A  }
0x26: {  	[smem:$0x3F97] =	sst s1;
	(tag) =	ssettag s2;
	_ =	strace s9  }
0x27: {  	s1 =	sld [smem:$0x3FA7]  }
0x28: {  	s2 =	sld [smem:$0x3FA8]  }
0x29: {  	s4 =	sld [smem:$0x3FAA]  }
0x2a: {  	p0 =	seq.s32 s5, $0x0;
	s5 =	sld [smem:$0x3FAB]  }
0x2b: {  	s6 =	sld [smem:$0x3FAC]  }
0x2c: {  	s7 =	sld [smem:$0x3FAD]  }
0x2d: {  	s3 =	simm.s32 $0x108;
	s8 =	sld [smem:$0x3FAE]  }
0x2e: {  	s3 =	simm.s32 @!p0 $0x1082;
	s9 =	sld [smem:$0x3FAF]  }
0x2f: {  	lr =	sadd.s32 s0, s3;
	s0 =	sld [smem:$0x3FA6]  }
0x30: {  	s3 =	sld [smem:$0x3FA9]  }
0x31: {  	[smem:$0x3FB2] =	sst s10  }
0x32: {  	s10 =	sld [smem:$0x3FB0];
	_ =	sdelay $0x3  }
0x33: {  	p0 =	seq.s32 s10, $0x1;
	s10 =	sld [smem:$0x3FB2];
	_ =	sdelay $0x3  }
0x34: {  	[smem:$0x3FB2] =	sst s10  }
0x35: {  	s10 =	sld [smem:$0x3FB1];
	_ =	sdelay $0x3  }
0x36: {  	p1 =	seq.s32 s10, $0x1;
	s10 =	sld [smem:$0x3FB2];
	_ =	sdelay $0x3  }
0x37: {  	[smem:$0x3FB2] =	sst s10  }
0x38: {  	s10 =	sld [smem:$0x3FB3]  }
0x39: {  	_ = 	snop;
	(pc) =	sbr.ind lr, $3  }
0x3a: {  	_ = 	snop  }
0x3b: {  	_ = 	snop  }
0x3c: {  	p2 =	seq.s32 s10, $0x1;
	s10 =	sld [smem:$0x3FB2]  }
0x3d: {  	_ =	shalt  }
0x3e: {  	_ =	shalt  }
0x3f: {  	_ =	shalt  }
0x40: {  	_ =	shalt  }
0x41: {  	_ =	shalt  }
0x42: {  	_ =	shalt  }
0x43: {  	_ =	shalt  }
0x44: {  	_ =	shalt  }
0x45: {  	_ =	shalt  }
0x46: {  	_ =	shalt  }
0x47: {  	_ =	shalt  }
0x48: {  	_ =	shalt  }
0x49: {  	_ =	shalt  }
0x4a: {  	_ =	shalt  }
0x4b: {  	_ =	shalt  }
0x4c: {  	_ =	shalt  }
0x4d: {  	_ =	shalt  }
0x4e: {  	_ =	shalt  }
0x4f: {  	_ =	shalt  }
0x50: {  	_ =	shalt  }
0x51: {  	_ =	shalt  }
0x52: {  	_ =	shalt  }
0x53: {  	_ =	shalt  }
0x54: {  	_ =	shalt  }
0x55: {  	_ =	shalt  }
0x56: {  	_ =	shalt  }
0x57: {  	_ =	shalt  }
0x58: {  	_ =	shalt  }
0x59: {  	_ =	shalt  }
0x5a: {  	_ =	shalt  }
0x5b: {  	_ =	shalt  }
0x5c: {  	_ =	shalt  }
0x5d: {  	_ =	shalt  }
0x5e: {  	_ =	shalt  }
0x5f: {  	_ =	shalt  }
0x60: {  	_ =	shalt  }
0x61: {  	_ =	shalt  }
0x62: {  	_ =	shalt  }
0x63: {  	_ =	shalt  }
0x64: {  	_ =	shalt  }
0x65: {  	_ =	shalt  }
0x66: {  	_ =	shalt  }
0x67: {  	_ =	shalt  }
0x68: {  	_ =	shalt  }
0x69: {  	_ =	shalt  }
0x6a: {  	_ =	shalt  }
0x6b: {  	_ =	shalt  }
0x6c: {  	_ =	shalt  }
0x6d: {  	_ =	shalt  }
0x6e: {  	_ =	shalt  }
0x6f: {  	_ =	shalt  }
0x70: {  	_ =	shalt  }
0x71: {  	_ =	shalt  }
0x72: {  	_ =	shalt  }
0x73: {  	_ =	shalt  }
0x74: {  	_ =	shalt  }
0x75: {  	_ =	shalt  }
0x76: {  	_ =	shalt  }
0x77: {  	_ =	shalt  }
0x78: {  	_ =	shalt  }
0x79: {  	_ =	shalt  }
0x7a: {  	_ =	shalt  }
0x7b: {  	_ =	shalt  }
0x7c: {  	_ =	shalt  }
0x7d: {  	_ =	shalt  }
0x7e: {  	_ =	shalt  }
0x7f: {  	_ =	shalt  }
0x80: {  	_ =	shalt  }
0x81: {  	_ =	shalt  }
0x82: {  	_ =	shalt  }
0x83: {  	_ =	shalt  }
0x84: {  	_ =	shalt  }
0x85: {  	_ =	shalt  }
0x86: {  	_ =	shalt  }
0x87: {  	_ =	shalt  }
.Lfunc_end0:
.L_simem_size_0:
called_computation.1_lowered:
.L_overlay_start_0:
0x88: {  	s2 =	sld [smem:$0x3FD9]  }
0x89: {  	s3 =	sld [smem:$0x3FFE];
	_ =	sdelay $0x1  }
0x8a: {  	s1 =	srdreg.scid  }
0x8b: {  	s0 =	sand.u32 $0x1, s1  }
0x8c: {  	s16 =	sshll.u32 s0, $0xA;
	s2 =	sadd.s32 s3, s2  }
0x8d: {  	s2 =	sadd.s32 s2, s16  }
0x8e: {  	[smem:$0x3FBE] =	sst s2  }
0x8f: {  	_ = 	snop  }
0x90: {  	(tm) =	ssettm $0x1  }
0x91: {  	s17 =	sld [smem:$0x3FFB];
	_ =	sdelay $0x3  }
0x92: {  	_ =	strace s17  }
0x93: {  	s2 =	sld [smem:$0x3FFC];
	_ =	sdelay $0x3  }
0x94: {  	_ =	strace s2  }
0x95: {  	s2 =	sld [smem:$0x3FFD];
	_ =	sdelay $0x3  }
0x96: {  	_ =	strace s2  }
0x97: {  	_ =	strace $0x8FFFFFFF  }
0x98: {  	s18 =	sld [smem:$0x3FDB];
	_ =	sdelay $0x1  }
0x99: {  	s19 =	simm.s32 $_scs_section_size  }
0x9a: {  	s4 =	simm.s32 $_size__tile_overlayer_lowered;
	s5 =	simm.s32 $_tile_overlayer_lowered  }
0x9b: {  	s22 =	simm.s32 $0x1BFF;
	s21 =	sshll.u32 s5, $0x1;
	s2 =	sadd.s32 s19, s18  }
0x9c: {  	s6 =	simm.s32 $0x0;
	s20 =	sshll.u32 s4, $0x1;
	s4 =	sadd.s32 s21, s2  }
0x9d: {  	[timem:s6], [sflag:s22] =	dma.local [hbm:s4], s20  }
0x9e: {  	_ =	swait.ge [sflag:s22], s20  }
0x9f: {  	s3 =	ssub.s32 $0x0, s20;
	[sflag:s22] =	ssyncset.done $0x0  }
0xa0: {  	[sflag:s22] =	ssyncadd.s32 s3;
	_ =	sdelay $0x1  }
0xa1: {  	s23 =	simm.s32 $0x1B8B  }
0xa2: {  	_ =	swait.ge [sflag:s23], $0x1  }
0xa3: {  	[sflag:s23] =	ssyncset.done $0x0  }
0xa4: {  	s25 =	simm.s32 $0x1B8E;
	s24 =	sld [smem:$0x3FFE];
	[sflag:s23] =	ssyncadd.s32 $0xFFFFFFFF  }
0xa5: {  	s26 =	simm.s32 $execute0_lowered;
	[smem:$0x3FD2] =	sst s25  }
0xa6: {  	s4 =	sshll.u32 s26, $0x1;
	_ =	strace $0x80000049;
	[dreg:$0x1] =	wrdreg $0xFFFFFFFF  }
0xa7: {  	s28 =	simm.s32 $_size_execute0_lowered;
	s2 =	sadd.s32 s2, s4;
	[dreg:$0x0] =	wrdreg $0x0  }
0xa8: {  	s4 =	sshll.u32 s28, $0x1;
	[dreg:$0x2] =	wrdreg s2  }
0xa9: {  	[dreg:$0x3] =	wrdreg s4  }
0xaa: {  	[dreg:$0x4] =	wrdreg $0xC0  }
0xab: {  	_ =	task [dreg:s6], $0x5FFFF  }
0xac: {  	[dreg:$0x1] =	wrdreg $0xFFFFFFFF  }
0xad: {  	[dreg:$0x0] =	wrdreg $0x60  }
0xae: {  	[dreg:$0x2] =	wrdreg s24  }
0xaf: {  	[dreg:$0x3] =	wrdreg $0x52800  }
0xb0: {  	[dreg:$0x4] =	wrdreg $0x9  }
0xb1: {  	_ =	task.clear_ibuf [dreg:s6], $0x5FFFF;
	_ =	strace $0x90000049  }
0xb2: {  	s29 =	simm.s32 $0x9;
	_ =	strace $0x8000004B  }
0xb3: {  	_ =	swait.ge [sflag:s29], $0x1  }
0xb4: {  	[sflag:s29] =	ssyncadd.s32 $0xFFFFFFFF  }
0xb5: {  	_ =	strace $0x9000004B  }
0xb6: {  	_ =	sfence  }
0xb7: {  	s30 =	sld [smem:$0x0];
	_ =	sdelay $0x2  }
0xb8: {  	s31 =	sshll.u32 s1, $0xD;
	s1 =	sshrl.u32 s1, $0x2  }
0xb9: {  	s3 =	sand.u32 $0x4000, s31;
	s1 =	sadd.s32 s1, s30  }
0xba: {  	s0 =	sor.u32 s3, s0;
	s1 =	sshll.u32 s1, $0x11  }
0xbb: {  	s0 =	sor.u32 s1, s0  }
0xbc: {  	s0 =	sadd.s32 $0x8F2B, s0  }
0xbd: {  	[sflag:s0] =	ssyncadd.remote.s32 $0x1  }
0xbe: {  	_ =	sfence.sel $0xFFFF  }
0xbf: {  	[dreg:$0x0] =	wrdreg $0xFFFFFFFF;
	(pc) =	sbr.abs _section_cstart, $3  }
0xc0: {  	[dreg:$0x1] =	wrdreg $0xFFFFFFFF  }
0xc1: {  	_ =	task.clear_ibuf [dreg:s6], $0x2FFFF;
	_ =	strace $0x9FFFFFFF  }
0xc2: {  	(tm) =	ssettm $0x7FFFFFFF  }
0xc3: {  	_ =	shalt  }
tec
execute0_lowered:
.L_overlay_start_1:
0x0: {  	(tag) =	ssettag $0x1  }
0x1: {  	s0 =	srdreg.scid;
	s5 =	rddreg [dreg:$0x0]  }
0x2: {  	s11 =	stileid.u32;
	s2 =	rddreg [dreg:$0x1];
	s3 =	simm.s32 $0x0  }
0x3: {  	s15 =	simm.s32 $0xC;
	s16 =	simm.s32 $0x2A80;
	s17 =	simm.s32 $0x80  }
0x4: {  	s18 =	simm.s32 $0x2800;
	s28 =	simm.s32 $0x2A00;
	s4 =	smul.u32 $0x50, s11  }
0x5: {  	s29 =	simm.s32 $0x6;
	s30 =	simm.s32 $0x1;
	s8 =	smul.u32 $0xA000, s11  }
0x6: {  	s31 =	simm.s32 $0x7;
	s0 =	sand.u32 $0x1, s0;
	s10 =	smul.u32 $0x500, s11  }
0x7: {  	s13 =	simm.s32 $0x0;
	[smem:$0x7FF] =	sst s3;
	s1 =	smul.u32 $0x500, s0  }
0x8: {  	p0 =	seq.s32 s11, $0xF;
	s11 =	simm.s32 $0xB;
	s6 =	smul.u32 $0x5000, s0  }
0x9: {  	_ =	strace $0x8000004A;
	s7 =	ssub.s32 $0x2, s0;
	s19 =	smul.u32 $0x27100, s0  }
0xa: {  	s0 =	smul.u32 $0x4E20, s0;
	s9 =	sshrl.u32 s7, $0x1;
	s8 =	sshrl.u32 s8, $0x2  }
0xb: {  	s1 =	sadd.s32 s4, s1;
	s4 =	sadd.s32 $0x1600, s5;
	s6 =	sadd.s32 s6, s5  }
0xc: {  	s7 =	ssub.s32 s7, s9;
	s14 =	sadd.s32 s8, s2;
	s22 =	sshrl.u32 s19, $0x3  }
0xd: {  	s0 =	sadd.s32 s10, s0;
	s19 =	simm.s32 $0x3280;
	s9 =	simm.s32 $0xA  }
0xe: {  	s1 =	sshll.u32 s1, $0x4;
	s20 =	sadd.s32 $0x800, s14;
	[dreg:$0x4] =	wrdreg s14  }
0xf: {  	s21 =	sadd.s32 $0x1000, s14;
	s8 =	sadd.s32 $0x1800, s14;
	[dreg:$0x5] =	wrdreg s20  }
0x10: {  	s23 =	sadd.s32 $0x2000, s14;
	s25 =	smax.u32 s7, $0x1;
	[dreg:$0x6] =	wrdreg s21  }
0x11: {  	s26 =	sadd.s32 s10, s6;
	s7 =	simm.s32 $0x9;
	[dreg:$0x7] =	wrdreg s8  }
0x12: {  	s10 =	simm.s32 $0x5;
	s1 =	sadd.s32 s1, s5;
	[dreg:$0x8] =	wrdreg s23  }
0x13: {  	s5 =	sadd.s32 $0x6600, s5;
	[dreg:$0xb] =	wrdreg s25;
	s20 =	simm.s32 $0x2880  }
0x14: {  	s21 =	simm.s32 $0x3A80;
	s23 =	simm.s32 $0x4280;
	s1 =	sadd.s32 $0x32800, s1  }
0x15: {  	s8 =	simm.s32 $0x4;
	s0 =	sadd.s32 s5, s0;
	[dreg:$0x3] =	wrdreg s1  }
0x16: {  	s1 =	sadd.s32 s5, s22;
	[dreg:$0x9] =	wrdreg s0;
	s0 =	sadd.s32 $0x25800, s2  }
0x17: {  	s22 =	simm.s32 $0x2900;
	s5 =	simm.s32 $0x3;
	s24 =	sadd.s32 $0x4B00, s1  }
0x18: {  	s1 =	sadd.s32 $0x28840, s26;
	s0 =	sshrl.u32 @p0 s0, $0x3;
	[dreg:$0xa] =	wrdreg s24  }
0x19: {  	s26 =	simm.s32 $0x4A80;
	[dreg:$0xc] =	wrdreg s1;
	s24 =	simm.s32 $0x2980  }
0x1a: {  	v0 =	vimm.f32 $0.0e+00;
	[dreg:$0xd] =	wrdreg s0;
	s1 =	simm.s32 $0x2;
	s0 =	simm.s32 $0x8  }
.LBB2_1:
0x1b: {  	[dreg:$0xe] =	wrdreg s13  }
0x1c: {  	s6 =	rddreg [dreg:$0x3]  }
0x1d: {  	[tilespmem:s3], [sflag:$0xC] =	stream.linear.gather [hbm4b:s6+s3], $0x2800, $0x38;
	[tilespmem:$0x7A80] =	vst v63  }
0x1e: {  	_ =	swait.ge [sflag:s15], $0x2800  }
0x1f: {  	[sflag:s15] =	ssyncset.done $0x0  }
0x20: {  	s13 =	simm.s32 $0x0;
	s6 =	simm.s32 $0x40;
	[sflag:s15] =	ssyncadd.s32 $0xFFFFD800  }
.LBB2_2:
0x21: {  	p1 =	sne.s32 s6, $0x1FC0;
	[tilespmem:s13+$0x2A80] =	vst v0;
	s13 =	smov.u32 s6;
	s6 =	sadd.s32 $0x40, s6  }
.Ltmp0:
0x22: {  	(pc) =	sbr.rel @p1 .LBB2_2-.Ltmp0, $2  }
0x23: {  	_ =	sdelay $0x2  }
0x24: {  	s13 =	sshra.s32 s13, $0x2  }
0x25: {  	[tilespmem:s13+$0x2A80] =	vst v0  }
0x26: {  	[spmem:s14] =	stream.linear.scatter [tilespmem:s16], [sflag:$0xC], $0x800, $0x38;
	[tilespmem:$0x7A80] =	vst v63  }
0x27: {  	_ =	swait.ge [sflag:s15], $0x800  }
0x28: {  	[sflag:s15] =	ssyncset.done $0x0  }
0x29: {  	s6 =	rddreg [dreg:$0x5];
	[sflag:s15] =	ssyncadd.s32 $0xFFFFF800  }
0x2a: {  	[spmem:s6] =	stream.linear.scatter [tilespmem:s16], [sflag:$0xC], $0x800, $0x38;
	[tilespmem:$0x7A80] =	vst v63  }
0x2b: {  	_ =	swait.ge [sflag:s15], $0x800  }
0x2c: {  	[sflag:s15] =	ssyncset.done $0x0  }
0x2d: {  	s14 =	rddreg [dreg:$0x6];
	[sflag:s15] =	ssyncadd.s32 $0xFFFFF800  }
0x2e: {  	[spmem:s14] =	stream.linear.scatter [tilespmem:s16], [sflag:$0xC], $0x800, $0x38;
	[tilespmem:$0x7A80] =	vst v63  }
0x2f: {  	_ =	swait.ge [sflag:s15], $0x800  }
0x30: {  	[sflag:s15] =	ssyncset.done $0x0  }
0x31: {  	s25 =	rddreg [dreg:$0x7];
	[sflag:s15] =	ssyncadd.s32 $0xFFFFF800  }
0x32: {  	[spmem:s25] =	stream.linear.scatter [tilespmem:s16], [sflag:$0xC], $0x800, $0x38;
	[tilespmem:$0x7A80] =	vst v63  }
0x33: {  	_ =	swait.ge [sflag:s15], $0x800  }
0x34: {  	[sflag:s15] =	ssyncset.done $0x0  }
0x35: {  	s12 =	rddreg [dreg:$0x8];
	[sflag:s15] =	ssyncadd.s32 $0xFFFFF800  }
0x36: {  	[spmem:s12] =	stream.linear.scatter [tilespmem:s16], [sflag:$0xC], $0x800, $0x38;
	[tilespmem:$0x7A80] =	vst v63  }
0x37: {  	_ =	swait.ge [sflag:s15], $0x800  }
0x38: {  	[sflag:s15] =	ssyncset.done $0x0  }
0x39: {  	[sflag:s15] =	ssyncadd.s32 $0xFFFFF800  }
0x3a: {  	s13 =	simm.s32 $0x0;
	[bflag:$0x0] =	sbarrier.arrive $0xFFFF  }
0x3b: {  	[tilespmem:s16], [sflag:$0x1] =	stream.indirect.gather [hbm4b:s4+s17], $0x10, s13, s17, $0xb8;
	[tilespmem:$0x7A80] =	vst v63  }
0x3c: {  	s12 =	rddreg [dreg:$0xc]  }
0x3d: {  	s14 =	sadd.s32 $0xFFFFFFC0, s12  }
0x3e: {  	[tilespmem:s18], [sflag:$0x6] =	stream.linear.gather [hbm4b:s14+s3], $0x80, $0x38;
	[tilespmem:$0x7A80] =	vst v63  }
0x3f: {  	s25 =	simm.s32 $0x80  }
0x40: {  	[tilespmem:s19], [sflag:$0x2] =	stream.indirect.gather [hbm4b:s4+s17], $0x10, s25, s17, $0xb8;
	[tilespmem:$0x7A80] =	vst v63  }
0x41: {  	s13 =	sadd.s32 $0xFFFFFFD0, s12  }
0x42: {  	[tilespmem:s20], [sflag:$0x7] =	stream.linear.gather [hbm4b:s13+s3], $0x80, $0x38;
	[tilespmem:$0x7A80] =	vst v63  }
0x43: {  	s14 =	simm.s32 $0x100  }
0x44: {  	[tilespmem:s21], [sflag:$0x3] =	stream.indirect.gather [hbm4b:s4+s17], $0x10, s14, s17, $0xb8;
	[tilespmem:$0x7A80] =	vst v63  }
0x45: {  	s25 =	sadd.s32 $0xFFFFFFE0, s12  }
0x46: {  	[tilespmem:s22], [sflag:$0x8] =	stream.linear.gather [hbm4b:s25+s3], $0x80, $0x38;
	[tilespmem:$0x7A80] =	vst v63  }
0x47: {  	s13 =	simm.s32 $0x180  }
0x48: {  	[tilespmem:s23], [sflag:$0x4] =	stream.indirect.gather [hbm4b:s4+s17], $0x10, s13, s17, $0xb8;
	[tilespmem:$0x7A80] =	vst v63  }
0x49: {  	s14 =	sadd.s32 $0xFFFFFFF0, s12  }
0x4a: {  	[tilespmem:s24], [sflag:$0x9] =	stream.linear.gather [hbm4b:s14+s3], $0x80, $0x38;
	[tilespmem:$0x7A80] =	vst v63  }
0x4b: {  	s25 =	simm.s32 $0x200  }
0x4c: {  	[tilespmem:s26], [sflag:$0x5] =	stream.indirect.gather [hbm4b:s4+s17], $0x10, s25, s17, $0xb8;
	[tilespmem:$0x7A80] =	vst v63  }
0x4d: {  	_ = 	snop  }
0x4e: {  	[tilespmem:s28], [sflag:$0xA] =	stream.linear.gather [hbm4b:s12+s3], $0x80, $0x38;
	[tilespmem:$0x7A80] =	vst v63  }
0x4f: {  	_ =	swait.ge [sflag:s29], $0x80  }
0x50: {  	[sflag:s29] =	ssyncset.done $0x0  }
0x51: {  	[sflag:s29] =	ssyncadd.s32 $0xFFFFFF80  }
0x52: {  	_ =	swait.ge [sflag:s30], $0x800  }
0x53: {  	[sflag:s30] =	ssyncset.done $0x0  }
0x54: {  	[sflag:s30] =	ssyncadd.s32 $0xFFFFF800  }
0x55: {  	[spmem:s2] =	stream.indirect.scatter.add.f32 [tilespmem:s16], [sflag:$0xB], $0x10, s18, s17, $0xb8;
	[tilespmem:$0x7A80] =	vst v63  }
0x56: {  	_ =	swait.ge [sflag:s31], $0x80  }
0x57: {  	[sflag:s31] =	ssyncset.done $0x0  }
0x58: {  	[sflag:s31] =	ssyncadd.s32 $0xFFFFFF80  }
0x59: {  	_ =	swait.ge [sflag:s1], $0x800  }
0x5a: {  	[sflag:s1] =	ssyncset.done $0x0  }
0x5b: {  	[sflag:s1] =	ssyncadd.s32 $0xFFFFF800  }
0x5c: {  	[spmem:s2] =	stream.indirect.scatter.add.f32 [tilespmem:s19], [sflag:$0xB], $0x10, s20, s17, $0xb8;
	[tilespmem:$0x7A80] =	vst v63  }
0x5d: {  	_ =	swait.ge [sflag:s0], $0x80  }
0x5e: {  	[sflag:s0] =	ssyncset.done $0x0  }
0x5f: {  	[sflag:s0] =	ssyncadd.s32 $0xFFFFFF80  }
0x60: {  	_ =	swait.ge [sflag:s5], $0x800  }
0x61: {  	[sflag:s5] =	ssyncset.done $0x0  }
0x62: {  	[sflag:s5] =	ssyncadd.s32 $0xFFFFF800  }
0x63: {  	[spmem:s2] =	stream.indirect.scatter.add.f32 [tilespmem:s21], [sflag:$0xB], $0x10, s22, s17, $0xb8;
	[tilespmem:$0x7A80] =	vst v63  }
0x64: {  	_ =	swait.ge [sflag:s7], $0x80  }
0x65: {  	[sflag:s7] =	ssyncset.done $0x0  }
0x66: {  	[sflag:s7] =	ssyncadd.s32 $0xFFFFFF80  }
0x67: {  	_ =	swait.ge [sflag:s8], $0x800  }
0x68: {  	[sflag:s8] =	ssyncset.done $0x0  }
0x69: {  	[sflag:s8] =	ssyncadd.s32 $0xFFFFF800  }
0x6a: {  	[spmem:s2] =	stream.indirect.scatter.add.f32 [tilespmem:s23], [sflag:$0xB], $0x10, s24, s17, $0xb8;
	[tilespmem:$0x7A80] =	vst v63  }
0x6b: {  	_ =	swait.ge [sflag:s9], $0x80  }
0x6c: {  	[sflag:s9] =	ssyncset.done $0x0  }
0x6d: {  	[sflag:s9] =	ssyncadd.s32 $0xFFFFFF80  }
0x6e: {  	_ =	swait.ge [sflag:s10], $0x800  }
0x6f: {  	[sflag:s10] =	ssyncset.done $0x0  }
0x70: {  	[sflag:s10] =	ssyncadd.s32 $0xFFFFF800  }
0x71: {  	[spmem:s2] =	stream.indirect.scatter.add.f32 [tilespmem:s26], [sflag:$0xB], $0x10, s28, s17, $0xb8;
	[tilespmem:$0x7A80] =	vst v63  }
0x72: {  	_ =	swait.ge [sflag:s11], $0x800  }
0x73: {  	[sflag:s11] =	ssyncset.done $0x0  }
0x74: {  	[sflag:s11] =	ssyncadd.s32 $0xFFFFF800  }
0x75: {  	_ =	swait.ge [sflag:s11], $0x800  }
0x76: {  	[sflag:s11] =	ssyncset.done $0x0  }
0x77: {  	[sflag:s11] =	ssyncadd.s32 $0xFFFFF800  }
0x78: {  	_ =	swait.ge [sflag:s11], $0x800  }
0x79: {  	[sflag:s11] =	ssyncset.done $0x0  }
0x7a: {  	[sflag:s11] =	ssyncadd.s32 $0xFFFFF800  }
0x7b: {  	_ =	swait.ge [sflag:s11], $0x800  }
0x7c: {  	[sflag:s11] =	ssyncset.done $0x0  }
0x7d: {  	[sflag:s11] =	ssyncadd.s32 $0xFFFFF800  }
0x7e: {  	s6 =	simm.s32 $0x1400;
	_ =	swait.ge [sflag:s11], $0x800  }
0x7f: {  	s13 =	sadd.s32 $0x50, s12;
	s25 =	simm.s32 $0xA00;
	[sflag:s11] =	ssyncset.done $0x0  }
.LBB2_4:
0x80: {  	s12 =	sshra.s32 s25, $0x2  }
0x81: {  	[sflag:s11] =	ssyncadd.s32 $0xFFFFF800;
	s25 =	smov.u32 s6;
	s14 =	sadd.s32 $0xA00, s6  }
0x82: {  	[tilespmem:s16], [sflag:$0x1] =	stream.indirect.gather [hbm4b:s4+s17], $0x10, s12, s17, $0xb8;
	[tilespmem:$0x7A80] =	vst v63  }
0x83: {  	p1 =	sne.s32 s6, $0x9600;
	s6 =	sadd.s32 $0xFFFFFFC0, s13  }
0x84: {  	[tilespmem:s18], [sflag:$0x6] =	stream.linear.gather [hbm4b:s6+s3], $0x80, $0x38;
	[tilespmem:$0x7A80] =	vst v63  }
0x85: {  	s6 =	sadd.s32 $0x80, s12  }
0x86: {  	[tilespmem:s19], [sflag:$0x2] =	stream.indirect.gather [hbm4b:s4+s17], $0x10, s6, s17, $0xb8;
	[tilespmem:$0x7A80] =	vst v63  }
0x87: {  	s6 =	sadd.s32 $0xFFFFFFD0, s13  }
0x88: {  	[tilespmem:s20], [sflag:$0x7] =	stream.linear.gather [hbm4b:s6+s3], $0x80, $0x38;
	[tilespmem:$0x7A80] =	vst v63  }
0x89: {  	s6 =	sadd.s32 $0x100, s12  }
0x8a: {  	[tilespmem:s21], [sflag:$0x3] =	stream.indirect.gather [hbm4b:s4+s17], $0x10, s6, s17, $0xb8;
	[tilespmem:$0x7A80] =	vst v63  }
0x8b: {  	s6 =	sadd.s32 $0xFFFFFFE0, s13  }
0x8c: {  	[tilespmem:s22], [sflag:$0x8] =	stream.linear.gather [hbm4b:s6+s3], $0x80, $0x38;
	[tilespmem:$0x7A80] =	vst v63  }
0x8d: {  	s6 =	sadd.s32 $0x180, s12  }
0x8e: {  	[tilespmem:s23], [sflag:$0x4] =	stream.indirect.gather [hbm4b:s4+s17], $0x10, s6, s17, $0xb8;
	[tilespmem:$0x7A80] =	vst v63  }
0x8f: {  	s6 =	sadd.s32 $0xFFFFFFF0, s13  }
0x90: {  	[tilespmem:s24], [sflag:$0x9] =	stream.linear.gather [hbm4b:s6+s3], $0x80, $0x38;
	[tilespmem:$0x7A80] =	vst v63  }
0x91: {  	s6 =	sadd.s32 $0x200, s12  }
0x92: {  	[tilespmem:s26], [sflag:$0x5] =	stream.indirect.gather [hbm4b:s4+s17], $0x10, s6, s17, $0xb8;
	[tilespmem:$0x7A80] =	vst v63  }
0x93: {  	_ = 	snop  }
0x94: {  	[tilespmem:s28], [sflag:$0xA] =	stream.linear.gather [hbm4b:s13+s3], $0x80, $0x38;
	[tilespmem:$0x7A80] =	vst v63  }
0x95: {  	_ =	swait.ge [sflag:s29], $0x80  }
0x96: {  	[sflag:s29] =	ssyncset.done $0x0  }
0x97: {  	[sflag:s29] =	ssyncadd.s32 $0xFFFFFF80  }
0x98: {  	_ =	swait.ge [sflag:s30], $0x800  }
0x99: {  	[sflag:s30] =	ssyncset.done $0x0  }
0x9a: {  	[sflag:s30] =	ssyncadd.s32 $0xFFFFF800  }
0x9b: {  	[spmem:s2] =	stream.indirect.scatter.add.f32 [tilespmem:s16], [sflag:$0xB], $0x10, s18, s17, $0xb8;
	[tilespmem:$0x7A80] =	vst v63  }
0x9c: {  	_ =	swait.ge [sflag:s31], $0x80  }
0x9d: {  	[sflag:s31] =	ssyncset.done $0x0  }
0x9e: {  	[sflag:s31] =	ssyncadd.s32 $0xFFFFFF80  }
0x9f: {  	_ =	swait.ge [sflag:s1], $0x800  }
0xa0: {  	[sflag:s1] =	ssyncset.done $0x0  }
0xa1: {  	[sflag:s1] =	ssyncadd.s32 $0xFFFFF800  }
0xa2: {  	[spmem:s2] =	stream.indirect.scatter.add.f32 [tilespmem:s19], [sflag:$0xB], $0x10, s20, s17, $0xb8;
	[tilespmem:$0x7A80] =	vst v63  }
0xa3: {  	_ =	swait.ge [sflag:s0], $0x80  }
0xa4: {  	[sflag:s0] =	ssyncset.done $0x0  }
0xa5: {  	[sflag:s0] =	ssyncadd.s32 $0xFFFFFF80  }
0xa6: {  	_ =	swait.ge [sflag:s5], $0x800  }
0xa7: {  	[sflag:s5] =	ssyncset.done $0x0  }
0xa8: {  	[sflag:s5] =	ssyncadd.s32 $0xFFFFF800  }
0xa9: {  	[spmem:s2] =	stream.indirect.scatter.add.f32 [tilespmem:s21], [sflag:$0xB], $0x10, s22, s17, $0xb8;
	[tilespmem:$0x7A80] =	vst v63  }
0xaa: {  	_ =	swait.ge [sflag:s7], $0x80  }
0xab: {  	[sflag:s7] =	ssyncset.done $0x0  }
0xac: {  	[sflag:s7] =	ssyncadd.s32 $0xFFFFFF80  }
0xad: {  	_ =	swait.ge [sflag:s8], $0x800  }
0xae: {  	[sflag:s8] =	ssyncset.done $0x0  }
0xaf: {  	[sflag:s8] =	ssyncadd.s32 $0xFFFFF800  }
0xb0: {  	[spmem:s2] =	stream.indirect.scatter.add.f32 [tilespmem:s23], [sflag:$0xB], $0x10, s24, s17, $0xb8;
	[tilespmem:$0x7A80] =	vst v63  }
0xb1: {  	_ =	swait.ge [sflag:s9], $0x80  }
0xb2: {  	[sflag:s9] =	ssyncset.done $0x0  }
0xb3: {  	[sflag:s9] =	ssyncadd.s32 $0xFFFFFF80  }
0xb4: {  	_ =	swait.ge [sflag:s10], $0x800  }
0xb5: {  	[sflag:s10] =	ssyncset.done $0x0  }
0xb6: {  	[sflag:s10] =	ssyncadd.s32 $0xFFFFF800  }
0xb7: {  	[spmem:s2] =	stream.indirect.scatter.add.f32 [tilespmem:s26], [sflag:$0xB], $0x10, s28, s17, $0xb8;
	[tilespmem:$0x7A80] =	vst v63  }
0xb8: {  	_ =	swait.ge [sflag:s11], $0x800  }
0xb9: {  	[sflag:s11] =	ssyncset.done $0x0  }
0xba: {  	[sflag:s11] =	ssyncadd.s32 $0xFFFFF800  }
0xbb: {  	_ =	swait.ge [sflag:s11], $0x800  }
0xbc: {  	[sflag:s11] =	ssyncset.done $0x0  }
0xbd: {  	[sflag:s11] =	ssyncadd.s32 $0xFFFFF800  }
0xbe: {  	_ =	swait.ge [sflag:s11], $0x800  }
0xbf: {  	[sflag:s11] =	ssyncset.done $0x0  }
0xc0: {  	[sflag:s11] =	ssyncadd.s32 $0xFFFFF800  }
.Ltmp1:
0xc1: {  	_ =	swait.ge [sflag:s11], $0x800;
	(pc) =	sbr.rel @p1 .LBB2_4-.Ltmp1, $4  }
0xc2: {  	[sflag:s11] =	ssyncset.done $0x0  }
0xc3: {  	[sflag:s11] =	ssyncadd.s32 $0xFFFFF800  }
0xc4: {  	_ =	swait.ge [sflag:s11], $0x800  }
0xc5: {  	s6 =	smov.u32 s14;
	s13 =	sadd.s32 $0x50, s13;
	[sflag:s11] =	ssyncset.done $0x0  }
0xc6: {  	s6 =	sshra.s32 s25, $0x2;
	[sflag:s11] =	ssyncadd.s32 $0xFFFFF800  }
0xc7: {  	[tilespmem:s16], [sflag:$0x1] =	stream.indirect.gather [hbm4b:s4+s17], $0x10, s6, s17, $0xb8;
	[tilespmem:$0x7A80] =	vst v63  }
0xc8: {  	s12 =	sadd.s32 $0xFFFFFFC0, s13  }
0xc9: {  	[tilespmem:s18], [sflag:$0x6] =	stream.linear.gather [hbm4b:s12+s3], $0x80, $0x38;
	[tilespmem:$0x7A80] =	vst v63  }
0xca: {  	s14 =	sadd.s32 $0x80, s6  }
0xcb: {  	[tilespmem:s19], [sflag:$0x2] =	stream.indirect.gather [hbm4b:s4+s17], $0x10, s14, s17, $0xb8;
	[tilespmem:$0x7A80] =	vst v63  }
0xcc: {  	s25 =	sadd.s32 $0xFFFFFFD0, s13  }
0xcd: {  	[tilespmem:s20], [sflag:$0x7] =	stream.linear.gather [hbm4b:s25+s3], $0x80, $0x38;
	[tilespmem:$0x7A80] =	vst v63  }
0xce: {  	s14 =	sadd.s32 $0x100, s6  }
0xcf: {  	[tilespmem:s21], [sflag:$0x3] =	stream.indirect.gather [hbm4b:s4+s17], $0x10, s14, s17, $0xb8;
	[tilespmem:$0x7A80] =	vst v63  }
0xd0: {  	s25 =	sadd.s32 $0xFFFFFFE0, s13  }
0xd1: {  	[tilespmem:s22], [sflag:$0x8] =	stream.linear.gather [hbm4b:s25+s3], $0x80, $0x38;
	[tilespmem:$0x7A80] =	vst v63  }
0xd2: {  	s14 =	sadd.s32 $0x180, s6  }
0xd3: {  	[tilespmem:s23], [sflag:$0x4] =	stream.indirect.gather [hbm4b:s4+s17], $0x10, s14, s17, $0xb8;
	[tilespmem:$0x7A80] =	vst v63  }
0xd4: {  	s25 =	sadd.s32 $0xFFFFFFF0, s13  }
0xd5: {  	[tilespmem:s24], [sflag:$0x9] =	stream.linear.gather [hbm4b:s25+s3], $0x80, $0x38;
	[tilespmem:$0x7A80] =	vst v63  }
0xd6: {  	s6 =	sadd.s32 $0x200, s6  }
0xd7: {  	[tilespmem:s26], [sflag:$0x5] =	stream.indirect.gather [hbm4b:s4+s17], $0x10, s6, s17, $0xb8;
	[tilespmem:$0x7A80] =	vst v63  }
0xd8: {  	_ = 	snop  }
0xd9: {  	[tilespmem:s28], [sflag:$0xA] =	stream.linear.gather [hbm4b:s13+s3], $0x80, $0x38;
	[tilespmem:$0x7A80] =	vst v63  }
0xda: {  	_ =	swait.ge [sflag:s29], $0x80  }
0xdb: {  	[sflag:s29] =	ssyncset.done $0x0  }
0xdc: {  	[sflag:s29] =	ssyncadd.s32 $0xFFFFFF80  }
0xdd: {  	_ =	swait.ge [sflag:s30], $0x800  }
0xde: {  	[sflag:s30] =	ssyncset.done $0x0  }
0xdf: {  	[sflag:s30] =	ssyncadd.s32 $0xFFFFF800  }
0xe0: {  	[spmem:s2] =	stream.indirect.scatter.add.f32 [tilespmem:s16], [sflag:$0xB], $0x10, s18, s17, $0xb8;
	[tilespmem:$0x7A80] =	vst v63  }
0xe1: {  	_ =	swait.ge [sflag:s31], $0x80  }
0xe2: {  	[sflag:s31] =	ssyncset.done $0x0  }
0xe3: {  	[sflag:s31] =	ssyncadd.s32 $0xFFFFFF80  }
0xe4: {  	_ =	swait.ge [sflag:s1], $0x800  }
0xe5: {  	[sflag:s1] =	ssyncset.done $0x0  }
0xe6: {  	[sflag:s1] =	ssyncadd.s32 $0xFFFFF800  }
0xe7: {  	[spmem:s2] =	stream.indirect.scatter.add.f32 [tilespmem:s19], [sflag:$0xB], $0x10, s20, s17, $0xb8;
	[tilespmem:$0x7A80] =	vst v63  }
0xe8: {  	_ =	swait.ge [sflag:s0], $0x80  }
0xe9: {  	[sflag:s0] =	ssyncset.done $0x0  }
0xea: {  	[sflag:s0] =	ssyncadd.s32 $0xFFFFFF80  }
0xeb: {  	_ =	swait.ge [sflag:s5], $0x800  }
0xec: {  	[sflag:s5] =	ssyncset.done $0x0  }
0xed: {  	[sflag:s5] =	ssyncadd.s32 $0xFFFFF800  }
0xee: {  	[spmem:s2] =	stream.indirect.scatter.add.f32 [tilespmem:s21], [sflag:$0xB], $0x10, s22, s17, $0xb8;
	[tilespmem:$0x7A80] =	vst v63  }
0xef: {  	_ =	swait.ge [sflag:s7], $0x80  }
0xf0: {  	[sflag:s7] =	ssyncset.done $0x0  }
0xf1: {  	[sflag:s7] =	ssyncadd.s32 $0xFFFFFF80  }
0xf2: {  	_ =	swait.ge [sflag:s8], $0x800  }
0xf3: {  	[sflag:s8] =	ssyncset.done $0x0  }
0xf4: {  	[sflag:s8] =	ssyncadd.s32 $0xFFFFF800  }
0xf5: {  	[spmem:s2] =	stream.indirect.scatter.add.f32 [tilespmem:s23], [sflag:$0xB], $0x10, s24, s17, $0xb8;
	[tilespmem:$0x7A80] =	vst v63  }
0xf6: {  	_ =	swait.ge [sflag:s9], $0x80  }
0xf7: {  	[sflag:s9] =	ssyncset.done $0x0  }
0xf8: {  	[sflag:s9] =	ssyncadd.s32 $0xFFFFFF80  }
0xf9: {  	_ =	swait.ge [sflag:s10], $0x800  }
0xfa: {  	[sflag:s10] =	ssyncset.done $0x0  }
0xfb: {  	[sflag:s10] =	ssyncadd.s32 $0xFFFFF800  }
0xfc: {  	[spmem:s2] =	stream.indirect.scatter.add.f32 [tilespmem:s26], [sflag:$0xB], $0x10, s28, s17, $0xb8;
	[tilespmem:$0x7A80] =	vst v63  }
0xfd: {  	_ =	swait.ge [sflag:s11], $0x800  }
0xfe: {  	[sflag:s11] =	ssyncset.done $0x0  }
0xff: {  	[sflag:s11] =	ssyncadd.s32 $0xFFFFF800  }
0x100: {  	_ =	swait.ge [sflag:s11], $0x800  }
0x101: {  	[sflag:s11] =	ssyncset.done $0x0  }
0x102: {  	[sflag:s11] =	ssyncadd.s32 $0xFFFFF800  }
0x103: {  	_ =	swait.ge [sflag:s11], $0x800  }
0x104: {  	[sflag:s11] =	ssyncset.done $0x0  }
0x105: {  	[sflag:s11] =	ssyncadd.s32 $0xFFFFF800  }
0x106: {  	_ =	swait.ge [sflag:s11], $0x800  }
0x107: {  	[sflag:s11] =	ssyncset.done $0x0  }
0x108: {  	[sflag:s11] =	ssyncadd.s32 $0xFFFFF800  }
0x109: {  	_ =	swait.ge [sflag:s11], $0x800  }
0x10a: {  	[sflag:s11] =	ssyncset.done $0x0  }
0x10b: {  	[sflag:s11] =	ssyncadd.s32 $0xFFFFF800  }
0x10c: {  	[bflag:$0x0] =	sbarrier.arrive $0xFFFF  }
0x10d: {  	s12 =	rddreg [dreg:$0xa]  }
0x10e: {  	s6 =	simm.s32 @p0 $0x1FCC;
	s13 =	rddreg [dreg:$0xd]  }
0x10f: {  	[hbm:s12], [sflag:s6] =	dma.local @p0 [spmem:s13], $0x320  }
0x110: {  	s6 =	simm.s32 @p0 $0xC  }
0x111: {  	_ =	swait.ge @p0 [sflag:s6], $0x320  }
0x112: {  	s12 =	stileid.u32;
	s14 =	rddreg [dreg:$0x4]  }
0x113: {  	s12 =	sshll.u32 @!p0 s12, $0x6;
	[sflag:s6] =	ssyncset.done @p0 $0x0;
	s13 =	rddreg [dreg:$0x9]  }
0x114: {  	[sflag:s6] =	ssyncadd.s32 @p0 $0xFFFFFCE0;
	s6 =	sor.u32 @!p0 $0x1C0C, s12;
	s12 =	sshrl.u32 @!p0 s14, $0x3  }
0x115: {  	[hbm:s13], [sflag:s6] =	dma.local @!p0 [spmem:s12], $0x500  }
0x116: {  	s6 =	simm.s32 @!p0 $0xC  }
0x117: {  	_ =	swait.ge @!p0 [sflag:s6], $0x500  }
0x118: {  	s12 =	rddreg [dreg:$0xe]  }
0x119: {  	s25 =	rddreg [dreg:$0xb];
	s13 =	sadd.s32 $0x1, s12  }
0x11a: {  	p1 =	sne.s32 s13, s25  }
.Ltmp2:
0x11b: {  	_ = 	snop;
	(pc) =	sbr.rel @p1 .LBB2_1-.Ltmp2, $3  }
0x11c: {  	_ =	sdelay $0x1  }
0x11d: {  	[sflag:s6] =	ssyncset.done @!p0 $0x0  }
0x11e: {  	[sflag:s6] =	ssyncadd.s32 @!p0 $0xFFFFFB00  }
0x11f: {  	_ =	sfence.sel $0x180000  }
0x120: {  	[bflag:$0x0] =	sbarrier.arrive $0xFFFF  }
0x121: {  	_ =	strace $0x9000004A  }
0x122: {  	s0 =	stileid.u32;
	[bflag:$0x2] =	sbarrier.arrive $0xFFFF  }
0x123: {  	p0 =	sne.s32 s0, $0x0;
	s0 =	rddreg [dreg:$0x2]  }
0x124: {  	s0 =	sadd.s32 @!p0 $0x100000, s0  }
0x125: {  	[sflag:s0] =	ssyncadd.tile.s32 @!p0 $0x1;
	_ =	shalt  }
.Lfunc_end2:
_tile_overlayer_lowered:
.L_overlay_start_2:
0x126: {  	(tag) =	ssettag $0x2  }
0x127: {  	s0 =	rddreg [dreg:$0x0];
	s2 =	stileid.u32  }
0x128: {  	s1 =	rddreg [dreg:$0x1];
	p0 =	sne.s32 s2, $0x0  }
0x129: {  	s3 =	rddreg [dreg:$0x2];
	[bflag:$0x3] =	sbarrier.arrive $0xFFFF;
	s2 =	simm.s32 @!p0 $0x1C0C  }
0x12a: {  	[timem:s3], [sflag:s2] =	dma.local @!p0 [hbm:s0], s1  }
0x12b: {  	s0 =	simm.s32 @!p0 $0xC  }
0x12c: {  	_ =	swait.ge @!p0 [sflag:s0], s1  }
0x12d: {  	s1 =	ssub.s32 @!p0 $0x0, s1;
	[sflag:s0] =	ssyncset.done @!p0 $0x0  }
0x12e: {  	[sflag:s0] =	ssyncadd.s32 @!p0 s1  }
0x12f: {  	[bflag:$0x3] =	sbarrier.arrive $0xFFFF  }
0x130: {  	_ =	shalt  }

// kernel: kernel.7.cloned.1.call-start
scs
__scs_entry_jumppad:
0x0: {  	(pc) =	sbr.rel $0x88, $3  }
0x1: {  	(tag) =	ssettag $0x0;
	lr =	simm.s32 $0x1  }
0x2: {  	[smem:$0x3F97] =	sst lr;
	_ =	strace $0xD0000000  }
0x3: {  	_ = 	snop  }
0x4: {  	_ = 	snop  }
0x5: {  	_ = 	snop  }
0x6: {  	_ = 	snop  }
0x7: {  	_ = 	snop  }
__scs_overlays_trampoline_lowered:
0x8: {  	[smem:$0x3FA6] =	sst s0  }
0x9: {  	[smem:$0x3FA7] =	sst s1  }
0xa: {  	[smem:$0x3FA8] =	sst s2  }
0xb: {  	[smem:$0x3FA9] =	sst s3  }
0xc: {  	[smem:$0x3FAA] =	sst s4  }
0xd: {  	[smem:$0x3FAB] =	sst s5  }
0xe: {  	[smem:$0x3FAC] =	sst s6  }
0xf: {  	[smem:$0x3FAD] =	sst s7  }
0x10: {  	[smem:$0x3FAE] =	sst s8  }
0x11: {  	[smem:$0x3FAF] =	sst s9;
	s0 =	simm.s32 @!p0 $0x0  }
0x12: {  	s1 =	sld [smem:$0x3F95];
	s0 =	simm.s32 @p0 $0x1  }
0x13: {  	[smem:$0x3FB0] =	sst s0;
	s0 =	simm.s32 @!p1 $0x0  }
0x14: {  	s2 =	sld [smem:$0x3F94];
	s0 =	simm.s32 @p1 $0x1  }
0x15: {  	[smem:$0x3FB1] =	sst s0;
	s0 =	simm.s32 @!p2 $0x0  }
0x16: {  	s3 =	sld [smem:$0x3FDB];
	s0 =	simm.s32 @p2 $0x1  }
0x17: {  	s4 =	simm.s32 $0x1BF5;
	[smem:$0x3FB3] =	sst s0  }
0x18: {  	s0 =	sld [smem:$0x3F96];
	_ =	swait.ge [sflag:s4], $0x0  }
0x19: {  	s7 =	sld [smem:$0x3F97]  }
0x1a: {  	s8 =	sadd.s32 $0xFFFFE003, lr  }
0x1b: {  	s9 =	sadd.s32 $0xFFFFFEF7, lr;
	s5 =	simm.s32 $0xFFFFFFFF;
	p2 =	slt.u32 s8, $0xFFFFF086  }
0x1c: {  	p1 =	slt.u32 s9, $0xF7A;
	s5 =	simm.s32 @!p2 $0x0  }
0x1d: {  	s5 =	simm.s32 @p1 $0x1;
	p0 =	seq.s32 s7, s2  }
0x1e: {  	s7 =	smul.u32 @!p0 $0xF7A, s2;
	p2 =	seq.s32 @!p0 s5, $0x0  }
0x1f: {  	s9 =	smul.u32 $0xF7A, s1;
	s8 =	simm.s32 @!p0 $0x1BF5;
	p2 =	por !p2, p0  }
0x20: {  	[sflag:s8] =	ssyncset.s32 @!p0 $0xFFFFF086;
	s6 =	sadd.s32 @!p0 s3, s7;
	s7 =	simm.s32 @!p0 $0x108  }
0x21: {  	s3 =	sadd.s32 s3, s9;
	s6 =	sadd.s32 @!p0 $0x88, s6;
	s7 =	simm.s32 @p2 $0x1082  }
0x22: {  	[simem:s7], [sflag:s8] =	dma.local @!p0 [hbm:s6], $0xF7A  }
0x23: {  	s9 =	sor.u32 $0xD0000000, s2;
	s6 =	simm.s32 $0x108;
	_ =	swait.ge @!p0 [sflag:s8], $0x0  }
0x24: {  	s3 =	sadd.s32 $0x88, s3;
	s6 =	simm.s32 @!p1 $0x1082;
	[sflag:s4] =	ssyncset.s32 $0xFFFFF086  }
0x25: {  	[simem:s6], [sflag:s4] =	dma.local [hbm:s3], $0xF7A  }
0x26: {  	[smem:$0x3F97] =	sst s1;
	(tag) =	ssettag s2;
	_ =	strace s9  }
0x27: {  	s1 =	sld [smem:$0x3FA7]  }
0x28: {  	s2 =	sld [smem:$0x3FA8]  }
0x29: {  	s4 =	sld [smem:$0x3FAA]  }
0x2a: {  	p0 =	seq.s32 s5, $0x0;
	s5 =	sld [smem:$0x3FAB]  }
0x2b: {  	s6 =	sld [smem:$0x3FAC]  }
0x2c: {  	s7 =	sld [smem:$0x3FAD]  }
0x2d: {  	s3 =	simm.s32 $0x108;
	s8 =	sld [smem:$0x3FAE]  }
0x2e: {  	s3 =	simm.s32 @!p0 $0x1082;
	s9 =	sld [smem:$0x3FAF]  }
0x2f: {  	lr =	sadd.s32 s0, s3;
	s0 =	sld [smem:$0x3FA6]  }
0x30: {  	s3 =	sld [smem:$0x3FA9]  }
0x31: {  	[smem:$0x3FB2] =	sst s10  }
0x32: {  	s10 =	sld [smem:$0x3FB0];
	_ =	sdelay $0x3  }
0x33: {  	p0 =	seq.s32 s10, $0x1;
	s10 =	sld [smem:$0x3FB2];
	_ =	sdelay $0x3  }
0x34: {  	[smem:$0x3FB2] =	sst s10  }
0x35: {  	s10 =	sld [smem:$0x3FB1];
	_ =	sdelay $0x3  }
0x36: {  	p1 =	seq.s32 s10, $0x1;
	s10 =	sld [smem:$0x3FB2];
	_ =	sdelay $0x3  }
0x37: {  	[smem:$0x3FB2] =	sst s10  }
0x38: {  	s10 =	sld [smem:$0x3FB3]  }
0x39: {  	_ = 	snop;
	(pc) =	sbr.ind lr, $3  }
0x3a: {  	_ = 	snop  }
0x3b: {  	_ = 	snop  }
0x3c: {  	p2 =	seq.s32 s10, $0x1;
	s10 =	sld [smem:$0x3FB2]  }
0x3d: {  	_ =	shalt  }
0x3e: {  	_ =	shalt  }
0x3f: {  	_ =	shalt  }
0x40: {  	_ =	shalt  }
0x41: {  	_ =	shalt  }
0x42: {  	_ =	shalt  }
0x43: {  	_ =	shalt  }
0x44: {  	_ =	shalt  }
0x45: {  	_ =	shalt  }
0x46: {  	_ =	shalt  }
0x47: {  	_ =	shalt  }
0x48: {  	_ =	shalt  }
0x49: {  	_ =	shalt  }
0x4a: {  	_ =	shalt  }
0x4b: {  	_ =	shalt  }
0x4c: {  	_ =	shalt  }
0x4d: {  	_ =	shalt  }
0x4e: {  	_ =	shalt  }
0x4f: {  	_ =	shalt  }
0x50: {  	_ =	shalt  }
0x51: {  	_ =	shalt  }
0x52: {  	_ =	shalt  }
0x53: {  	_ =	shalt  }
0x54: {  	_ =	shalt  }
0x55: {  	_ =	shalt  }
0x56: {  	_ =	shalt  }
0x57: {  	_ =	shalt  }
0x58: {  	_ =	shalt  }
0x59: {  	_ =	shalt  }
0x5a: {  	_ =	shalt  }
0x5b: {  	_ =	shalt  }
0x5c: {  	_ =	shalt  }
0x5d: {  	_ =	shalt  }
0x5e: {  	_ =	shalt  }
0x5f: {  	_ =	shalt  }
0x60: {  	_ =	shalt  }
0x61: {  	_ =	shalt  }
0x62: {  	_ =	shalt  }
0x63: {  	_ =	shalt  }
0x64: {  	_ =	shalt  }
0x65: {  	_ =	shalt  }
0x66: {  	_ =	shalt  }
0x67: {  	_ =	shalt  }
0x68: {  	_ =	shalt  }
0x69: {  	_ =	shalt  }
0x6a: {  	_ =	shalt  }
0x6b: {  	_ =	shalt  }
0x6c: {  	_ =	shalt  }
0x6d: {  	_ =	shalt  }
0x6e: {  	_ =	shalt  }
0x6f: {  	_ =	shalt  }
0x70: {  	_ =	shalt  }
0x71: {  	_ =	shalt  }
0x72: {  	_ =	shalt  }
0x73: {  	_ =	shalt  }
0x74: {  	_ =	shalt  }
0x75: {  	_ =	shalt  }
0x76: {  	_ =	shalt  }
0x77: {  	_ =	shalt  }
0x78: {  	_ =	shalt  }
0x79: {  	_ =	shalt  }
0x7a: {  	_ =	shalt  }
0x7b: {  	_ =	shalt  }
0x7c: {  	_ =	shalt  }
0x7d: {  	_ =	shalt  }
0x7e: {  	_ =	shalt  }
0x7f: {  	_ =	shalt  }
0x80: {  	_ =	shalt  }
0x81: {  	_ =	shalt  }
0x82: {  	_ =	shalt  }
0x83: {  	_ =	shalt  }
0x84: {  	_ =	shalt  }
0x85: {  	_ =	shalt  }
0x86: {  	_ =	shalt  }
0x87: {  	_ =	shalt  }
.Lfunc_end0:
.L_simem_size_0:
called_computation_lowered:
.L_overlay_start_0:
0x88: {  	s2 =	sld [smem:$0x3FD9]  }
0x89: {  	s3 =	sld [smem:$0x3FFE];
	_ =	sdelay $0x1  }
0x8a: {  	s1 =	srdreg.scid  }
0x8b: {  	s0 =	sand.u32 $0x1, s1  }
0x8c: {  	s16 =	sshll.u32 s0, $0xA;
	s2 =	sadd.s32 s3, s2  }
0x8d: {  	s2 =	sadd.s32 s2, s16  }
0x8e: {  	[smem:$0x3FBE] =	sst s2  }
0x8f: {  	_ = 	snop  }
0x90: {  	(tm) =	ssettm $0x1  }
0x91: {  	s17 =	sld [smem:$0x3FFB];
	_ =	sdelay $0x3  }
0x92: {  	_ =	strace s17  }
0x93: {  	s2 =	sld [smem:$0x3FFC];
	_ =	sdelay $0x3  }
0x94: {  	_ =	strace s2  }
0x95: {  	s2 =	sld [smem:$0x3FFD];
	_ =	sdelay $0x3  }
0x96: {  	_ =	strace s2  }
0x97: {  	_ =	strace $0x8FFFFFFF  }
0x98: {  	s18 =	sld [smem:$0x3FDB];
	_ =	sdelay $0x1  }
0x99: {  	s19 =	simm.s32 $_scs_section_size  }
0x9a: {  	s4 =	simm.s32 $_size__tile_overlayer_lowered;
	s5 =	simm.s32 $_tile_overlayer_lowered  }
0x9b: {  	s22 =	simm.s32 $0x1BFF;
	s21 =	sshll.u32 s5, $0x1;
	s2 =	sadd.s32 s19, s18  }
0x9c: {  	s6 =	simm.s32 $0x0;
	s20 =	sshll.u32 s4, $0x1;
	s4 =	sadd.s32 s21, s2  }
0x9d: {  	[timem:s6], [sflag:s22] =	dma.local [hbm:s4], s20  }
0x9e: {  	_ =	swait.ge [sflag:s22], s20  }
0x9f: {  	s3 =	ssub.s32 $0x0, s20;
	[sflag:s22] =	ssyncset.done $0x0  }
0xa0: {  	[sflag:s22] =	ssyncadd.s32 s3;
	_ =	sdelay $0x1  }
0xa1: {  	s23 =	simm.s32 $0x1B8B  }
0xa2: {  	_ =	swait.ge [sflag:s23], $0x1  }
0xa3: {  	[sflag:s23] =	ssyncset.done $0x0  }
0xa4: {  	s25 =	simm.s32 $0x1B8E;
	s24 =	sld [smem:$0x3FFE];
	[sflag:s23] =	ssyncadd.s32 $0xFFFFFFFF  }
0xa5: {  	s26 =	simm.s32 $execute0_lowered;
	[smem:$0x3FD2] =	sst s25  }
0xa6: {  	s4 =	sshll.u32 s26, $0x1;
	_ =	strace $0x80000046;
	[dreg:$0x1] =	wrdreg $0xFFFFFFFF  }
0xa7: {  	s28 =	simm.s32 $_size_execute0_lowered;
	s2 =	sadd.s32 s2, s4;
	[dreg:$0x0] =	wrdreg $0x0  }
0xa8: {  	s4 =	sshll.u32 s28, $0x1;
	[dreg:$0x2] =	wrdreg s2  }
0xa9: {  	[dreg:$0x3] =	wrdreg s4  }
0xaa: {  	[dreg:$0x4] =	wrdreg $0xC0  }
0xab: {  	_ =	task [dreg:s6], $0x5FFFF  }
0xac: {  	[dreg:$0x1] =	wrdreg $0xFFFFFFFF  }
0xad: {  	[dreg:$0x0] =	wrdreg $0x60  }
0xae: {  	[dreg:$0x2] =	wrdreg s24  }
0xaf: {  	[dreg:$0x3] =	wrdreg $0x102800  }
0xb0: {  	[dreg:$0x4] =	wrdreg $0x1A2800  }
0xb1: {  	[dreg:$0x5] =	wrdreg $0x9  }
0xb2: {  	_ =	task.clear_ibuf [dreg:s6], $0x6FFFF;
	_ =	strace $0x90000046  }
0xb3: {  	s29 =	simm.s32 $0x9;
	_ =	strace $0x80000048  }
0xb4: {  	_ =	swait.ge [sflag:s29], $0x1  }
0xb5: {  	[sflag:s29] =	ssyncadd.s32 $0xFFFFFFFF  }
0xb6: {  	_ =	strace $0x90000048  }
0xb7: {  	_ =	sfence  }
0xb8: {  	s30 =	sld [smem:$0x0];
	_ =	sdelay $0x2  }
0xb9: {  	s31 =	sshll.u32 s1, $0xD;
	s1 =	sshrl.u32 s1, $0x2  }
0xba: {  	s3 =	sand.u32 $0x4000, s31;
	s1 =	sadd.s32 s1, s30  }
0xbb: {  	s0 =	sor.u32 s3, s0;
	s1 =	sshll.u32 s1, $0x11  }
0xbc: {  	s0 =	sor.u32 s1, s0  }
0xbd: {  	s0 =	sadd.s32 $0x8F2B, s0  }
0xbe: {  	[sflag:s0] =	ssyncadd.remote.s32 $0x1  }
0xbf: {  	_ =	sfence.sel $0xFFFF  }
0xc0: {  	[dreg:$0x0] =	wrdreg $0xFFFFFFFF;
	(pc) =	sbr.abs _section_cstart, $3  }
0xc1: {  	[dreg:$0x1] =	wrdreg $0xFFFFFFFF  }
0xc2: {  	_ =	task.clear_ibuf [dreg:s6], $0x2FFFF;
	_ =	strace $0x9FFFFFFF  }
0xc3: {  	(tm) =	ssettm $0x7FFFFFFF  }
tec
execute0_lowered:
.L_overlay_start_1:
0x0: {  	(tag) =	ssettag $0x1  }
0x1: {  	s1 =	rddreg [dreg:$0x0]  }
0x2: {  	s2 =	rddreg [dreg:$0x1]  }
0x3: {  	s4 =	rddreg [dreg:$0x2];
	s3 =	simm.s32 $0x0  }
0x4: {  	s16 =	stileid.u32;
	s6 =	srdreg.scid;
	s29 =	simm.s32 $0x80  }
0x5: {  	s28 =	simm.s32 $0xD280;
	s31 =	simm.s32 $0x9280;
	s0 =	smul.u32 $0xA00, s16  }
0x6: {  	[smem:$0x7FF] =	sst s3;
	s5 =	sadd.s32 $0x1600, s1;
	s8 =	smul.u32 $0x2800, s16  }
0x7: {  	s6 =	sand.u32 $0x1, s6;
	s9 =	sadd.s32 $0x41800, s1;
	s10 =	smul.u32 $0x280, s16  }
0x8: {  	s13 =	smul.u32 $0x28000, s16;
	p0 =	seq.s32 s16, $0xF;
	_ =	strace $0x80000047  }
0x9: {  	s26 =	ssub.s32 $0x2, s6;
	p1 =	sne.s32 s6, $0x0;
	p2 =	sne.s32 @p0 s6, $0x0  }
0xa: {  	p3 =	sne.s32 @!p0 s6, $0x0;
	s7 =	sadd.s32 s0, s1;
	s11 =	sshrl.u32 s8, $0x3  }
0xb: {  	s12 =	sshrl.u32 s26, $0x1;
	s0 =	smul.u32 $0x2710, s6;
	s13 =	sshrl.u32 s13, $0x2  }
0xc: {  	s14 =	sadd.s32 $0x80, s10;
	s18 =	sadd.s32 s8, s4;
	s19 =	sadd.s32 $0x100, s10  }
0xd: {  	s21 =	sadd.s32 $0x180, s10;
	s25 =	sadd.s32 $0x200, s10;
	p2 =	por p2, !p0  }
0xe: {  	p3 =	por p3, p0;
	s11 =	sadd.s32 s11, s1;
	s12 =	ssub.s32 s26, s12  }
0xf: {  	s30 =	sadd.s32 $0x32800, s7;
	s17 =	sadd.s32 s13, s2;
	s13 =	sshll.u32 s14, $0x6  }
0x10: {  	s15 =	sshll.u32 s14, $0x4;
	s23 =	sshll.u32 s21, $0x6;
	[dreg:$0xa] =	wrdreg s18  }
0x11: {  	s26 =	sshll.u32 s21, $0x4;
	s21 =	simm.s32 $0x7280;
	[dreg:$0x8] =	wrdreg s30  }
0x12: {  	s20 =	sshll.u32 s19, $0x6;
	s1 =	sadd.s32 $0x41300, s1;
	[dreg:$0x4] =	wrdreg s21  }
0x13: {  	s22 =	sshll.u32 s19, $0x4;
	s14 =	simm.s32 $0x3;
	[dreg:$0x16] =	wrdreg s1  }
0x14: {  	s8 =	sadd.s32 s13, s2;
	s24 =	sadd.s32 s23, s2;
	[dreg:$0x9] =	wrdreg s17  }
0x15: {  	s30 =	sshll.u32 s25, $0x6;
	s13 =	sadd.s32 s26, s4;
	[dreg:$0xb] =	wrdreg s8  }
0x16: {  	s10 =	sadd.s32 s10, s0;
	s23 =	sadd.s32 $0x3C800, s11;
	[dreg:$0xf] =	wrdreg s24  }
0x17: {  	s1 =	sadd.s32 $0x25800, s4;
	s26 =	smax.u32 s12, $0x1;
	[dreg:$0x10] =	wrdreg s13  }
0x18: {  	s11 =	simm.s32 $0x5000;
	s21 =	simm.s32 $0x5200;
	[dreg:$0x14] =	wrdreg s23  }
0x19: {  	s12 =	simm.s32 $0x1;
	s8 =	sadd.s32 s15, s4;
	[dreg:$0x17] =	wrdreg s26  }
0x1a: {  	s15 =	smul.u32 $0x9C400, s6;
	s19 =	sadd.s32 s30, s2;
	[dreg:$0xc] =	wrdreg s8  }
0x1b: {  	s10 =	sshll.u32 s10, $0x3;
	s24 =	simm.s32 $0xB280;
	[dreg:$0x11] =	wrdreg s19  }
0x1c: {  	s30 =	sadd.s32 $0x28840, s7;
	s1 =	sshrl.u32 @!p2 s1, $0x3;
	[dreg:$0x6] =	wrdreg s24  }
0x1d: {  	s13 =	simm.s32 $0x8;
	s8 =	sadd.s32 s20, s2;
	[dreg:$0x18] =	wrdreg s30  }
0x1e: {  	s10 =	sadd.s32 s9, s10;
	[dreg:$0x1a] =	wrdreg s1;
	s24 =	simm.s32 $0x5100  }
0x1f: {  	[dreg:$0xd] =	wrdreg s8;
	s8 =	sadd.s32 s22, s4;
	s20 =	sshrl.u32 s15, $0x3  }
0x20: {  	[dreg:$0x12] =	wrdreg s10;
	s22 =	simm.s32 $0x5080;
	s10 =	simm.s32 $0x5280  }
0x21: {  	s15 =	simm.s32 $0x6;
	[dreg:$0xe] =	wrdreg s8;
	s8 =	sshll.u32 s25, $0x4  }
0x22: {  	s9 =	sadd.s32 s9, s20;
	[dreg:$0x5] =	wrdreg s22;
	s25 =	simm.s32 $0x5180  }
0x23: {  	s22 =	simm.s32 $0x9280;
	s8 =	sadd.s32 s8, s4;
	[dreg:$0x7] =	wrdreg s25  }
0x24: {  	s9 =	sadd.s32 $0x12C00, s9;
	[dreg:$0x13] =	wrdreg s8;
	s8 =	sadd.s32 $0x96000, s2  }
0x25: {  	s20 =	simm.s32 $0x6;
	[dreg:$0x15] =	wrdreg s9;
	s6 =	sshrl.u32 @p0 s8, $0x3  }
0x26: {  	v1 =	vimm.f32 $0.0e+00;
	v2 =	vimm.f32 $1.000000000e+00;
	v0 =	vmov s0;
	s8 =	simm.s32 $0xD;
	[dreg:$0x19] =	wrdreg s6;
	s6 =	simm.s32 $0x0  }
.LBB2_1:
0x27: {  	[dreg:$0x1b] =	wrdreg s6  }
0x28: {  	s0 =	rddreg [dreg:$0x8]  }
0x29: {  	[tilespmem:s3], [sflag:$0xD] =	stream.linear.gather [hbm4b:s0+s3], $0x5000, $0x38;
	[tilespmem:$0x1CA80] =	vst v63  }
0x2a: {  	_ =	swait.ge [sflag:s8], $0x5000  }
0x2b: {  	[sflag:s8] =	ssyncset.done $0x0  }
0x2c: {  	s0 =	simm.s32 $0x0;
	[sflag:s8] =	ssyncadd.s32 $0xFFFFB000  }
0x2d: {  	v5 =	vld [tilespmem:s0+$0x0]  }
0x2e: {  	v7 =	vld [tilespmem:s0+$0x10]  }
0x2f: {  	v6 =	vld [tilespmem:s0+$0x20]  }
0x30: {  	v4 =	vld [tilespmem:s0+$0x30]  }
0x31: {  	v3 =	vld [tilespmem:s0+$0x40]  }
0x32: {  	v8 =	vadd.s32 v0, v5;
	v5 =	vld [tilespmem:s0+$0x50]  }
0x33: {  	s1 =	simm.s32 $0x200;
	[tilespmem:s0+$0x0] =	vst v8;
	v8 =	vadd.s32 v0, v7;
	v7 =	vld [tilespmem:s0+$0x60]  }
.LBB2_2:
0x34: {  	s6 =	sshra.s32 s1, $0x2;
	p4 =	sne.s32 s1, $0x13E00;
	[tilespmem:s0+$0x10] =	vst v8;
	v6 =	vadd.s32 v0, v6;
	v8 =	vld [tilespmem:s0+$0x70]  }
0x35: {  	v9 =	vld [tilespmem:s6+$0x0];
	[tilespmem:s0+$0x20] =	vst v6;
	v4 =	vadd.s32 v0, v4  }
0x36: {  	v10 =	vld [tilespmem:s6+$0x10];
	[tilespmem:s0+$0x30] =	vst v4;
	v3 =	vadd.s32 v0, v3  }
.Ltmp0:
0x37: {  	v6 =	vld [tilespmem:s6+$0x20];
	[tilespmem:s0+$0x40] =	vst v3;
	v3 =	vadd.s32 v0, v5;
	(pc) =	sbr.rel @p4 .LBB2_2-.Ltmp0, $4  }
0x38: {  	v4 =	vld [tilespmem:s6+$0x30];
	[tilespmem:s0+$0x50] =	vst v3;
	v5 =	vadd.s32 v0, v7  }
0x39: {  	v3 =	vld [tilespmem:s6+$0x40];
	[tilespmem:s0+$0x60] =	vst v5;
	v7 =	vadd.s32 v0, v8  }
0x3a: {  	v8 =	vadd.s32 v0, v9;
	v5 =	vld [tilespmem:s6+$0x50];
	[tilespmem:s0+$0x70] =	vst v7;
	s0 =	smov.u32 s6  }
0x3b: {  	s1 =	sadd.s32 $0x200, s1;
	[tilespmem:s0+$0x0] =	vst v8;
	v8 =	vadd.s32 v0, v10;
	v7 =	vld [tilespmem:s0+$0x60]  }
0x3c: {  	[tilespmem:s0+$0x10] =	vst v8;
	v6 =	vadd.s32 v0, v6;
	v63 =	vld [tilespmem:s0+$0x70]  }
0x3d: {  	[tilespmem:s0+$0x20] =	vst v6;
	v4 =	vadd.s32 v0, v4  }
0x3e: {  	[tilespmem:s0+$0x30] =	vst v4;
	v3 =	vadd.s32 v0, v3  }
0x3f: {  	[tilespmem:s0+$0x40] =	vst v3;
	v3 =	vadd.s32 v0, v5  }
0x40: {  	[tilespmem:s0+$0x50] =	vst v3;
	v3 =	vadd.s32 v0, v7  }
0x41: {  	[tilespmem:s0+$0x60] =	vst v3;
	v3 =	vadd.s32 v0, v63  }
0x42: {  	[tilespmem:s0+$0x70] =	vst v3;
	s0 =	simm.s32 $0x52A0  }
0x43: {  	[tilespmem:s0+$0xFFFFFFE0] =	vst v1  }
0x44: {  	[tilespmem:s0+$0x10] =	vst v1  }
0x45: {  	[tilespmem:s0+$0x0] =	vst v1  }
0x46: {  	s1 =	simm.s32 $0x40;
	s6 =	simm.s32 $0x0;
	[tilespmem:s0+$0xFFFFFFF0] =	vst v1  }
.LBB2_4:
0x47: {  	p4 =	sne.s32 s1, $0x1FC0  }
0x48: {  	[tilespmem:s6+$0xF280] =	vst v1;
	s0 =	sadd.s32 $0x40, s0;
	s7 =	smov.u32 s1;
	s1 =	sadd.s32 $0x40, s1  }
.Ltmp1:
0x49: {  	[tilespmem:s6+$0xFA80] =	vst v2;
	(pc) =	sbr.rel @p4 .LBB2_4-.Ltmp1, $4  }
0x4a: {  	[tilespmem:s0+$0xFFFFFFE0] =	vst v1  }
0x4b: {  	[tilespmem:s0+$0x10] =	vst v1  }
0x4c: {  	[tilespmem:s0+$0x0] =	vst v1  }
0x4d: {  	s6 =	sshra.s32 s7, $0x2;
	[tilespmem:s0+$0xFFFFFFF0] =	vst v1  }
0x4e: {  	[tilespmem:s6+$0xF280] =	vst v1  }
0x4f: {  	[tilespmem:s6+$0xFA80] =	vst v2  }
0x50: {  	[spmem:s17] =	stream.linear.scatter [tilespmem:s10], [sflag:$0xD], $0x2000, $0x38;
	[tilespmem:$0x1CA80] =	vst v63  }
0x51: {  	_ =	swait.ge [sflag:s8], $0x2000  }
0x52: {  	[sflag:s8] =	ssyncset.done $0x0  }
0x53: {  	s1 =	simm.s32 $0xF280;
	[sflag:s8] =	ssyncadd.s32 $0xFFFFE000  }
0x54: {  	[spmem:s18] =	stream.linear.scatter [tilespmem:s1], [sflag:$0xD], $0x800, $0x38;
	[tilespmem:$0x1CA80] =	vst v63  }
0x55: {  	_ =	swait.ge [sflag:s8], $0x800  }
0x56: {  	[sflag:s8] =	ssyncset.done $0x0  }
0x57: {  	s0 =	rddreg [dreg:$0xb];
	[sflag:s8] =	ssyncadd.s32 $0xFFFFF800  }
0x58: {  	[spmem:s0] =	stream.linear.scatter [tilespmem:s10], [sflag:$0xD], $0x2000, $0x38;
	[tilespmem:$0x1CA80] =	vst v63  }
0x59: {  	_ =	swait.ge [sflag:s8], $0x2000  }
0x5a: {  	[sflag:s8] =	ssyncset.done $0x0  }
0x5b: {  	s25 =	rddreg [dreg:$0xc];
	[sflag:s8] =	ssyncadd.s32 $0xFFFFE000  }
0x5c: {  	[spmem:s25] =	stream.linear.scatter [tilespmem:s1], [sflag:$0xD], $0x800, $0x38;
	[tilespmem:$0x1CA80] =	vst v63  }
0x5d: {  	_ =	swait.ge [sflag:s8], $0x800  }
0x5e: {  	[sflag:s8] =	ssyncset.done $0x0  }
0x5f: {  	s26 =	rddreg [dreg:$0xd];
	[sflag:s8] =	ssyncadd.s32 $0xFFFFF800  }
0x60: {  	[spmem:s26] =	stream.linear.scatter [tilespmem:s10], [sflag:$0xD], $0x2000, $0x38;
	[tilespmem:$0x1CA80] =	vst v63  }
0x61: {  	_ =	swait.ge [sflag:s8], $0x2000  }
0x62: {  	[sflag:s8] =	ssyncset.done $0x0  }
0x63: {  	s6 =	rddreg [dreg:$0xe];
	[sflag:s8] =	ssyncadd.s32 $0xFFFFE000  }
0x64: {  	[spmem:s6] =	stream.linear.scatter [tilespmem:s1], [sflag:$0xD], $0x800, $0x38;
	[tilespmem:$0x1CA80] =	vst v63  }
0x65: {  	_ =	swait.ge [sflag:s8], $0x800  }
0x66: {  	[sflag:s8] =	ssyncset.done $0x0  }
0x67: {  	s7 =	rddreg [dreg:$0xf];
	[sflag:s8] =	ssyncadd.s32 $0xFFFFF800  }
0x68: {  	[spmem:s7] =	stream.linear.scatter [tilespmem:s10], [sflag:$0xD], $0x2000, $0x38;
	[tilespmem:$0x1CA80] =	vst v63  }
0x69: {  	_ =	swait.ge [sflag:s8], $0x2000  }
0x6a: {  	[sflag:s8] =	ssyncset.done $0x0  }
0x6b: {  	s9 =	rddreg [dreg:$0x10];
	[sflag:s8] =	ssyncadd.s32 $0xFFFFE000  }
0x6c: {  	[spmem:s9] =	stream.linear.scatter [tilespmem:s1], [sflag:$0xD], $0x800, $0x38;
	[tilespmem:$0x1CA80] =	vst v63  }
0x6d: {  	_ =	swait.ge [sflag:s8], $0x800  }
0x6e: {  	[sflag:s8] =	ssyncset.done $0x0  }
0x6f: {  	s16 =	rddreg [dreg:$0x11];
	[sflag:s8] =	ssyncadd.s32 $0xFFFFF800  }
0x70: {  	[spmem:s16] =	stream.linear.scatter [tilespmem:s10], [sflag:$0xD], $0x2000, $0x38;
	[tilespmem:$0x1CA80] =	vst v63  }
0x71: {  	_ =	swait.ge [sflag:s8], $0x2000  }
0x72: {  	[sflag:s8] =	ssyncset.done $0x0  }
0x73: {  	s17 =	rddreg [dreg:$0x13];
	[sflag:s8] =	ssyncadd.s32 $0xFFFFE000  }
0x74: {  	[spmem:s17] =	stream.linear.scatter [tilespmem:s1], [sflag:$0xD], $0x800, $0x38;
	[tilespmem:$0x1CA80] =	vst v63  }
0x75: {  	_ =	swait.ge [sflag:s8], $0x800  }
0x76: {  	[sflag:s8] =	ssyncset.done $0x0  }
0x77: {  	[sflag:s8] =	ssyncadd.s32 $0xFFFFF800  }
0x78: {  	s18 =	simm.s32 $0x0;
	[bflag:$0x0] =	sbarrier.arrive $0xFFFF  }
0x79: {  	[tilespmem:s10], [sflag:$0x1] =	stream.indirect.gather [hbm4b:s5+s29], $0x40, s18, s29, $0xb8;
	[tilespmem:$0x1CA80] =	vst v63  }
0x7a: {  	s9 =	rddreg [dreg:$0x18]  }
0x7b: {  	s19 =	sadd.s32 $0xFFFFFFC0, s9  }
0x7c: {  	[tilespmem:s11], [sflag:$0x6] =	stream.linear.gather [hbm4b:s19+s3], $0x80, $0x38;
	[tilespmem:$0x1CA80] =	vst v63  }
0x7d: {  	s25 =	simm.s32 $0x80;
	s23 =	rddreg [dreg:$0x4]  }
0x7e: {  	[tilespmem:s23], [sflag:$0x2] =	stream.indirect.gather [hbm4b:s5+s29], $0x40, s25, s29, $0xb8;
	[tilespmem:$0x1CA80] =	vst v63  }
0x7f: {  	s26 =	rddreg [dreg:$0x5];
	s1 =	sadd.s32 $0xFFFFFFD0, s9  }
0x80: {  	[tilespmem:s26], [sflag:$0x7] =	stream.linear.gather [hbm4b:s1+s3], $0x80, $0x38;
	[tilespmem:$0x1CA80] =	vst v63  }
0x81: {  	s6 =	simm.s32 $0x100  }
0x82: {  	[tilespmem:s22], [sflag:$0x3] =	stream.indirect.gather [hbm4b:s5+s29], $0x40, s6, s29, $0xb8;
	[tilespmem:$0x1CA80] =	vst v63  }
0x83: {  	s7 =	sadd.s32 $0xFFFFFFE0, s9  }
0x84: {  	[tilespmem:s24], [sflag:$0x8] =	stream.linear.gather [hbm4b:s7+s3], $0x80, $0x38;
	[tilespmem:$0x1CA80] =	vst v63  }
0x85: {  	s16 =	simm.s32 $0x180;
	s8 =	rddreg [dreg:$0x6]  }
0x86: {  	[tilespmem:s8], [sflag:$0x4] =	stream.indirect.gather [hbm4b:s5+s29], $0x40, s16, s29, $0xb8;
	[tilespmem:$0x1CA80] =	vst v63  }
0x87: {  	s17 =	rddreg [dreg:$0x7];
	s18 =	sadd.s32 $0xFFFFFFF0, s9  }
0x88: {  	[tilespmem:s17], [sflag:$0x9] =	stream.linear.gather [hbm4b:s18+s3], $0x80, $0x38;
	[tilespmem:$0x1CA80] =	vst v63  }
0x89: {  	s19 =	simm.s32 $0x200  }
0x8a: {  	[tilespmem:s28], [sflag:$0x5] =	stream.indirect.gather [hbm4b:s5+s29], $0x40, s19, s29, $0xb8;
	[tilespmem:$0x1CA80] =	vst v63  }
0x8b: {  	_ = 	snop  }
0x8c: {  	[tilespmem:s21], [sflag:$0xA] =	stream.linear.gather [hbm4b:s9+s3], $0x80, $0x38;
	[tilespmem:$0x1CA80] =	vst v63  }
0x8d: {  	_ =	swait.ge [sflag:s15], $0x80  }
0x8e: {  	[sflag:s15] =	ssyncset.done $0x0  }
0x8f: {  	[sflag:s15] =	ssyncadd.s32 $0xFFFFFF80  }
0x90: {  	_ =	swait.ge [sflag:s12], $0x2000  }
0x91: {  	[sflag:s12] =	ssyncset.done $0x0  }
0x92: {  	s16 =	simm.s32 @p1 $0x7;
	[sflag:s12] =	ssyncadd.s32 $0xFFFFE000  }
0x93: {  	[spmem:s2] =	stream.indirect.scatter.add.f32 [tilespmem:s10], [sflag:$0xB], $0x40, s11, s29, $0xb8;
	[tilespmem:$0x1CA80] =	vst v63  }
0x94: {  	_ =	swait.ge @p1 [sflag:s16], $0x80  }
0x95: {  	[sflag:s16] =	ssyncset.done @p1 $0x0  }
0x96: {  	s17 =	simm.s32 @p1 $0x2;
	[sflag:s16] =	ssyncadd.s32 @p1 $0xFFFFFF80  }
0x97: {  	_ =	swait.ge @p1 [sflag:s17], $0x2000  }
0x98: {  	s0 =	simm.s32 @p1 $0x7280;
	s23 =	simm.s32 @!p1 $0x80;
	[sflag:s17] =	ssyncset.done @p1 $0x0  }
0x99: {  	s1 =	simm.s32 @p1 $0x80;
	s6 =	simm.s32 @p1 $0x5080;
	[sflag:s17] =	ssyncadd.s32 @p1 $0xFFFFE000  }
0x9a: {  	[spmem:s2] =	stream.indirect.scatter.add.f32 @p1 [tilespmem:s0], [sflag:$0xB], $0x40, s6, s1, $0xb8;
	[tilespmem:$0x1CA80] =	vst v63  }
0x9b: {  	s7 =	simm.s32 @!p1 $0xFA80;
	s19 =	simm.s32 @!p1 $0x7;
	s0 =	simm.s32 @!p1 $0x5000  }
0x9c: {  	[spmem:s4] =	stream.indirect.scatter.add.f32 @!p1 [tilespmem:s7], [sflag:$0xC], $0x10, s0, s23, $0xb8;
	[tilespmem:$0x1CA80] =	vst v63  }
0x9d: {  	_ =	swait.ge @!p1 [sflag:s19], $0x80  }
0x9e: {  	[sflag:s19] =	ssyncset.done @!p1 $0x0  }
0x9f: {  	s8 =	simm.s32 @!p1 $0x2;
	[sflag:s19] =	ssyncadd.s32 @!p1 $0xFFFFFF80  }
0xa0: {  	_ =	swait.ge @!p1 [sflag:s8], $0x2000  }
0xa1: {  	[sflag:s8] =	ssyncset.done @!p1 $0x0  }
0xa2: {  	s6 =	simm.s32 @!p1 $0x7280;
	s0 =	simm.s32 @!p1 $0x5080;
	[sflag:s8] =	ssyncadd.s32 @!p1 $0xFFFFE000  }
0xa3: {  	[spmem:s2] =	stream.indirect.scatter.add.f32 @!p1 [tilespmem:s6], [sflag:$0xB], $0x40, s0, s23, $0xb8;
	[tilespmem:$0x1CA80] =	vst v63  }
0xa4: {  	_ = 	snop  }
0xa5: {  	[spmem:s4] =	stream.indirect.scatter.add.f32 @!p1 [tilespmem:s7], [sflag:$0xC], $0x10, s0, s23, $0xb8;
	[tilespmem:$0x1CA80] =	vst v63  }
0xa6: {  	_ =	swait.ge [sflag:s13], $0x80  }
0xa7: {  	[sflag:s13] =	ssyncset.done $0x0  }
0xa8: {  	[sflag:s13] =	ssyncadd.s32 $0xFFFFFF80  }
0xa9: {  	_ =	swait.ge [sflag:s14], $0x2000  }
0xaa: {  	[sflag:s14] =	ssyncset.done $0x0  }
0xab: {  	s15 =	simm.s32 @p1 $0x9;
	[sflag:s14] =	ssyncadd.s32 $0xFFFFE000  }
0xac: {  	[spmem:s2] =	stream.indirect.scatter.add.f32 [tilespmem:s22], [sflag:$0xB], $0x40, s24, s29, $0xb8;
	[tilespmem:$0x1CA80] =	vst v63  }
0xad: {  	_ =	swait.ge @p1 [sflag:s15], $0x80  }
0xae: {  	[sflag:s15] =	ssyncset.done @p1 $0x0  }
0xaf: {  	s25 =	simm.s32 @p1 $0x4;
	[sflag:s15] =	ssyncadd.s32 @p1 $0xFFFFFF80  }
0xb0: {  	_ =	swait.ge @p1 [sflag:s25], $0x2000  }
0xb1: {  	[sflag:s25] =	ssyncset.done @p1 $0x0  }
0xb2: {  	s6 =	simm.s32 @p1 $0xB280;
	s0 =	simm.s32 @p1 $0x5180;
	[sflag:s25] =	ssyncadd.s32 @p1 $0xFFFFE000  }
0xb3: {  	[spmem:s2] =	stream.indirect.scatter.add.f32 @p1 [tilespmem:s6], [sflag:$0xB], $0x40, s0, s1, $0xb8;
	[tilespmem:$0x1CA80] =	vst v63  }
0xb4: {  	s26 =	simm.s32 @!p1 $0x9;
	s0 =	simm.s32 @!p1 $0x5100  }
0xb5: {  	[spmem:s4] =	stream.indirect.scatter.add.f32 @!p1 [tilespmem:s7], [sflag:$0xC], $0x10, s0, s23, $0xb8;
	[tilespmem:$0x1CA80] =	vst v63  }
0xb6: {  	_ =	swait.ge @!p1 [sflag:s26], $0x80  }
0xb7: {  	[sflag:s26] =	ssyncset.done @!p1 $0x0  }
0xb8: {  	s30 =	simm.s32 @!p1 $0x4;
	[sflag:s26] =	ssyncadd.s32 @!p1 $0xFFFFFF80  }
0xb9: {  	_ =	swait.ge @!p1 [sflag:s30], $0x2000  }
0xba: {  	[sflag:s30] =	ssyncset.done @!p1 $0x0  }
0xbb: {  	s1 =	simm.s32 @!p1 $0xB280;
	s0 =	simm.s32 @!p1 $0x5180;
	[sflag:s30] =	ssyncadd.s32 @!p1 $0xFFFFE000  }
0xbc: {  	[spmem:s2] =	stream.indirect.scatter.add.f32 @!p1 [tilespmem:s1], [sflag:$0xB], $0x40, s0, s23, $0xb8;
	[tilespmem:$0x1CA80] =	vst v63  }
0xbd: {  	s22 =	simm.s32 $0xA  }
0xbe: {  	[spmem:s4] =	stream.indirect.scatter.add.f32 @!p1 [tilespmem:s7], [sflag:$0xC], $0x10, s0, s23, $0xb8;
	[tilespmem:$0x1CA80] =	vst v63  }
0xbf: {  	_ =	swait.ge [sflag:s22], $0x80  }
0xc0: {  	[sflag:s22] =	ssyncset.done $0x0  }
0xc1: {  	s24 =	simm.s32 $0x5;
	[sflag:s22] =	ssyncadd.s32 $0xFFFFFF80  }
0xc2: {  	_ =	swait.ge [sflag:s24], $0x2000  }
0xc3: {  	[sflag:s24] =	ssyncset.done $0x0  }
0xc4: {  	s1 =	simm.s32 @p1 $0xB;
	[sflag:s24] =	ssyncadd.s32 $0xFFFFE000  }
0xc5: {  	[spmem:s2] =	stream.indirect.scatter.add.f32 [tilespmem:s28], [sflag:$0xB], $0x40, s21, s29, $0xb8;
	[tilespmem:$0x1CA80] =	vst v63  }
0xc6: {  	_ =	swait.ge @p1 [sflag:s1], $0x2000  }
0xc7: {  	[sflag:s1] =	ssyncset.done @p1 $0x0  }
0xc8: {  	[sflag:s1] =	ssyncadd.s32 @p1 $0xFFFFE000  }
0xc9: {  	_ =	swait.ge @p1 [sflag:s1], $0x2000  }
0xca: {  	[sflag:s1] =	ssyncset.done @p1 $0x0  }
0xcb: {  	[sflag:s1] =	ssyncadd.s32 @p1 $0xFFFFE000  }
0xcc: {  	_ =	swait.ge @p1 [sflag:s1], $0x2000  }
0xcd: {  	[sflag:s1] =	ssyncset.done @p1 $0x0  }
0xce: {  	[sflag:s1] =	ssyncadd.s32 @p1 $0xFFFFE000  }
0xcf: {  	_ =	swait.ge @p1 [sflag:s1], $0x2000  }
0xd0: {  	[sflag:s1] =	ssyncset.done @p1 $0x0  }
0xd1: {  	[sflag:s1] =	ssyncadd.s32 @p1 $0xFFFFE000  }
0xd2: {  	_ =	swait.ge @p1 [sflag:s1], $0x2000  }
0xd3: {  	[sflag:s1] =	ssyncset.done @p1 $0x0  }
0xd4: {  	s0 =	simm.s32 @!p1 $0x5200;
	s22 =	simm.s32 @!p1 $0xB;
	[sflag:s1] =	ssyncadd.s32 @p1 $0xFFFFE000  }
0xd5: {  	[spmem:s4] =	stream.indirect.scatter.add.f32 @!p1 [tilespmem:s7], [sflag:$0xC], $0x10, s0, s23, $0xb8;
	[tilespmem:$0x1CA80] =	vst v63  }
0xd6: {  	_ =	swait.ge @!p1 [sflag:s22], $0x2000  }
0xd7: {  	[sflag:s22] =	ssyncset.done @!p1 $0x0  }
0xd8: {  	s18 =	simm.s32 @!p1 $0xC;
	[sflag:s22] =	ssyncadd.s32 @!p1 $0xFFFFE000  }
0xd9: {  	_ =	swait.ge @!p1 [sflag:s18], $0x800  }
0xda: {  	[sflag:s18] =	ssyncset.done @!p1 $0x0  }
0xdb: {  	[sflag:s18] =	ssyncadd.s32 @!p1 $0xFFFFF800  }
0xdc: {  	_ =	swait.ge @!p1 [sflag:s22], $0x2000  }
0xdd: {  	[sflag:s22] =	ssyncset.done @!p1 $0x0  }
0xde: {  	[sflag:s22] =	ssyncadd.s32 @!p1 $0xFFFFE000  }
0xdf: {  	_ =	swait.ge @!p1 [sflag:s18], $0x800  }
0xe0: {  	[sflag:s18] =	ssyncset.done @!p1 $0x0  }
0xe1: {  	[sflag:s18] =	ssyncadd.s32 @!p1 $0xFFFFF800  }
0xe2: {  	_ =	swait.ge @!p1 [sflag:s22], $0x2000  }
0xe3: {  	[sflag:s22] =	ssyncset.done @!p1 $0x0  }
0xe4: {  	[sflag:s22] =	ssyncadd.s32 @!p1 $0xFFFFE000  }
0xe5: {  	_ =	swait.ge @!p1 [sflag:s18], $0x800  }
0xe6: {  	[sflag:s18] =	ssyncset.done @!p1 $0x0  }
0xe7: {  	[sflag:s18] =	ssyncadd.s32 @!p1 $0xFFFFF800  }
0xe8: {  	_ =	swait.ge @!p1 [sflag:s22], $0x2000  }
0xe9: {  	[sflag:s22] =	ssyncset.done @!p1 $0x0  }
0xea: {  	[sflag:s22] =	ssyncadd.s32 @!p1 $0xFFFFE000  }
0xeb: {  	_ =	swait.ge @!p1 [sflag:s18], $0x800  }
0xec: {  	[sflag:s18] =	ssyncset.done @!p1 $0x0  }
0xed: {  	[sflag:s18] =	ssyncadd.s32 @!p1 $0xFFFFF800  }
0xee: {  	_ =	swait.ge @!p1 [sflag:s22], $0x2000  }
0xef: {  	[sflag:s22] =	ssyncset.done @!p1 $0x0  }
0xf0: {  	[sflag:s22] =	ssyncadd.s32 @!p1 $0xFFFFE000  }
0xf1: {  	s13 =	simm.s32 $0x8;
	s24 =	simm.s32 $0xA00;
	_ =	swait.ge @!p1 [sflag:s18], $0x800  }
0xf2: {  	s21 =	sadd.s32 $0x50, s9;
	s0 =	simm.s32 $0x1400;
	[sflag:s18] =	ssyncset.done @!p1 $0x0  }
.LBB2_6:
0xf3: {  	s6 =	sshra.s32 s24, $0x2;
	[sflag:s18] =	ssyncadd.s32 @!p1 $0xFFFFF800  }
0xf4: {  	[tilespmem:s10], [sflag:$0x1] =	stream.indirect.gather [hbm4b:s5+s29], $0x40, s6, s29, $0xb8;
	[tilespmem:$0x1CA80] =	vst v63  }
0xf5: {  	s9 =	sadd.s32 $0xFFFFFFC0, s21  }
0xf6: {  	[tilespmem:s11], [sflag:$0x6] =	stream.linear.gather [hbm4b:s9+s3], $0x80, $0x38;
	[tilespmem:$0x1CA80] =	vst v63  }
0xf7: {  	s12 =	rddreg [dreg:$0x4];
	s14 =	sadd.s32 $0x80, s6  }
0xf8: {  	[tilespmem:s12], [sflag:$0x2] =	stream.indirect.gather [hbm4b:s5+s29], $0x40, s14, s29, $0xb8;
	[tilespmem:$0x1CA80] =	vst v63  }
0xf9: {  	s28 =	rddreg [dreg:$0x5];
	s10 =	sadd.s32 $0xFFFFFFD0, s21  }
0xfa: {  	[tilespmem:s28], [sflag:$0x7] =	stream.linear.gather [hbm4b:s10+s3], $0x80, $0x38;
	[tilespmem:$0x1CA80] =	vst v63  }
0xfb: {  	s12 =	sadd.s32 $0x100, s6  }
0xfc: {  	[tilespmem:s31], [sflag:$0x3] =	stream.indirect.gather [hbm4b:s5+s29], $0x40, s12, s29, $0xb8;
	[tilespmem:$0x1CA80] =	vst v63  }
0xfd: {  	s14 =	sadd.s32 $0xFFFFFFE0, s21;
	s12 =	simm.s32 $0x5100  }
0xfe: {  	[tilespmem:s12], [sflag:$0x8] =	stream.linear.gather [hbm4b:s14+s3], $0x80, $0x38;
	[tilespmem:$0x1CA80] =	vst v63  }
0xff: {  	s11 =	sadd.s32 $0x180, s6;
	s28 =	rddreg [dreg:$0x6]  }
0x100: {  	[tilespmem:s28], [sflag:$0x4] =	stream.indirect.gather [hbm4b:s5+s29], $0x40, s11, s29, $0xb8;
	[tilespmem:$0x1CA80] =	vst v63  }
0x101: {  	s14 =	rddreg [dreg:$0x7];
	s28 =	sadd.s32 $0xFFFFFFF0, s21  }
0x102: {  	[tilespmem:s14], [sflag:$0x9] =	stream.linear.gather [hbm4b:s28+s3], $0x80, $0x38;
	[tilespmem:$0x1CA80] =	vst v63  }
0x103: {  	s9 =	simm.s32 $0xD280;
	s6 =	sadd.s32 $0x200, s6  }
0x104: {  	[tilespmem:s9], [sflag:$0x5] =	stream.indirect.gather [hbm4b:s5+s29], $0x40, s6, s29, $0xb8;
	[tilespmem:$0x1CA80] =	vst v63  }
0x105: {  	s14 =	simm.s32 $0x5200  }
0x106: {  	[tilespmem:s14], [sflag:$0xA] =	stream.linear.gather [hbm4b:s21+s3], $0x80, $0x38;
	[tilespmem:$0x1CA80] =	vst v63  }
0x107: {  	_ =	swait.ge [sflag:s20], $0x80  }
0x108: {  	[sflag:s20] =	ssyncset.done $0x0  }
0x109: {  	s6 =	simm.s32 $0x1;
	[sflag:s20] =	ssyncadd.s32 $0xFFFFFF80  }
0x10a: {  	_ =	swait.ge [sflag:s6], $0x2000  }
0x10b: {  	[sflag:s6] =	ssyncset.done $0x0  }
0x10c: {  	s10 =	simm.s32 $0x5280;
	s11 =	simm.s32 $0x5000;
	[sflag:s6] =	ssyncadd.s32 $0xFFFFE000  }
0x10d: {  	[spmem:s2] =	stream.indirect.scatter.add.f32 [tilespmem:s10], [sflag:$0xB], $0x40, s11, s29, $0xb8;
	[tilespmem:$0x1CA80] =	vst v63  }
0x10e: {  	_ =	swait.ge @p1 [sflag:s16], $0x80  }
0x10f: {  	[sflag:s16] =	ssyncset.done @p1 $0x0  }
0x110: {  	[sflag:s16] =	ssyncadd.s32 @p1 $0xFFFFFF80  }
0x111: {  	_ =	swait.ge @p1 [sflag:s17], $0x2000  }
0x112: {  	s28 =	simm.s32 @p1 $0x5080;
	[sflag:s17] =	ssyncset.done @p1 $0x0  }
0x113: {  	s3 =	simm.s32 @p1 $0x80;
	s6 =	simm.s32 @p1 $0x7280;
	[sflag:s17] =	ssyncadd.s32 @p1 $0xFFFFE000  }
0x114: {  	[spmem:s2] =	stream.indirect.scatter.add.f32 @p1 [tilespmem:s6], [sflag:$0xB], $0x40, s28, s3, $0xb8;
	[tilespmem:$0x1CA80] =	vst v63  }
0x115: {  	s6 =	simm.s32 @!p1 $0x5000  }
0x116: {  	[spmem:s4] =	stream.indirect.scatter.add.f32 @!p1 [tilespmem:s7], [sflag:$0xC], $0x10, s6, s23, $0xb8;
	[tilespmem:$0x1CA80] =	vst v63  }
0x117: {  	_ =	swait.ge @!p1 [sflag:s19], $0x80  }
0x118: {  	[sflag:s19] =	ssyncset.done @!p1 $0x0  }
0x119: {  	[sflag:s19] =	ssyncadd.s32 @!p1 $0xFFFFFF80  }
0x11a: {  	_ =	swait.ge @!p1 [sflag:s8], $0x2000  }
0x11b: {  	[sflag:s8] =	ssyncset.done @!p1 $0x0  }
0x11c: {  	s28 =	simm.s32 @!p1 $0x7280;
	s6 =	simm.s32 @!p1 $0x5080;
	[sflag:s8] =	ssyncadd.s32 @!p1 $0xFFFFE000  }
0x11d: {  	[spmem:s2] =	stream.indirect.scatter.add.f32 @!p1 [tilespmem:s28], [sflag:$0xB], $0x40, s6, s23, $0xb8;
	[tilespmem:$0x1CA80] =	vst v63  }
0x11e: {  	_ = 	snop  }
0x11f: {  	[spmem:s4] =	stream.indirect.scatter.add.f32 @!p1 [tilespmem:s7], [sflag:$0xC], $0x10, s6, s23, $0xb8;
	[tilespmem:$0x1CA80] =	vst v63  }
0x120: {  	_ =	swait.ge [sflag:s13], $0x80  }
0x121: {  	[sflag:s13] =	ssyncset.done $0x0  }
0x122: {  	s28 =	simm.s32 $0x3;
	[sflag:s13] =	ssyncadd.s32 $0xFFFFFF80  }
0x123: {  	_ =	swait.ge [sflag:s28], $0x2000  }
0x124: {  	[sflag:s28] =	ssyncset.done $0x0  }
0x125: {  	[sflag:s28] =	ssyncadd.s32 $0xFFFFE000  }
0x126: {  	[spmem:s2] =	stream.indirect.scatter.add.f32 [tilespmem:s31], [sflag:$0xB], $0x40, s12, s29, $0xb8;
	[tilespmem:$0x1CA80] =	vst v63  }
0x127: {  	_ =	swait.ge @p1 [sflag:s15], $0x80  }
0x128: {  	[sflag:s15] =	ssyncset.done @p1 $0x0  }
0x129: {  	[sflag:s15] =	ssyncadd.s32 @p1 $0xFFFFFF80  }
0x12a: {  	_ =	swait.ge @p1 [sflag:s25], $0x2000  }
0x12b: {  	[sflag:s25] =	ssyncset.done @p1 $0x0  }
0x12c: {  	s6 =	simm.s32 @p1 $0x5180;
	s12 =	simm.s32 @p1 $0xB280;
	[sflag:s25] =	ssyncadd.s32 @p1 $0xFFFFE000  }
0x12d: {  	[spmem:s2] =	stream.indirect.scatter.add.f32 @p1 [tilespmem:s12], [sflag:$0xB], $0x40, s6, s3, $0xb8;
	[tilespmem:$0x1CA80] =	vst v63  }
0x12e: {  	s6 =	simm.s32 @!p1 $0x5100  }
0x12f: {  	[spmem:s4] =	stream.indirect.scatter.add.f32 @!p1 [tilespmem:s7], [sflag:$0xC], $0x10, s6, s23, $0xb8;
	[tilespmem:$0x1CA80] =	vst v63  }
0x130: {  	_ =	swait.ge @!p1 [sflag:s26], $0x80  }
0x131: {  	[sflag:s26] =	ssyncset.done @!p1 $0x0  }
0x132: {  	[sflag:s26] =	ssyncadd.s32 @!p1 $0xFFFFFF80  }
0x133: {  	_ =	swait.ge @!p1 [sflag:s30], $0x2000  }
0x134: {  	[sflag:s30] =	ssyncset.done @!p1 $0x0  }
0x135: {  	s12 =	simm.s32 @!p1 $0xB280;
	s6 =	simm.s32 @!p1 $0x5180;
	[sflag:s30] =	ssyncadd.s32 @!p1 $0xFFFFE000  }
0x136: {  	[spmem:s2] =	stream.indirect.scatter.add.f32 @!p1 [tilespmem:s12], [sflag:$0xB], $0x40, s6, s23, $0xb8;
	[tilespmem:$0x1CA80] =	vst v63  }
0x137: {  	s12 =	simm.s32 $0xA  }
0x138: {  	[spmem:s4] =	stream.indirect.scatter.add.f32 @!p1 [tilespmem:s7], [sflag:$0xC], $0x10, s6, s23, $0xb8;
	[tilespmem:$0x1CA80] =	vst v63  }
0x139: {  	_ =	swait.ge [sflag:s12], $0x80  }
0x13a: {  	[sflag:s12] =	ssyncset.done $0x0  }
0x13b: {  	s28 =	simm.s32 $0x5;
	[sflag:s12] =	ssyncadd.s32 $0xFFFFFF80  }
0x13c: {  	_ =	swait.ge [sflag:s28], $0x2000  }
0x13d: {  	[sflag:s28] =	ssyncset.done $0x0  }
0x13e: {  	[sflag:s28] =	ssyncadd.s32 $0xFFFFE000  }
0x13f: {  	[spmem:s2] =	stream.indirect.scatter.add.f32 [tilespmem:s9], [sflag:$0xB], $0x40, s14, s29, $0xb8;
	[tilespmem:$0x1CA80] =	vst v63  }
0x140: {  	_ =	swait.ge @p1 [sflag:s1], $0x2000  }
0x141: {  	[sflag:s1] =	ssyncset.done @p1 $0x0  }
0x142: {  	[sflag:s1] =	ssyncadd.s32 @p1 $0xFFFFE000  }
0x143: {  	_ =	swait.ge @p1 [sflag:s1], $0x2000  }
0x144: {  	[sflag:s1] =	ssyncset.done @p1 $0x0  }
0x145: {  	[sflag:s1] =	ssyncadd.s32 @p1 $0xFFFFE000  }
0x146: {  	_ =	swait.ge @p1 [sflag:s1], $0x2000  }
0x147: {  	[sflag:s1] =	ssyncset.done @p1 $0x0  }
0x148: {  	[sflag:s1] =	ssyncadd.s32 @p1 $0xFFFFE000  }
0x149: {  	_ =	swait.ge @p1 [sflag:s1], $0x2000  }
0x14a: {  	[sflag:s1] =	ssyncset.done @p1 $0x0  }
0x14b: {  	[sflag:s1] =	ssyncadd.s32 @p1 $0xFFFFE000  }
0x14c: {  	_ =	swait.ge @p1 [sflag:s1], $0x2000  }
0x14d: {  	[sflag:s1] =	ssyncset.done @p1 $0x0  }
0x14e: {  	s6 =	simm.s32 @!p1 $0x5200;
	[sflag:s1] =	ssyncadd.s32 @p1 $0xFFFFE000  }
0x14f: {  	[spmem:s4] =	stream.indirect.scatter.add.f32 @!p1 [tilespmem:s7], [sflag:$0xC], $0x10, s6, s23, $0xb8;
	[tilespmem:$0x1CA80] =	vst v63  }
0x150: {  	_ =	swait.ge @!p1 [sflag:s22], $0x2000  }
0x151: {  	[sflag:s22] =	ssyncset.done @!p1 $0x0  }
0x152: {  	[sflag:s22] =	ssyncadd.s32 @!p1 $0xFFFFE000  }
0x153: {  	_ =	swait.ge @!p1 [sflag:s18], $0x800  }
0x154: {  	[sflag:s18] =	ssyncset.done @!p1 $0x0  }
0x155: {  	[sflag:s18] =	ssyncadd.s32 @!p1 $0xFFFFF800  }
0x156: {  	_ =	swait.ge @!p1 [sflag:s22], $0x2000  }
0x157: {  	[sflag:s22] =	ssyncset.done @!p1 $0x0  }
0x158: {  	[sflag:s22] =	ssyncadd.s32 @!p1 $0xFFFFE000  }
0x159: {  	_ =	swait.ge @!p1 [sflag:s18], $0x800  }
0x15a: {  	[sflag:s18] =	ssyncset.done @!p1 $0x0  }
0x15b: {  	[sflag:s18] =	ssyncadd.s32 @!p1 $0xFFFFF800  }
0x15c: {  	_ =	swait.ge @!p1 [sflag:s22], $0x2000  }
0x15d: {  	[sflag:s22] =	ssyncset.done @!p1 $0x0  }
0x15e: {  	[sflag:s22] =	ssyncadd.s32 @!p1 $0xFFFFE000  }
0x15f: {  	_ =	swait.ge @!p1 [sflag:s18], $0x800  }
0x160: {  	[sflag:s18] =	ssyncset.done @!p1 $0x0  }
0x161: {  	[sflag:s18] =	ssyncadd.s32 @!p1 $0xFFFFF800  }
0x162: {  	_ =	swait.ge @!p1 [sflag:s22], $0x2000  }
0x163: {  	[sflag:s22] =	ssyncset.done @!p1 $0x0  }
0x164: {  	[sflag:s22] =	ssyncadd.s32 @!p1 $0xFFFFE000  }
0x165: {  	_ =	swait.ge @!p1 [sflag:s18], $0x800  }
0x166: {  	s24 =	smov.u32 s0;
	s0 =	sadd.s32 $0xA00, s0;
	[sflag:s18] =	ssyncset.done @!p1 $0x0  }
0x167: {  	p4 =	sne.s32 s0, $0x14000;
	[sflag:s18] =	ssyncadd.s32 @!p1 $0xFFFFF800  }
.Ltmp2:
0x168: {  	_ =	swait.ge @!p1 [sflag:s22], $0x2000;
	(pc) =	sbr.rel @p4 .LBB2_6-.Ltmp2, $4  }
0x169: {  	[sflag:s22] =	ssyncset.done @!p1 $0x0  }
0x16a: {  	[sflag:s22] =	ssyncadd.s32 @!p1 $0xFFFFE000  }
0x16b: {  	_ =	swait.ge @!p1 [sflag:s18], $0x800  }
0x16c: {  	s21 =	sadd.s32 $0x50, s21;
	s3 =	simm.s32 $0x0;
	[sflag:s18] =	ssyncset.done @!p1 $0x0  }
0x16d: {  	s0 =	sshra.s32 s24, $0x2;
	[sflag:s18] =	ssyncadd.s32 @!p1 $0xFFFFF800  }
0x16e: {  	[tilespmem:s10], [sflag:$0x1] =	stream.indirect.gather [hbm4b:s5+s29], $0x40, s0, s29, $0xb8;
	[tilespmem:$0x1CA80] =	vst v63  }
0x16f: {  	s1 =	sadd.s32 $0xFFFFFFC0, s21  }
0x170: {  	[tilespmem:s11], [sflag:$0x6] =	stream.linear.gather [hbm4b:s1+s3], $0x80, $0x38;
	[tilespmem:$0x1CA80] =	vst v63  }
0x171: {  	s6 =	rddreg [dreg:$0x4];
	s8 =	sadd.s32 $0x80, s0  }
0x172: {  	[tilespmem:s6], [sflag:$0x2] =	stream.indirect.gather [hbm4b:s5+s29], $0x40, s8, s29, $0xb8;
	[tilespmem:$0x1CA80] =	vst v63  }
0x173: {  	s7 =	rddreg [dreg:$0x5];
	s9 =	sadd.s32 $0xFFFFFFD0, s21  }
0x174: {  	[tilespmem:s7], [sflag:$0x7] =	stream.linear.gather [hbm4b:s9+s3], $0x80, $0x38;
	[tilespmem:$0x1CA80] =	vst v63  }
0x175: {  	s15 =	simm.s32 $0x9280;
	s12 =	sadd.s32 $0x100, s0  }
0x176: {  	[tilespmem:s15], [sflag:$0x3] =	stream.indirect.gather [hbm4b:s5+s29], $0x40, s12, s29, $0xb8;
	[tilespmem:$0x1CA80] =	vst v63  }
0x177: {  	s14 =	sadd.s32 $0xFFFFFFE0, s21;
	s12 =	simm.s32 $0x5100  }
0x178: {  	[tilespmem:s12], [sflag:$0x8] =	stream.linear.gather [hbm4b:s14+s3], $0x80, $0x38;
	[tilespmem:$0x1CA80] =	vst v63  }
0x179: {  	s16 =	rddreg [dreg:$0x6];
	s17 =	sadd.s32 $0x180, s0  }
0x17a: {  	[tilespmem:s16], [sflag:$0x4] =	stream.indirect.gather [hbm4b:s5+s29], $0x40, s17, s29, $0xb8;
	[tilespmem:$0x1CA80] =	vst v63  }
0x17b: {  	s18 =	rddreg [dreg:$0x7];
	s19 =	sadd.s32 $0xFFFFFFF0, s21  }
0x17c: {  	[tilespmem:s18], [sflag:$0x9] =	stream.linear.gather [hbm4b:s19+s3], $0x80, $0x38;
	[tilespmem:$0x1CA80] =	vst v63  }
0x17d: {  	s0 =	sadd.s32 $0x200, s0;
	s9 =	simm.s32 $0xD280  }
0x17e: {  	[tilespmem:s9], [sflag:$0x5] =	stream.indirect.gather [hbm4b:s5+s29], $0x40, s0, s29, $0xb8;
	[tilespmem:$0x1CA80] =	vst v63  }
0x17f: {  	s14 =	simm.s32 $0x5200  }
0x180: {  	[tilespmem:s14], [sflag:$0xA] =	stream.linear.gather [hbm4b:s21+s3], $0x80, $0x38;
	[tilespmem:$0x1CA80] =	vst v63  }
0x181: {  	_ =	swait.ge [sflag:s20], $0x80  }
0x182: {  	[sflag:s20] =	ssyncset.done $0x0  }
0x183: {  	s22 =	simm.s32 $0x1;
	[sflag:s20] =	ssyncadd.s32 $0xFFFFFF80  }
0x184: {  	_ =	swait.ge [sflag:s22], $0x2000  }
0x185: {  	[sflag:s22] =	ssyncset.done $0x0  }
0x186: {  	s0 =	simm.s32 @p1 $0x7;
	[sflag:s22] =	ssyncadd.s32 $0xFFFFE000  }
0x187: {  	[spmem:s2] =	stream.indirect.scatter.add.f32 [tilespmem:s10], [sflag:$0xB], $0x40, s11, s29, $0xb8;
	[tilespmem:$0x1CA80] =	vst v63  }
0x188: {  	_ =	swait.ge @p1 [sflag:s0], $0x80  }
0x189: {  	[sflag:s0] =	ssyncset.done @p1 $0x0  }
0x18a: {  	[sflag:s0] =	ssyncadd.s32 @p1 $0xFFFFFF80;
	s0 =	simm.s32 @p1 $0x2  }
0x18b: {  	_ =	swait.ge @p1 [sflag:s0], $0x2000  }
0x18c: {  	s1 =	simm.s32 @p1 $0x7280;
	s6 =	simm.s32 @!p1 $0x7;
	[sflag:s0] =	ssyncset.done @p1 $0x0  }
0x18d: {  	s7 =	simm.s32 @p1 $0x80;
	[sflag:s0] =	ssyncadd.s32 @p1 $0xFFFFE000;
	s0 =	simm.s32 @p1 $0x5080  }
0x18e: {  	[spmem:s2] =	stream.indirect.scatter.add.f32 @p1 [tilespmem:s1], [sflag:$0xB], $0x40, s0, s7, $0xb8;
	[tilespmem:$0x1CA80] =	vst v63  }
0x18f: {  	s8 =	simm.s32 @!p1 $0x5000;
	s0 =	simm.s32 @!p1 $0x80;
	s1 =	simm.s32 @!p1 $0xFA80  }
0x190: {  	[spmem:s4] =	stream.indirect.scatter.add.f32 @!p1 [tilespmem:s1], [sflag:$0xC], $0x10, s8, s0, $0xb8;
	[tilespmem:$0x1CA80] =	vst v63  }
0x191: {  	_ =	swait.ge @!p1 [sflag:s6], $0x80  }
0x192: {  	[sflag:s6] =	ssyncset.done @!p1 $0x0  }
0x193: {  	[sflag:s6] =	ssyncadd.s32 @!p1 $0xFFFFFF80;
	s6 =	simm.s32 @!p1 $0x2  }
0x194: {  	_ =	swait.ge @!p1 [sflag:s6], $0x2000  }
0x195: {  	[sflag:s6] =	ssyncset.done @!p1 $0x0  }
0x196: {  	s8 =	simm.s32 @!p1 $0x7280;
	[sflag:s6] =	ssyncadd.s32 @!p1 $0xFFFFE000;
	s6 =	simm.s32 @!p1 $0x5080  }
0x197: {  	[spmem:s2] =	stream.indirect.scatter.add.f32 @!p1 [tilespmem:s8], [sflag:$0xB], $0x40, s6, s0, $0xb8;
	[tilespmem:$0x1CA80] =	vst v63  }
0x198: {  	_ = 	snop  }
0x199: {  	[spmem:s4] =	stream.indirect.scatter.add.f32 @!p1 [tilespmem:s1], [sflag:$0xC], $0x10, s6, s0, $0xb8;
	[tilespmem:$0x1CA80] =	vst v63  }
0x19a: {  	_ =	swait.ge [sflag:s13], $0x80  }
0x19b: {  	[sflag:s13] =	ssyncset.done $0x0  }
0x19c: {  	s23 =	simm.s32 $0x3;
	[sflag:s13] =	ssyncadd.s32 $0xFFFFFF80  }
0x19d: {  	_ =	swait.ge [sflag:s23], $0x2000  }
0x19e: {  	[sflag:s23] =	ssyncset.done $0x0  }
0x19f: {  	s6 =	simm.s32 @p1 $0x9;
	[sflag:s23] =	ssyncadd.s32 $0xFFFFE000  }
0x1a0: {  	[spmem:s2] =	stream.indirect.scatter.add.f32 [tilespmem:s15], [sflag:$0xB], $0x40, s12, s29, $0xb8;
	[tilespmem:$0x1CA80] =	vst v63  }
0x1a1: {  	_ =	swait.ge @p1 [sflag:s6], $0x80  }
0x1a2: {  	[sflag:s6] =	ssyncset.done @p1 $0x0  }
0x1a3: {  	[sflag:s6] =	ssyncadd.s32 @p1 $0xFFFFFF80;
	s6 =	simm.s32 @p1 $0x4  }
0x1a4: {  	_ =	swait.ge @p1 [sflag:s6], $0x2000  }
0x1a5: {  	[sflag:s6] =	ssyncset.done @p1 $0x0  }
0x1a6: {  	s8 =	simm.s32 @p1 $0xB280;
	[sflag:s6] =	ssyncadd.s32 @p1 $0xFFFFE000;
	s6 =	simm.s32 @p1 $0x5180  }
0x1a7: {  	[spmem:s2] =	stream.indirect.scatter.add.f32 @p1 [tilespmem:s8], [sflag:$0xB], $0x40, s6, s7, $0xb8;
	[tilespmem:$0x1CA80] =	vst v63  }
0x1a8: {  	s6 =	simm.s32 @!p1 $0x5100;
	s7 =	simm.s32 @!p1 $0x9  }
0x1a9: {  	[spmem:s4] =	stream.indirect.scatter.add.f32 @!p1 [tilespmem:s1], [sflag:$0xC], $0x10, s6, s0, $0xb8;
	[tilespmem:$0x1CA80] =	vst v63  }
0x1aa: {  	_ =	swait.ge @!p1 [sflag:s7], $0x80  }
0x1ab: {  	[sflag:s7] =	ssyncset.done @!p1 $0x0  }
0x1ac: {  	s6 =	simm.s32 @!p1 $0x4;
	[sflag:s7] =	ssyncadd.s32 @!p1 $0xFFFFFF80  }
0x1ad: {  	_ =	swait.ge @!p1 [sflag:s6], $0x2000  }
0x1ae: {  	[sflag:s6] =	ssyncset.done @!p1 $0x0  }
0x1af: {  	s7 =	simm.s32 @!p1 $0xB280;
	[sflag:s6] =	ssyncadd.s32 @!p1 $0xFFFFE000;
	s6 =	simm.s32 @!p1 $0x5180  }
0x1b0: {  	[spmem:s2] =	stream.indirect.scatter.add.f32 @!p1 [tilespmem:s7], [sflag:$0xB], $0x40, s6, s0, $0xb8;
	[tilespmem:$0x1CA80] =	vst v63  }
0x1b1: {  	s24 =	simm.s32 $0xA  }
0x1b2: {  	[spmem:s4] =	stream.indirect.scatter.add.f32 @!p1 [tilespmem:s1], [sflag:$0xC], $0x10, s6, s0, $0xb8;
	[tilespmem:$0x1CA80] =	vst v63  }
0x1b3: {  	_ =	swait.ge [sflag:s24], $0x80  }
0x1b4: {  	[sflag:s24] =	ssyncset.done $0x0  }
0x1b5: {  	s25 =	simm.s32 $0x5;
	[sflag:s24] =	ssyncadd.s32 $0xFFFFFF80  }
0x1b6: {  	_ =	swait.ge [sflag:s25], $0x2000  }
0x1b7: {  	[sflag:s25] =	ssyncset.done $0x0  }
0x1b8: {  	s6 =	simm.s32 @p1 $0xB;
	[sflag:s25] =	ssyncadd.s32 $0xFFFFE000  }
0x1b9: {  	[spmem:s2] =	stream.indirect.scatter.add.f32 [tilespmem:s9], [sflag:$0xB], $0x40, s14, s29, $0xb8;
	[tilespmem:$0x1CA80] =	vst v63  }
0x1ba: {  	_ =	swait.ge @p1 [sflag:s6], $0x2000  }
0x1bb: {  	[sflag:s6] =	ssyncset.done @p1 $0x0  }
0x1bc: {  	[sflag:s6] =	ssyncadd.s32 @p1 $0xFFFFE000  }
0x1bd: {  	_ =	swait.ge @p1 [sflag:s6], $0x2000  }
0x1be: {  	[sflag:s6] =	ssyncset.done @p1 $0x0  }
0x1bf: {  	[sflag:s6] =	ssyncadd.s32 @p1 $0xFFFFE000  }
0x1c0: {  	_ =	swait.ge @p1 [sflag:s6], $0x2000  }
0x1c1: {  	[sflag:s6] =	ssyncset.done @p1 $0x0  }
0x1c2: {  	[sflag:s6] =	ssyncadd.s32 @p1 $0xFFFFE000  }
0x1c3: {  	_ =	swait.ge @p1 [sflag:s6], $0x2000  }
0x1c4: {  	[sflag:s6] =	ssyncset.done @p1 $0x0  }
0x1c5: {  	[sflag:s6] =	ssyncadd.s32 @p1 $0xFFFFE000  }
0x1c6: {  	_ =	swait.ge @p1 [sflag:s6], $0x2000  }
0x1c7: {  	[sflag:s6] =	ssyncset.done @p1 $0x0  }
0x1c8: {  	[sflag:s6] =	ssyncadd.s32 @p1 $0xFFFFE000;
	s6 =	simm.s32 @!p1 $0x5200  }
0x1c9: {  	[spmem:s4] =	stream.indirect.scatter.add.f32 @!p1 [tilespmem:s1], [sflag:$0xC], $0x10, s6, s0, $0xb8;
	[tilespmem:$0x1CA80] =	vst v63  }
0x1ca: {  	s0 =	simm.s32 @!p1 $0xB  }
0x1cb: {  	_ =	swait.ge @!p1 [sflag:s0], $0x2000  }
0x1cc: {  	[sflag:s0] =	ssyncset.done @!p1 $0x0  }
0x1cd: {  	s1 =	simm.s32 @!p1 $0xC;
	[sflag:s0] =	ssyncadd.s32 @!p1 $0xFFFFE000  }
0x1ce: {  	_ =	swait.ge @!p1 [sflag:s1], $0x800  }
0x1cf: {  	[sflag:s1] =	ssyncset.done @!p1 $0x0  }
0x1d0: {  	[sflag:s1] =	ssyncadd.s32 @!p1 $0xFFFFF800  }
0x1d1: {  	_ =	swait.ge @!p1 [sflag:s0], $0x2000  }
0x1d2: {  	[sflag:s0] =	ssyncset.done @!p1 $0x0  }
0x1d3: {  	[sflag:s0] =	ssyncadd.s32 @!p1 $0xFFFFE000  }
0x1d4: {  	_ =	swait.ge @!p1 [sflag:s1], $0x800  }
0x1d5: {  	[sflag:s1] =	ssyncset.done @!p1 $0x0  }
0x1d6: {  	[sflag:s1] =	ssyncadd.s32 @!p1 $0xFFFFF800  }
0x1d7: {  	_ =	swait.ge @!p1 [sflag:s0], $0x2000  }
0x1d8: {  	[sflag:s0] =	ssyncset.done @!p1 $0x0  }
0x1d9: {  	[sflag:s0] =	ssyncadd.s32 @!p1 $0xFFFFE000  }
0x1da: {  	_ =	swait.ge @!p1 [sflag:s1], $0x800  }
0x1db: {  	[sflag:s1] =	ssyncset.done @!p1 $0x0  }
0x1dc: {  	[sflag:s1] =	ssyncadd.s32 @!p1 $0xFFFFF800  }
0x1dd: {  	_ =	swait.ge @!p1 [sflag:s0], $0x2000  }
0x1de: {  	[sflag:s0] =	ssyncset.done @!p1 $0x0  }
0x1df: {  	[sflag:s0] =	ssyncadd.s32 @!p1 $0xFFFFE000  }
0x1e0: {  	_ =	swait.ge @!p1 [sflag:s1], $0x800  }
0x1e1: {  	[sflag:s1] =	ssyncset.done @!p1 $0x0  }
0x1e2: {  	[sflag:s1] =	ssyncadd.s32 @!p1 $0xFFFFF800  }
0x1e3: {  	_ =	swait.ge @!p1 [sflag:s0], $0x2000  }
0x1e4: {  	[sflag:s0] =	ssyncset.done @!p1 $0x0  }
0x1e5: {  	[sflag:s0] =	ssyncadd.s32 @!p1 $0xFFFFE000  }
0x1e6: {  	_ =	swait.ge @!p1 [sflag:s1], $0x800  }
0x1e7: {  	[sflag:s1] =	ssyncset.done @!p1 $0x0  }
0x1e8: {  	[sflag:s1] =	ssyncadd.s32 @!p1 $0xFFFFF800  }
0x1e9: {  	[bflag:$0x0] =	sbarrier.arrive $0xFFFF  }
0x1ea: {  	s1 =	rddreg [dreg:$0x15]  }
0x1eb: {  	s0 =	simm.s32 @p0 $0x1FCD;
	s6 =	rddreg [dreg:$0x19]  }
0x1ec: {  	[hbm:s1], [sflag:s0] =	dma.local @p0 [spmem:s6], $0xC80  }
0x1ed: {  	s1 =	simm.s32 @p0 $0xD  }
0x1ee: {  	_ =	swait.ge @p0 [sflag:s1], $0xC80  }
0x1ef: {  	[sflag:s1] =	ssyncset.done @p0 $0x0;
	s6 =	rddreg [dreg:$0x1a]  }
0x1f0: {  	[sflag:s1] =	ssyncadd.s32 @p0 $0xFFFFF380;
	s1 =	rddreg [dreg:$0x16]  }
0x1f1: {  	[hbm:s1], [sflag:s0] =	dma.local @!p2 [spmem:s6], $0x320  }
0x1f2: {  	s0 =	simm.s32 @!p2 $0xD  }
0x1f3: {  	_ =	swait.ge @!p2 [sflag:s0], $0x320  }
0x1f4: {  	s1 =	stileid.u32;
	s17 =	rddreg [dreg:$0x9]  }
0x1f5: {  	s1 =	sshll.u32 @!p0 s1, $0x6;
	[sflag:s0] =	ssyncset.done @!p2 $0x0;
	s6 =	rddreg [dreg:$0x12]  }
0x1f6: {  	[sflag:s0] =	ssyncadd.s32 @!p2 $0xFFFFFCE0;
	s0 =	sor.u32 @!p0 $0x1C0D, s1;
	s1 =	sshrl.u32 @!p0 s17, $0x3  }
0x1f7: {  	[hbm:s6], [sflag:s0] =	dma.local @!p0 [spmem:s1], $0x1400  }
0x1f8: {  	s1 =	simm.s32 @!p0 $0xD  }
0x1f9: {  	_ =	swait.ge @!p0 [sflag:s1], $0x1400  }
0x1fa: {  	[sflag:s1] =	ssyncset.done @!p0 $0x0;
	s18 =	rddreg [dreg:$0xa]  }
0x1fb: {  	s6 =	rddreg [dreg:$0x14];
	[sflag:s1] =	ssyncadd.s32 @!p0 $0xFFFFEC00;
	s1 =	sshrl.u32 @!p3 s18, $0x3  }
0x1fc: {  	[hbm:s6], [sflag:s0] =	dma.local @!p3 [spmem:s1], $0x500  }
0x1fd: {  	s0 =	simm.s32 @!p3 $0xD  }
0x1fe: {  	_ =	swait.ge @!p3 [sflag:s0], $0x500  }
0x1ff: {  	s26 =	rddreg [dreg:$0x1b]  }
0x200: {  	s30 =	rddreg [dreg:$0x17];
	s6 =	sadd.s32 $0x1, s26  }
0x201: {  	p4 =	sne.s32 s6, s30  }
.Ltmp3:
0x202: {  	_ = 	snop;
	(pc) =	sbr.rel @p4 .LBB2_1-.Ltmp3, $4  }
0x203: {  	s28 =	simm.s32 $0xD280;
	s21 =	simm.s32 $0x5200  }
0x204: {  	s22 =	simm.s32 $0x9280;
	s13 =	simm.s32 $0x8;
	s15 =	simm.s32 $0x6  }
0x205: {  	s12 =	simm.s32 $0x1;
	s8 =	simm.s32 $0xD;
	[sflag:s0] =	ssyncset.done @!p3 $0x0  }
0x206: {  	s24 =	simm.s32 $0x5100;
	s14 =	simm.s32 $0x3;
	[sflag:s0] =	ssyncadd.s32 @!p3 $0xFFFFFB00  }
0x207: {  	_ =	sfence.sel $0x180000  }
0x208: {  	[bflag:$0x0] =	sbarrier.arrive $0xFFFF  }
0x209: {  	_ =	strace $0x90000047  }
0x20a: {  	s0 =	stileid.u32;
	[bflag:$0x2] =	sbarrier.arrive $0xFFFF  }
0x20b: {  	p0 =	sne.s32 s0, $0x0;
	s0 =	rddreg [dreg:$0x3]  }
0x20c: {  	s0 =	sadd.s32 @!p0 $0x100000, s0  }
0x20d: {  	[sflag:s0] =	ssyncadd.tile.s32 @!p0 $0x1;
	_ =	shalt  }
.Lfunc_end2:
_tile_overlayer_lowered:
.L_overlay_start_2:
0x20e: {  	(tag) =	ssettag $0x2  }
0x20f: {  	s0 =	rddreg [dreg:$0x0];
	s2 =	stileid.u32  }
0x210: {  	s1 =	rddreg [dreg:$0x1];
	p0 =	sne.s32 s2, $0x0  }
0x211: {  	s3 =	rddreg [dreg:$0x2];
	[bflag:$0x3] =	sbarrier.arrive $0xFFFF;
	s2 =	simm.s32 @!p0 $0x1C0D  }
0x212: {  	[timem:s3], [sflag:s2] =	dma.local @!p0 [hbm:s0], s1  }
0x213: {  	s0 =	simm.s32 @!p0 $0xD  }
0x214: {  	_ =	swait.ge @!p0 [sflag:s0], s1  }
0x215: {  	s1 =	ssub.s32 @!p0 $0x0, s1;
	[sflag:s0] =	ssyncset.done @!p0 $0x0  }
0x216: {  	[sflag:s0] =	ssyncadd.s32 @!p0 s1  }
0x217: {  	[bflag:$0x3] =	sbarrier.arrive $0xFFFF  }
0x218: {  	_ =	shalt  }

</sc_bundles>
